<compile_context>
chip_gen: v7x
topology: tpu7x:2x2x1
jax: 0.10.2.dev20260603
libtpu: 0.0.44.dev20260713+nightly
codegen_flags: <defaults>
</compile_context>

<pallas_src>
import functools

import jax
import jax.numpy as jnp
from jax import lax
from jax.experimental import pallas as pl
from jax.experimental.pallas import tpu as pltpu
from jax.experimental.pallas import tpu_sc as plsc

NC = 2
NS = 16
NW = NC * NS
CHUNK = 64


@functools.partial(jax.jit, static_argnames=())
def _sc_scatter(msg, row, col, zeros_tile):
    N, D = msg.shape
    E = row.shape[0]
    n_chunks = E // CHUNK
    n_pad = -(-N // (NS * 8)) * (NS * 8)
    rpt = n_pad // NS

    mesh = plsc.VectorSubcoreMesh(core_axis_name="c", subcore_axis_name="s")

    NB = 5
    NR = 6
    NQ = 5
    NU = 30

    @functools.partial(
        pl.kernel,
        out_type=jax.ShapeDtypeStruct((NC, n_pad, D), jnp.float32),
        mesh=mesh,
        scratch_types=(
            [pltpu.VMEM((CHUNK,), jnp.int32) for _ in range(NR)]
            + [pltpu.VMEM((CHUNK,), jnp.int32) for _ in range(NQ)]
            + [pltpu.VMEM((CHUNK, D), jnp.float32) for _ in range(NB)]
            + [pltpu.VMEM_SHARED((n_pad, D), jnp.float32)]
            + [pltpu.SemaphoreType.DMA] * (NR + NQ + NB + NB)
        ),
    )
    def k(msg_hbm, row_hbm, col_hbm, z_hbm, out_hbm, *scr):
        row_vs = scr[:NR]
        col_vs = scr[NR:NR + NQ]
        rows_vs = scr[NR + NQ:NR + NQ + NB]
        agg_sh = scr[NR + NQ + NB]
        sems = scr[NR + NQ + NB + 1:]
        rsems = sems[:NR]
        csems = sems[NR:NR + NQ]
        gsems = sems[NR + NQ:NR + NQ + NB]
        ssems = sems[NR + NQ + NB:]

        cid = lax.axis_index("c")
        sid = lax.axis_index("s")
        wid = sid * NC + cid
        n_mine = (n_chunks - wid + NW - 1) // NW

        def idx_start(i, r, q):
            base = (wid + i * NW) * CHUNK
            pltpu.async_copy(row_hbm.at[pl.ds(base, CHUNK)], row_vs[r], rsems[r])
            pltpu.async_copy(col_hbm.at[pl.ds(base, CHUNK)], col_vs[q], csems[q])

        def idx_wait(r, q):
            pltpu.make_async_copy(row_hbm.at[pl.ds(0, CHUNK)], row_vs[r], rsems[r]).wait()
            pltpu.make_async_copy(col_hbm.at[pl.ds(0, CHUNK)], col_vs[q], csems[q]).wait()

        def gather_start(b, q):
            pltpu.async_copy(msg_hbm.at[col_vs[q]], rows_vs[b], gsems[b])

        def gather_wait(b):
            pltpu.make_async_copy(msg_hbm.at[col_vs[0]], rows_vs[b], gsems[b]).wait()

        def scatter_start(b, r):
            pltpu.async_copy(rows_vs[b], agg_sh.at[row_vs[r]], ssems[b], add=True)

        def scatter_wait(b):
            pltpu.make_async_copy(rows_vs[b], agg_sh.at[row_vs[0]], ssems[b]).wait()

        for j in range(4):
            idx_start(j, j, j)
        tile_rows = pl.ds(sid * rpt, rpt)
        pltpu.sync_copy(z_hbm, agg_sh.at[tile_rows])
        plsc.subcore_barrier()
        for j in range(3):
            idx_wait(j, j)
            gather_start(j, j)

        @pl.loop(0, (n_chunks // NW + NU) // NU)
        def _(t):
            for u in range(NU):
                v = t * NU + u

                @pl.when((v >= 2) & (v < n_mine))
                def _():
                    scatter_wait((u + 3) % NB)

                @pl.when(v + 4 < n_mine)
                def _():
                    idx_start(v + 4, (u + 4) % NR, (u + 4) % NQ)

                @pl.when(v + 3 < n_mine)
                def _():
                    idx_wait((u + 3) % NR, (u + 3) % NQ)
                    gather_start((u + 3) % NB, (u + 3) % NQ)

                @pl.when(v < n_mine)
                def _():
                    gather_wait(u % NB)
                    scatter_start(u % NB, u % NR)

        m2 = (n_mine - 2) % NB
        m1 = (n_mine - 1) % NB
        for b in range(NB):
            @pl.when((m2 == b) | (m1 == b))
            def _():
                scatter_wait(b)

        plsc.subcore_barrier()

        pltpu.sync_copy(agg_sh.at[tile_rows], out_hbm.at[cid, tile_rows])

    return k(msg, row, col, zeros_tile)


BLK = 5000


def _mlp_block(h, w1, b1, w2, b2):
    t = jnp.maximum(jnp.dot(h, w1, preferred_element_type=jnp.float32) + b1, 0.0)
    return jnp.dot(t, w2, preferred_element_type=jnp.float32) + b2


def _msg0_body(x_ref, w1, b1, w2, b2, o_ref):
    o_ref[...] = _mlp_block(x_ref[...], w1[...], b1[...], w2[...], b2[...])


def _update_msg_body(x_ref, agg_ref, w10, b10, w20, b20,
                     w11, b11, w21, b21, h_ref, m_ref):
    s = x_ref[...] + agg_ref[0] + agg_ref[1]
    h = _mlp_block(s, w10[...], b10[...], w20[...], b20[...])
    h_ref[...] = h
    m_ref[...] = _mlp_block(h, w11[...], b11[...], w21[...], b21[...])


def _update_final_body(h_ref, agg_ref, w1, b1, w2, b2, wf, bf, o_ref):
    s = h_ref[...] + agg_ref[0] + agg_ref[1]
    h2 = _mlp_block(s, w1[...], b1[...], w2[...], b2[...])
    o_ref[...] = jnp.dot(h2, wf[...], preferred_element_type=jnp.float32) + bf[...]


def _row_spec(D):
    return pl.BlockSpec((BLK, D), lambda i: (i, 0))


def _full_spec(shape):
    return pl.BlockSpec(shape, lambda i: tuple(0 for _ in shape))


def _agg_spec(D):
    return pl.BlockSpec((NC, BLK, D), lambda i: (0, i, 0))


def kernel(x, edge_index, W1_0, b1_0, W2_0, b2_0, W1_1, b1_1, W2_1, b2_1, Wf, bf):
    N, D = x.shape
    grid = (N // BLK,)
    wspec = _full_spec((D, D))
    bspec = _full_spec((1, D))
    b1_0r, b2_0r = b1_0.reshape(1, D), b2_0.reshape(1, D)
    b1_1r, b2_1r = b1_1.reshape(1, D), b2_1.reshape(1, D)
    bfr = bf.reshape(1, D)
    row = edge_index[0]
    col = edge_index[1]
    n_pad = -(-N // (NS * 8)) * (NS * 8)
    zeros_tile = jnp.zeros((n_pad // NS, D), jnp.float32)

    m0 = pl.pallas_call(
        _msg0_body,
        grid=grid,
        in_specs=[_row_spec(D), wspec, bspec, wspec, bspec],
        out_specs=_row_spec(D),
        out_shape=jax.ShapeDtypeStruct((N, D), jnp.float32),
    )(x, W1_0, b1_0r, W2_0, b2_0r)

    aggs0 = _sc_scatter(m0, row, col, zeros_tile)

    h, m1 = pl.pallas_call(
        _update_msg_body,
        grid=grid,
        in_specs=[_row_spec(D), _agg_spec(D),
                  wspec, bspec, wspec, bspec,
                  wspec, bspec, wspec, bspec],
        out_specs=[_row_spec(D), _row_spec(D)],
        out_shape=[jax.ShapeDtypeStruct((N, D), jnp.float32),
                   jax.ShapeDtypeStruct((N, D), jnp.float32)],
    )(x, aggs0, W1_0, b1_0r, W2_0, b2_0r, W1_1, b1_1r, W2_1, b2_1r)

    aggs1 = _sc_scatter(m1, row, col, zeros_tile)

    out = pl.pallas_call(
        _update_final_body,
        grid=grid,
        in_specs=[_row_spec(D), _agg_spec(D),
                  wspec, bspec, wspec, bspec, wspec, bspec],
        out_specs=_row_spec(D),
        out_shape=jax.ShapeDtypeStruct((N, D), jnp.float32),
    )(h, aggs1, W1_1, b1_1r, W2_1, b2_1r, Wf, bfr)

    return out

# --- scband reference (transcript-rebuilt; emitter-appended) ---
"""Pipeline reference for scband-gin-79688823210542 (READ-ONLY COPY).

The authoritative reference and input builder live on the scoring server;
editing this copy changes nothing except your own understanding.
"""

import jax, jax.numpy as jnp
import numpy as np

N = 10000
E = 320000
D_IN = 128
D_HID = 128
D_OUT = 128
NUM_LAYERS = 2


def setup_inputs(seed: int = 0) -> dict:
    key = jax.random.key(seed)
    ks = jax.random.split(key, 16)
    x = jax.random.normal(ks[0], (N, D_IN), dtype=jnp.float32)
    edge_index = jax.random.randint(ks[1], (2, E), 0, N, dtype=jnp.int32)
    s_in = 1.0 / np.sqrt(D_IN)
    s_hid = 1.0 / np.sqrt(D_HID)
    inp = {"x": x, "edge_index": edge_index}
    # layer 0 MLP
    inp["W1_0"] = jax.random.normal(ks[2], (D_IN, D_HID), dtype=jnp.float32) * s_in
    inp["b1_0"] = jnp.zeros((D_HID,), dtype=jnp.float32)
    inp["W2_0"] = jax.random.normal(ks[3], (D_HID, D_HID), dtype=jnp.float32) * s_hid
    inp["b2_0"] = jnp.zeros((D_HID,), dtype=jnp.float32)
    # layer 1 MLP
    inp["W1_1"] = jax.random.normal(ks[4], (D_HID, D_HID), dtype=jnp.float32) * s_hid
    inp["b1_1"] = jnp.zeros((D_HID,), dtype=jnp.float32)
    inp["W2_1"] = jax.random.normal(ks[5], (D_HID, D_HID), dtype=jnp.float32) * s_hid
    inp["b2_1"] = jnp.zeros((D_HID,), dtype=jnp.float32)
    # final linear
    inp["Wf"] = jax.random.normal(ks[6], (D_HID, D_OUT), dtype=jnp.float32) * s_hid
    inp["bf"] = jnp.zeros((D_OUT,), dtype=jnp.float32)
    return inp


def _mlp(h, W1, b1, W2, b2):
    return jnp.maximum(h @ W1 + b1, 0.0) @ W2 + b2


def _gin_layer(x, edge_index, W1, b1, W2, b2):
    row = edge_index[0]
    col = edge_index[1]
    # message = MLP applied to gathered source features
    msg = _mlp(x[col], W1, b1, W2, b2)
    # scatter-add messages into destination (row) node slots
    agg = jnp.zeros((x.shape[0], msg.shape[1]), dtype=x.dtype).at[row].add(msg)
    # GIN update: same MLP applied to (x + aggregated)
    return _mlp(x + agg, W1, b1, W2, b2)


def reference(x, edge_index, W1_0, b1_0, W2_0, b2_0, W1_1, b1_1, W2_1, b2_1, Wf, bf):
    h = _gin_layer(x, edge_index, W1_0, b1_0, W2_0, b2_0)
    h = _gin_layer(h, edge_index, W1_1, b1_1, W2_1, b2_1)
    out = h @ Wf + bf
    return out

if __name__ == "__main__":
    import jax
    _d = setup_inputs()
    print(jax.jit(kernel)(*tuple(_d.values())))

</pallas_src>

<mosaic_0001>
#map = affine_map<(d0, d1) -> (0, 0)>
#map1 = affine_map<(d0, d1) -> (0)>
#map2 = affine_map<(d0, d1) -> (0, 0, 0)>
module attributes {stable_mosaic.version = 14 : i64} {
  func.func @k(%arg0: i32, %arg1: i32, %arg2: memref<10000x128xf32, #tpu.memory_space<hbm>>, %arg3: memref<320000xi32, #tpu.memory_space<hbm>>, %arg4: memref<320000xi32, #tpu.memory_space<hbm>>, %arg5: memref<632x128xf32, #tpu.memory_space<hbm>>, %arg6: memref<2x10112x128xf32, #tpu.memory_space<hbm>>, %arg7: memref<64xi32, #tpu.memory_space<vmem>>, %arg8: memref<64xi32, #tpu.memory_space<vmem>>, %arg9: memref<64xi32, #tpu.memory_space<vmem>>, %arg10: memref<64xi32, #tpu.memory_space<vmem>>, %arg11: memref<64xi32, #tpu.memory_space<vmem>>, %arg12: memref<64xi32, #tpu.memory_space<vmem>>, %arg13: memref<64xi32, #tpu.memory_space<vmem>>, %arg14: memref<64xi32, #tpu.memory_space<vmem>>, %arg15: memref<64xi32, #tpu.memory_space<vmem>>, %arg16: memref<64xi32, #tpu.memory_space<vmem>>, %arg17: memref<64xi32, #tpu.memory_space<vmem>>, %arg18: memref<64x128xf32, #tpu.memory_space<vmem>>, %arg19: memref<64x128xf32, #tpu.memory_space<vmem>>, %arg20: memref<64x128xf32, #tpu.memory_space<vmem>>, %arg21: memref<64x128xf32, #tpu.memory_space<vmem>>, %arg22: memref<64x128xf32, #tpu.memory_space<vmem>>, %arg23: memref<10112x128xf32, #tpu.memory_space<vmem_shared>>, %arg24: memref<!tpu.dma_semaphore, #tpu.memory_space<semaphore_mem>>, %arg25: memref<!tpu.dma_semaphore, #tpu.memory_space<semaphore_mem>>, %arg26: memref<!tpu.dma_semaphore, #tpu.memory_space<semaphore_mem>>, %arg27: memref<!tpu.dma_semaphore, #tpu.memory_space<semaphore_mem>>, %arg28: memref<!tpu.dma_semaphore, #tpu.memory_space<semaphore_mem>>, %arg29: memref<!tpu.dma_semaphore, #tpu.memory_space<semaphore_mem>>, %arg30: memref<!tpu.dma_semaphore, #tpu.memory_space<semaphore_mem>>, %arg31: memref<!tpu.dma_semaphore, #tpu.memory_space<semaphore_mem>>, %arg32: memref<!tpu.dma_semaphore, #tpu.memory_space<semaphore_mem>>, %arg33: memref<!tpu.dma_semaphore, #tpu.memory_space<semaphore_mem>>, %arg34: memref<!tpu.dma_semaphore, #tpu.memory_space<semaphore_mem>>, %arg35: memref<!tpu.dma_semaphore, #tpu.memory_space<semaphore_mem>>, %arg36: memref<!tpu.dma_semaphore, #tpu.memory_space<semaphore_mem>>, %arg37: memref<!tpu.dma_semaphore, #tpu.memory_space<semaphore_mem>>, %arg38: memref<!tpu.dma_semaphore, #tpu.memory_space<semaphore_mem>>, %arg39: memref<!tpu.dma_semaphore, #tpu.memory_space<semaphore_mem>>, %arg40: memref<!tpu.dma_semaphore, #tpu.memory_space<semaphore_mem>>, %arg41: memref<!tpu.dma_semaphore, #tpu.memory_space<semaphore_mem>>, %arg42: memref<!tpu.dma_semaphore, #tpu.memory_space<semaphore_mem>>, %arg43: memref<!tpu.dma_semaphore, #tpu.memory_space<semaphore_mem>>, %arg44: memref<!tpu.dma_semaphore, #tpu.memory_space<semaphore_mem>>) attributes {dimension_semantics = [#tpu.dimension_semantics<core_parallel>, #tpu.dimension_semantics<subcore_parallel>], iteration_bounds = array<i64: 2, 16>, scalar_prefetch = 0 : i64, scratch_operands = 38 : i64, tpu.core_type = #tpu.core_type<sc_vector_subcore>, window_params = [{transform_indices = #map}, {transform_indices = #map1}, {transform_indices = #map1}, {transform_indices = #map}, {transform_indices = #map2}]} {
    %mul3A = arith.constant 2 : i32
    %mul3A_0 = arith.muli %arg1, %mul3A : i32
    %add3A = arith.addi %mul3A_0, %arg0 : i32
    %sub3A = arith.constant 5000 : i32
    %sub3A_1 = arith.subi %sub3A, %add3A : i32
    %add3A_2 = arith.constant 32 : i32
    %add3A_3 = arith.addi %sub3A_1, %add3A_2 : i32
    %sub3A_4 = arith.constant 1 : i32
    %sub3A_5 = arith.subi %add3A_3, %sub3A_4 : i32
    %jit3A = arith.constant 32 : i32
    %div3A = arith.divsi %sub3A_5, %jit3A : i32
    %sign3A = arith.constant 0 : i32
    %sign3A_6 = arith.cmpi sgt, %sub3A_5, %sign3A : i32
    %sign3A_7 = arith.extui %sign3A_6 : i1 to i32
    %sign3A_8 = arith.constant 0 : i32
    %sign3A_9 = arith.cmpi slt, %sub3A_5, %sign3A_8 : i32
    %sign3A_10 = arith.extui %sign3A_9 : i1 to i32
    %sign3A_11 = arith.subi %sign3A_7, %sign3A_10 : i32
    %sign3A_12 = arith.constant 0 : i32
    %sign3A_13 = arith.cmpi sgt, %jit3A, %sign3A_12 : i32
    %sign3A_14 = arith.extui %sign3A_13 : i1 to i32
    %sign3A_15 = arith.constant 0 : i32
    %sign3A_16 = arith.cmpi slt, %jit3A, %sign3A_15 : i32
    %sign3A_17 = arith.extui %sign3A_16 : i1 to i32
    %sign3A_18 = arith.subi %sign3A_14, %sign3A_17 : i32
    %ne3A = arith.cmpi ne, %sign3A_11, %sign3A_18 : i32
    %rem3A = arith.remsi %sub3A_5, %jit3A : i32
    %ne3A_19 = arith.constant 0 : i32
    %ne3A_20 = arith.cmpi ne, %rem3A, %ne3A_19 : i32
    %and3A = arith.andi %ne3A, %ne3A_20 : i1
    %sub3A_21 = arith.constant 1 : i32
    %sub3A_22 = arith.subi %div3A, %sub3A_21 : i32
    %select_n3A = arith.select %and3A, %sub3A_22, %div3A : i32
    %add3A_23 = arith.constant 0 : i32
    %add3A_24 = arith.addi %add3A, %add3A_23 : i32
    %mul3A_25 = arith.constant 64 : i32
    %mul3A_26 = arith.muli %add3A_24, %mul3A_25 : i32
    %dma_start3A = tpu.memref_slice %arg3[%mul3A_26] : memref<320000xi32, #tpu.memory_space<hbm>> -> memref<64xi32, #tpu.memory_space<hbm>>
    %dma_start3A_27 = tpu.memref_slice %arg3[%mul3A_26] : memref<320000xi32, #tpu.memory_space<hbm>> -> memref<64xi32, #tpu.memory_space<hbm>>
    tpu.enqueue_dma source(%dma_start3A_27 : memref<64xi32, #tpu.memory_space<hbm>>) target(%arg7 : memref<64xi32, #tpu.memory_space<vmem>>) target_semaphore(%arg24 : memref<!tpu.dma_semaphore, #tpu.memory_space<semaphore_mem>>)
    %dma_start3A_28 = tpu.memref_slice %arg4[%mul3A_26] : memref<320000xi32, #tpu.memory_space<hbm>> -> memref<64xi32, #tpu.memory_space<hbm>>
    %dma_start3A_29 = tpu.memref_slice %arg4[%mul3A_26] : memref<320000xi32, #tpu.memory_space<hbm>> -> memref<64xi32, #tpu.memory_space<hbm>>
    tpu.enqueue_dma source(%dma_start3A_29 : memref<64xi32, #tpu.memory_space<hbm>>) target(%arg13 : memref<64xi32, #tpu.memory_space<vmem>>) target_semaphore(%arg30 : memref<!tpu.dma_semaphore, #tpu.memory_space<semaphore_mem>>)
    %add3A_30 = arith.constant 32 : i32
    %add3A_31 = arith.addi %add3A, %add3A_30 : i32
    %mul3A_32 = arith.constant 64 : i32
    %mul3A_33 = arith.muli %add3A_31, %mul3A_32 : i32
    %dma_start3A_34 = tpu.memref_slice %arg3[%mul3A_33] : memref<320000xi32, #tpu.memory_space<hbm>> -> memref<64xi32, #tpu.memory_space<hbm>>
    %dma_start3A_35 = tpu.memref_slice %arg3[%mul3A_33] : memref<320000xi32, #tpu.memory_space<hbm>> -> memref<64xi32, #tpu.memory_space<hbm>>
    tpu.enqueue_dma source(%dma_start3A_35 : memref<64xi32, #tpu.memory_space<hbm>>) target(%arg8 : memref<64xi32, #tpu.memory_space<vmem>>) target_semaphore(%arg25 : memref<!tpu.dma_semaphore, #tpu.memory_space<semaphore_mem>>)
    %dma_start3A_36 = tpu.memref_slice %arg4[%mul3A_33] : memref<320000xi32, #tpu.memory_space<hbm>> -> memref<64xi32, #tpu.memory_space<hbm>>
    %dma_start3A_37 = tpu.memref_slice %arg4[%mul3A_33] : memref<320000xi32, #tpu.memory_space<hbm>> -> memref<64xi32, #tpu.memory_space<hbm>>
    tpu.enqueue_dma source(%dma_start3A_37 : memref<64xi32, #tpu.memory_space<hbm>>) target(%arg14 : memref<64xi32, #tpu.memory_space<vmem>>) target_semaphore(%arg31 : memref<!tpu.dma_semaphore, #tpu.memory_space<semaphore_mem>>)
    %add3A_38 = arith.constant 64 : i32
    %add3A_39 = arith.addi %add3A, %add3A_38 : i32
    %mul3A_40 = arith.constant 64 : i32
    %mul3A_41 = arith.muli %add3A_39, %mul3A_40 : i32
    %dma_start3A_42 = tpu.memref_slice %arg3[%mul3A_41] : memref<320000xi32, #tpu.memory_space<hbm>> -> memref<64xi32, #tpu.memory_space<hbm>>
    %dma_start3A_43 = tpu.memref_slice %arg3[%mul3A_41] : memref<320000xi32, #tpu.memory_space<hbm>> -> memref<64xi32, #tpu.memory_space<hbm>>
    tpu.enqueue_dma source(%dma_start3A_43 : memref<64xi32, #tpu.memory_space<hbm>>) target(%arg9 : memref<64xi32, #tpu.memory_space<vmem>>) target_semaphore(%arg26 : memref<!tpu.dma_semaphore, #tpu.memory_space<semaphore_mem>>)
    %dma_start3A_44 = tpu.memref_slice %arg4[%mul3A_41] : memref<320000xi32, #tpu.memory_space<hbm>> -> memref<64xi32, #tpu.memory_space<hbm>>
    %dma_start3A_45 = tpu.memref_slice %arg4[%mul3A_41] : memref<320000xi32, #tpu.memory_space<hbm>> -> memref<64xi32, #tpu.memory_space<hbm>>
    tpu.enqueue_dma source(%dma_start3A_45 : memref<64xi32, #tpu.memory_space<hbm>>) target(%arg15 : memref<64xi32, #tpu.memory_space<vmem>>) target_semaphore(%arg32 : memref<!tpu.dma_semaphore, #tpu.memory_space<semaphore_mem>>)
    %add3A_46 = arith.constant 96 : i32
    %add3A_47 = arith.addi %add3A, %add3A_46 : i32
    %mul3A_48 = arith.constant 64 : i32
    %mul3A_49 = arith.muli %add3A_47, %mul3A_48 : i32
    %dma_start3A_50 = tpu.memref_slice %arg3[%mul3A_49] : memref<320000xi32, #tpu.memory_space<hbm>> -> memref<64xi32, #tpu.memory_space<hbm>>
    %dma_start3A_51 = tpu.memref_slice %arg3[%mul3A_49] : memref<320000xi32, #tpu.memory_space<hbm>> -> memref<64xi32, #tpu.memory_space<hbm>>
    tpu.enqueue_dma source(%dma_start3A_51 : memref<64xi32, #tpu.memory_space<hbm>>) target(%arg10 : memref<64xi32, #tpu.memory_space<vmem>>) target_semaphore(%arg27 : memref<!tpu.dma_semaphore, #tpu.memory_space<semaphore_mem>>)
    %dma_start3A_52 = tpu.memref_slice %arg4[%mul3A_49] : memref<320000xi32, #tpu.memory_space<hbm>> -> memref<64xi32, #tpu.memory_space<hbm>>
    %dma_start3A_53 = tpu.memref_slice %arg4[%mul3A_49] : memref<320000xi32, #tpu.memory_space<hbm>> -> memref<64xi32, #tpu.memory_space<hbm>>
    tpu.enqueue_dma source(%dma_start3A_53 : memref<64xi32, #tpu.memory_space<hbm>>) target(%arg16 : memref<64xi32, #tpu.memory_space<vmem>>) target_semaphore(%arg33 : memref<!tpu.dma_semaphore, #tpu.memory_space<semaphore_mem>>)
    %mul3A_54 = arith.constant 632 : i32
    %mul3A_55 = arith.muli %arg1, %mul3A_54 : i32
    "tpu.region"() ({
      %run_scoped3A = tpu.sem_alloc : memref<!tpu.dma_semaphore, #tpu.memory_space<semaphore_mem>>
      %dma_start3A_164 = arith.constant 0 : i32
      %dma_start3A_165 = tpu.memref_slice %arg23[%mul3A_55, %dma_start3A_164] : memref<10112x128xf32, #tpu.memory_space<vmem_shared>> -> memref<632x128xf32, #tpu.memory_space<vmem_shared>>
      tpu.enqueue_dma source(%arg5 : memref<632x128xf32, #tpu.memory_space<hbm>>) target(%dma_start3A_165 : memref<632x128xf32, #tpu.memory_space<vmem_shared>>) target_semaphore(%run_scoped3A : memref<!tpu.dma_semaphore, #tpu.memory_space<semaphore_mem>>)
      %dma_wait3A_166 = arith.constant 0 : i32
      %dma_wait3A_167 = tpu.memref_slice %arg23[%mul3A_55, %dma_wait3A_166] : memref<10112x128xf32, #tpu.memory_space<vmem_shared>> -> memref<632x128xf32, #tpu.memory_space<vmem_shared>>
      tpu.wait_dma2 semaphore(%run_scoped3A : memref<!tpu.dma_semaphore, #tpu.memory_space<semaphore_mem>>) src(%arg5 : memref<632x128xf32, #tpu.memory_space<hbm>>) dst(%dma_wait3A_167 : memref<632x128xf32, #tpu.memory_space<vmem_shared>>)
      tpu.yield
    }) : () -> ()
    %barrier3A = arith.constant 0 : index
    tpu.barrier barrier_id(%barrier3A)
    %dma_wait3A = arith.constant 0 : i32
    %dma_wait3A_56 = tpu.memref_slice %arg3[%dma_wait3A] : memref<320000xi32, #tpu.memory_space<hbm>> -> memref<64xi32, #tpu.memory_space<hbm>>
    %dma_wait3A_57 = arith.constant 0 : i32
    %dma_wait3A_58 = tpu.memref_slice %arg3[%dma_wait3A_57] : memref<320000xi32, #tpu.memory_space<hbm>> -> memref<64xi32, #tpu.memory_space<hbm>>
    tpu.wait_dma2 semaphore(%arg24 : memref<!tpu.dma_semaphore, #tpu.memory_space<semaphore_mem>>) src(%dma_wait3A_58 : memref<64xi32, #tpu.memory_space<hbm>>) dst(%arg7 : memref<64xi32, #tpu.memory_space<vmem>>)
    %dma_wait3A_59 = arith.constant 0 : i32
    %dma_wait3A_60 = tpu.memref_slice %arg4[%dma_wait3A_59] : memref<320000xi32, #tpu.memory_space<hbm>> -> memref<64xi32, #tpu.memory_space<hbm>>
    %dma_wait3A_61 = arith.constant 0 : i32
    %dma_wait3A_62 = tpu.memref_slice %arg4[%dma_wait3A_61] : memref<320000xi32, #tpu.memory_space<hbm>> -> memref<64xi32, #tpu.memory_space<hbm>>
    tpu.wait_dma2 semaphore(%arg30 : memref<!tpu.dma_semaphore, #tpu.memory_space<semaphore_mem>>) src(%dma_wait3A_62 : memref<64xi32, #tpu.memory_space<hbm>>) dst(%arg13 : memref<64xi32, #tpu.memory_space<vmem>>)
    %dma_start3A_63 = arith.constant 0 : i32
    %dma_start3A_64 = arith.constant 0 : i32
    %dma_start3A_65 = tpu.memref_slice %arg2[%dma_start3A_63, %dma_start3A_64] : memref<10000x128xf32, #tpu.memory_space<hbm>> -> memref<10000x128xf32, #tpu.memory_space<hbm>>
    tpu.enqueue_indirect_dma source(%dma_start3A_65 : memref<10000x128xf32, #tpu.memory_space<hbm>>) target(%arg18 : memref<64x128xf32, #tpu.memory_space<vmem>>) offsets(%arg13 : memref<64xi32, #tpu.memory_space<vmem>>) semaphore(%arg35 : memref<!tpu.dma_semaphore, #tpu.memory_space<semaphore_mem>>)
    %dma_wait3A_66 = arith.constant 0 : i32
    %dma_wait3A_67 = tpu.memref_slice %arg3[%dma_wait3A_66] : memref<320000xi32, #tpu.memory_space<hbm>> -> memref<64xi32, #tpu.memory_space<hbm>>
    %dma_wait3A_68 = arith.constant 0 : i32
    %dma_wait3A_69 = tpu.memref_slice %arg3[%dma_wait3A_68] : memref<320000xi32, #tpu.memory_space<hbm>> -> memref<64xi32, #tpu.memory_space<hbm>>
    tpu.wait_dma2 semaphore(%arg25 : memref<!tpu.dma_semaphore, #tpu.memory_space<semaphore_mem>>) src(%dma_wait3A_69 : memref<64xi32, #tpu.memory_space<hbm>>) dst(%arg8 : memref<64xi32, #tpu.memory_space<vmem>>)
    %dma_wait3A_70 = arith.constant 0 : i32
    %dma_wait3A_71 = tpu.memref_slice %arg4[%dma_wait3A_70] : memref<320000xi32, #tpu.memory_space<hbm>> -> memref<64xi32, #tpu.memory_space<hbm>>
    %dma_wait3A_72 = arith.constant 0 : i32
    %dma_wait3A_73 = tpu.memref_slice %arg4[%dma_wait3A_72] : memref<320000xi32, #tpu.memory_space<hbm>> -> memref<64xi32, #tpu.memory_space<hbm>>
    tpu.wait_dma2 semaphore(%arg31 : memref<!tpu.dma_semaphore, #tpu.memory_space<semaphore_mem>>) src(%dma_wait3A_73 : memref<64xi32, #tpu.memory_space<hbm>>) dst(%arg14 : memref<64xi32, #tpu.memory_space<vmem>>)
    %dma_start3A_74 = arith.constant 0 : i32
    %dma_start3A_75 = arith.constant 0 : i32
    %dma_start3A_76 = tpu.memref_slice %arg2[%dma_start3A_74, %dma_start3A_75] : memref<10000x128xf32, #tpu.memory_space<hbm>> -> memref<10000x128xf32, #tpu.memory_space<hbm>>
    tpu.enqueue_indirect_dma source(%dma_start3A_76 : memref<10000x128xf32, #tpu.memory_space<hbm>>) target(%arg19 : memref<64x128xf32, #tpu.memory_space<vmem>>) offsets(%arg14 : memref<64xi32, #tpu.memory_space<vmem>>) semaphore(%arg36 : memref<!tpu.dma_semaphore, #tpu.memory_space<semaphore_mem>>)
    %dma_wait3A_77 = arith.constant 0 : i32
    %dma_wait3A_78 = tpu.memref_slice %arg3[%dma_wait3A_77] : memref<320000xi32, #tpu.memory_space<hbm>> -> memref<64xi32, #tpu.memory_space<hbm>>
    %dma_wait3A_79 = arith.constant 0 : i32
    %dma_wait3A_80 = tpu.memref_slice %arg3[%dma_wait3A_79] : memref<320000xi32, #tpu.memory_space<hbm>> -> memref<64xi32, #tpu.memory_space<hbm>>
    tpu.wait_dma2 semaphore(%arg26 : memref<!tpu.dma_semaphore, #tpu.memory_space<semaphore_mem>>) src(%dma_wait3A_80 : memref<64xi32, #tpu.memory_space<hbm>>) dst(%arg9 : memref<64xi32, #tpu.memory_space<vmem>>)
    %dma_wait3A_81 = arith.constant 0 : i32
    %dma_wait3A_82 = tpu.memref_slice %arg4[%dma_wait3A_81] : memref<320000xi32, #tpu.memory_space<hbm>> -> memref<64xi32, #tpu.memory_space<hbm>>
    %dma_wait3A_83 = arith.constant 0 : i32
    %dma_wait3A_84 = tpu.memref_slice %arg4[%dma_wait3A_83] : memref<320000xi32, #tpu.memory_space<hbm>> -> memref<64xi32, #tpu.memory_space<hbm>>
    tpu.wait_dma2 semaphore(%arg32 : memref<!tpu.dma_semaphore, #tpu.memory_space<semaphore_mem>>) src(%dma_wait3A_84 : memref<64xi32, #tpu.memory_space<hbm>>) dst(%arg15 : memref<64xi32, #tpu.memory_space<vmem>>)
    %dma_start3A_85 = arith.constant 0 : i32
    %dma_start3A_86 = arith.constant 0 : i32
    %dma_start3A_87 = tpu.memref_slice %arg2[%dma_start3A_85, %dma_start3A_86] : memref<10000x128xf32, #tpu.memory_space<hbm>> -> memref<10000x128xf32, #tpu.memory_space<hbm>>
    tpu.enqueue_indirect_dma source(%dma_start3A_87 : memref<10000x128xf32, #tpu.memory_space<hbm>>) target(%arg20 : memref<64x128xf32, #tpu.memory_space<vmem>>) offsets(%arg15 : memref<64xi32, #tpu.memory_space<vmem>>) semaphore(%arg37 : memref<!tpu.dma_semaphore, #tpu.memory_space<semaphore_mem>>)
    %scan3A = arith.constant 0 : i32
    %scan3A_88 = arith.constant 6 : i32
    %scan3A_89 = arith.addi %scan3A, %scan3A_88 : i32
    %scan3A_90 = arith.constant 1 : i32
    scf.for %scan3A_164 = %scan3A to %scan3A_89 step %scan3A_90  : i32 {
      %mul3A_165 = arith.constant 1 : i32
      %mul3A_166 = arith.muli %scan3A_164, %mul3A_165 : i32
      %add3A_167 = arith.constant 0 : i32
      %add3A_168 = arith.addi %add3A_167, %mul3A_166 : i32
      %mul3A_169 = arith.constant 30 : i32
      %mul3A_170 = arith.muli %add3A_168, %mul3A_169 : i32
      %add3A_171 = arith.constant 0 : i32
      %add3A_172 = arith.addi %mul3A_170, %add3A_171 : i32
      %ge3A = arith.constant 2 : i32
      %ge3A_173 = arith.cmpi sge, %add3A_172, %ge3A : i32
      %lt3A_174 = arith.cmpi slt, %add3A_172, %select_n3A : i32
      %and3A_175 = arith.andi %ge3A_173, %lt3A_174 : i1
      %convert_element_type3A_176 = arith.extui %and3A_175 : i1 to i32
      %cond3A_177 = arith.constant 0 : i32
      %cond3A_178 = arith.cmpi ne, %convert_element_type3A_176, %cond3A_177 : i32
      scf.if %cond3A_178 {
        %dma_wait3A_978 = arith.constant 0 : i32
        %dma_wait3A_979 = arith.constant 0 : i32
        %dma_wait3A_980 = tpu.memref_slice %arg23[%dma_wait3A_978, %dma_wait3A_979] : memref<10112x128xf32, #tpu.memory_space<vmem_shared>> -> memref<10112x128xf32, #tpu.memory_space<vmem_shared>>
        tpu.wait_indirect_dma semaphore(%arg43 : memref<!tpu.dma_semaphore, #tpu.memory_space<semaphore_mem>>) src(%arg21 : memref<64x128xf32, #tpu.memory_space<vmem>>) dst(%dma_wait3A_980 : memref<10112x128xf32, #tpu.memory_space<vmem_shared>>)
      } else {
      }
      %add3A_179 = arith.constant 4 : i32
      %add3A_180 = arith.addi %add3A_172, %add3A_179 : i32
      %lt3A_181 = arith.cmpi slt, %add3A_180, %select_n3A : i32
      %convert_element_type3A_182 = arith.extui %lt3A_181 : i1 to i32
      %cond3A_183 = arith.constant 0 : i32
      %cond3A_184 = arith.cmpi ne, %convert_element_type3A_182, %cond3A_183 : i32
      scf.if %cond3A_184 {
        %add3A_978 = arith.constant 4 : i32
        %add3A_979 = arith.addi %add3A_172, %add3A_978 : i32
        %mul3A_980 = arith.constant 32 : i32
        %mul3A_981 = arith.muli %add3A_979, %mul3A_980 : i32
        %add3A_982 = arith.addi %add3A, %mul3A_981 : i32
        %mul3A_983 = arith.constant 64 : i32
        %mul3A_984 = arith.muli %add3A_982, %mul3A_983 : i32
        %dma_start3A_985 = tpu.memref_slice %arg3[%mul3A_984] : memref<320000xi32, #tpu.memory_space<hbm>> -> memref<64xi32, #tpu.memory_space<hbm>>
        %dma_start3A_986 = tpu.memref_slice %arg3[%mul3A_984] : memref<320000xi32, #tpu.memory_space<hbm>> -> memref<64xi32, #tpu.memory_space<hbm>>
        tpu.enqueue_dma source(%dma_start3A_986 : memref<64xi32, #tpu.memory_space<hbm>>) target(%arg11 : memref<64xi32, #tpu.memory_space<vmem>>) target_semaphore(%arg28 : memref<!tpu.dma_semaphore, #tpu.memory_space<semaphore_mem>>)
        %dma_start3A_987 = tpu.memref_slice %arg4[%mul3A_984] : memref<320000xi32, #tpu.memory_space<hbm>> -> memref<64xi32, #tpu.memory_space<hbm>>
        %dma_start3A_988 = tpu.memref_slice %arg4[%mul3A_984] : memref<320000xi32, #tpu.memory_space<hbm>> -> memref<64xi32, #tpu.memory_space<hbm>>
        tpu.enqueue_dma source(%dma_start3A_988 : memref<64xi32, #tpu.memory_space<hbm>>) target(%arg17 : memref<64xi32, #tpu.memory_space<vmem>>) target_semaphore(%arg34 : memref<!tpu.dma_semaphore, #tpu.memory_space<semaphore_mem>>)
      } else {
      }
      %add3A_185 = arith.constant 3 : i32
      %add3A_186 = arith.addi %add3A_172, %add3A_185 : i32
      %lt3A_187 = arith.cmpi slt, %add3A_186, %select_n3A : i32
      %convert_element_type3A_188 = arith.extui %lt3A_187 : i1 to i32
      %cond3A_189 = arith.constant 0 : i32
      %cond3A_190 = arith.cmpi ne, %convert_element_type3A_188, %cond3A_189 : i32
      scf.if %cond3A_190 {
        %dma_wait3A_978 = arith.constant 0 : i32
        %dma_wait3A_979 = tpu.memref_slice %arg3[%dma_wait3A_978] : memref<320000xi32, #tpu.memory_space<hbm>> -> memref<64xi32, #tpu.memory_space<hbm>>
        %dma_wait3A_980 = arith.constant 0 : i32
        %dma_wait3A_981 = tpu.memref_slice %arg3[%dma_wait3A_980] : memref<320000xi32, #tpu.memory_space<hbm>> -> memref<64xi32, #tpu.memory_space<hbm>>
        tpu.wait_dma2 semaphore(%arg27 : memref<!tpu.dma_semaphore, #tpu.memory_space<semaphore_mem>>) src(%dma_wait3A_981 : memref<64xi32, #tpu.memory_space<hbm>>) dst(%arg10 : memref<64xi32, #tpu.memory_space<vmem>>)
        %dma_wait3A_982 = arith.constant 0 : i32
        %dma_wait3A_983 = tpu.memref_slice %arg4[%dma_wait3A_982] : memref<320000xi32, #tpu.memory_space<hbm>> -> memref<64xi32, #tpu.memory_space<hbm>>
        %dma_wait3A_984 = arith.constant 0 : i32
        %dma_wait3A_985 = tpu.memref_slice %arg4[%dma_wait3A_984] : memref<320000xi32, #tpu.memory_space<hbm>> -> memref<64xi32, #tpu.memory_space<hbm>>
        tpu.wait_dma2 semaphore(%arg33 : memref<!tpu.dma_semaphore, #tpu.memory_space<semaphore_mem>>) src(%dma_wait3A_985 : memref<64xi32, #tpu.memory_space<hbm>>) dst(%arg16 : memref<64xi32, #tpu.memory_space<vmem>>)
        %dma_start3A_986 = arith.constant 0 : i32
        %dma_start3A_987 = arith.constant 0 : i32
        %dma_start3A_988 = tpu.memref_slice %arg2[%dma_start3A_986, %dma_start3A_987] : memref<10000x128xf32, #tpu.memory_space<hbm>> -> memref<10000x128xf32, #tpu.memory_space<hbm>>
        tpu.enqueue_indirect_dma source(%dma_start3A_988 : memref<10000x128xf32, #tpu.memory_space<hbm>>) target(%arg21 : memref<64x128xf32, #tpu.memory_space<vmem>>) offsets(%arg16 : memref<64xi32, #tpu.memory_space<vmem>>) semaphore(%arg38 : memref<!tpu.dma_semaphore, #tpu.memory_space<semaphore_mem>>)
      } else {
      }
      %lt3A_191 = arith.cmpi slt, %add3A_172, %select_n3A : i32
      %convert_element_type3A_192 = arith.extui %lt3A_191 : i1 to i32
      %cond3A_193 = arith.constant 0 : i32
      %cond3A_194 = arith.cmpi ne, %convert_element_type3A_192, %cond3A_193 : i32
      scf.if %cond3A_194 {
        %dma_wait3A_978 = arith.constant 0 : i32
        %dma_wait3A_979 = arith.constant 0 : i32
        %dma_wait3A_980 = tpu.memref_slice %arg2[%dma_wait3A_978, %dma_wait3A_979] : memref<10000x128xf32, #tpu.memory_space<hbm>> -> memref<10000x128xf32, #tpu.memory_space<hbm>>
        tpu.wait_indirect_dma semaphore(%arg35 : memref<!tpu.dma_semaphore, #tpu.memory_space<semaphore_mem>>) src(%dma_wait3A_980 : memref<10000x128xf32, #tpu.memory_space<hbm>>) dst(%arg18 : memref<64x128xf32, #tpu.memory_space<vmem>>)
        %dma_start3A_981 = arith.constant 0 : i32
        %dma_start3A_982 = arith.constant 0 : i32
        %dma_start3A_983 = tpu.memref_slice %arg23[%dma_start3A_981, %dma_start3A_982] : memref<10112x128xf32, #tpu.memory_space<vmem_shared>> -> memref<10112x128xf32, #tpu.memory_space<vmem_shared>>
        tpu.enqueue_indirect_dma source(%arg18 : memref<64x128xf32, #tpu.memory_space<vmem>>) target(%dma_start3A_983 : memref<10112x128xf32, #tpu.memory_space<vmem_shared>>) offsets(%arg7 : memref<64xi32, #tpu.memory_space<vmem>>) semaphore(%arg40 : memref<!tpu.dma_semaphore, #tpu.memory_space<semaphore_mem>>) {add = true}
      } else {
      }
      %mul3A_195 = arith.constant 30 : i32
      %mul3A_196 = arith.muli %add3A_168, %mul3A_195 : i32
      %add3A_197 = arith.constant 1 : i32
      %add3A_198 = arith.addi %mul3A_196, %add3A_197 : i32
      %ge3A_199 = arith.constant 2 : i32
      %ge3A_200 = arith.cmpi sge, %add3A_198, %ge3A_199 : i32
      %lt3A_201 = arith.cmpi slt, %add3A_198, %select_n3A : i32
      %and3A_202 = arith.andi %ge3A_200, %lt3A_201 : i1
      %convert_element_type3A_203 = arith.extui %and3A_202 : i1 to i32
      %cond3A_204 = arith.constant 0 : i32
      %cond3A_205 = arith.cmpi ne, %convert_element_type3A_203, %cond3A_204 : i32
      scf.if %cond3A_205 {
        %dma_wait3A_978 = arith.constant 0 : i32
        %dma_wait3A_979 = arith.constant 0 : i32
        %dma_wait3A_980 = tpu.memref_slice %arg23[%dma_wait3A_978, %dma_wait3A_979] : memref<10112x128xf32, #tpu.memory_space<vmem_shared>> -> memref<10112x128xf32, #tpu.memory_space<vmem_shared>>
        tpu.wait_indirect_dma semaphore(%arg44 : memref<!tpu.dma_semaphore, #tpu.memory_space<semaphore_mem>>) src(%arg22 : memref<64x128xf32, #tpu.memory_space<vmem>>) dst(%dma_wait3A_980 : memref<10112x128xf32, #tpu.memory_space<vmem_shared>>)
      } else {
      }
      %add3A_206 = arith.constant 4 : i32
      %add3A_207 = arith.addi %add3A_198, %add3A_206 : i32
      %lt3A_208 = arith.cmpi slt, %add3A_207, %select_n3A : i32
      %convert_element_type3A_209 = arith.extui %lt3A_208 : i1 to i32
      %cond3A_210 = arith.constant 0 : i32
      %cond3A_211 = arith.cmpi ne, %convert_element_type3A_209, %cond3A_210 : i32
      scf.if %cond3A_211 {
        %add3A_978 = arith.constant 4 : i32
        %add3A_979 = arith.addi %add3A_198, %add3A_978 : i32
        %mul3A_980 = arith.constant 32 : i32
        %mul3A_981 = arith.muli %add3A_979, %mul3A_980 : i32
        %add3A_982 = arith.addi %add3A, %mul3A_981 : i32
        %mul3A_983 = arith.constant 64 : i32
        %mul3A_984 = arith.muli %add3A_982, %mul3A_983 : i32
        %dma_start3A_985 = tpu.memref_slice %arg3[%mul3A_984] : memref<320000xi32, #tpu.memory_space<hbm>> -> memref<64xi32, #tpu.memory_space<hbm>>
        %dma_start3A_986 = tpu.memref_slice %arg3[%mul3A_984] : memref<320000xi32, #tpu.memory_space<hbm>> -> memref<64xi32, #tpu.memory_space<hbm>>
        tpu.enqueue_dma source(%dma_start3A_986 : memref<64xi32, #tpu.memory_space<hbm>>) target(%arg12 : memref<64xi32, #tpu.memory_space<vmem>>) target_semaphore(%arg29 : memref<!tpu.dma_semaphore, #tpu.memory_space<semaphore_mem>>)
        %dma_start3A_987 = tpu.memref_slice %arg4[%mul3A_984] : memref<320000xi32, #tpu.memory_space<hbm>> -> memref<64xi32, #tpu.memory_space<hbm>>
        %dma_start3A_988 = tpu.memref_slice %arg4[%mul3A_984] : memref<320000xi32, #tpu.memory_space<hbm>> -> memref<64xi32, #tpu.memory_space<hbm>>
        tpu.enqueue_dma source(%dma_start3A_988 : memref<64xi32, #tpu.memory_space<hbm>>) target(%arg13 : memref<64xi32, #tpu.memory_space<vmem>>) target_semaphore(%arg30 : memref<!tpu.dma_semaphore, #tpu.memory_space<semaphore_mem>>)
      } else {
      }
      %add3A_212 = arith.constant 3 : i32
      %add3A_213 = arith.addi %add3A_198, %add3A_212 : i32
      %lt3A_214 = arith.cmpi slt, %add3A_213, %select_n3A : i32
      %convert_element_type3A_215 = arith.extui %lt3A_214 : i1 to i32
      %cond3A_216 = arith.constant 0 : i32
      %cond3A_217 = arith.cmpi ne, %convert_element_type3A_215, %cond3A_216 : i32
      scf.if %cond3A_217 {
        %dma_wait3A_978 = arith.constant 0 : i32
        %dma_wait3A_979 = tpu.memref_slice %arg3[%dma_wait3A_978] : memref<320000xi32, #tpu.memory_space<hbm>> -> memref<64xi32, #tpu.memory_space<hbm>>
        %dma_wait3A_980 = arith.constant 0 : i32
        %dma_wait3A_981 = tpu.memref_slice %arg3[%dma_wait3A_980] : memref<320000xi32, #tpu.memory_space<hbm>> -> memref<64xi32, #tpu.memory_space<hbm>>
        tpu.wait_dma2 semaphore(%arg28 : memref<!tpu.dma_semaphore, #tpu.memory_space<semaphore_mem>>) src(%dma_wait3A_981 : memref<64xi32, #tpu.memory_space<hbm>>) dst(%arg11 : memref<64xi32, #tpu.memory_space<vmem>>)
        %dma_wait3A_982 = arith.constant 0 : i32
        %dma_wait3A_983 = tpu.memref_slice %arg4[%dma_wait3A_982] : memref<320000xi32, #tpu.memory_space<hbm>> -> memref<64xi32, #tpu.memory_space<hbm>>
        %dma_wait3A_984 = arith.constant 0 : i32
        %dma_wait3A_985 = tpu.memref_slice %arg4[%dma_wait3A_984] : memref<320000xi32, #tpu.memory_space<hbm>> -> memref<64xi32, #tpu.memory_space<hbm>>
        tpu.wait_dma2 semaphore(%arg34 : memref<!tpu.dma_semaphore, #tpu.memory_space<semaphore_mem>>) src(%dma_wait3A_985 : memref<64xi32, #tpu.memory_space<hbm>>) dst(%arg17 : memref<64xi32, #tpu.memory_space<vmem>>)
        %dma_start3A_986 = arith.constant 0 : i32
        %dma_start3A_987 = arith.constant 0 : i32
        %dma_start3A_988 = tpu.memref_slice %arg2[%dma_start3A_986, %dma_start3A_987] : memref<10000x128xf32, #tpu.memory_space<hbm>> -> memref<10000x128xf32, #tpu.memory_space<hbm>>
        tpu.enqueue_indirect_dma source(%dma_start3A_988 : memref<10000x128xf32, #tpu.memory_space<hbm>>) target(%arg22 : memref<64x128xf32, #tpu.memory_space<vmem>>) offsets(%arg17 : memref<64xi32, #tpu.memory_space<vmem>>) semaphore(%arg39 : memref<!tpu.dma_semaphore, #tpu.memory_space<semaphore_mem>>)
      } else {
      }
      %lt3A_218 = arith.cmpi slt, %add3A_198, %select_n3A : i32
      %convert_element_type3A_219 = arith.extui %lt3A_218 : i1 to i32
      %cond3A_220 = arith.constant 0 : i32
      %cond3A_221 = arith.cmpi ne, %convert_element_type3A_219, %cond3A_220 : i32
      scf.if %cond3A_221 {
        %dma_wait3A_978 = arith.constant 0 : i32
        %dma_wait3A_979 = arith.constant 0 : i32
        %dma_wait3A_980 = tpu.memref_slice %arg2[%dma_wait3A_978, %dma_wait3A_979] : memref<10000x128xf32, #tpu.memory_space<hbm>> -> memref<10000x128xf32, #tpu.memory_space<hbm>>
        tpu.wait_indirect_dma semaphore(%arg36 : memref<!tpu.dma_semaphore, #tpu.memory_space<semaphore_mem>>) src(%dma_wait3A_980 : memref<10000x128xf32, #tpu.memory_space<hbm>>) dst(%arg19 : memref<64x128xf32, #tpu.memory_space<vmem>>)
        %dma_start3A_981 = arith.constant 0 : i32
        %dma_start3A_982 = arith.constant 0 : i32
        %dma_start3A_983 = tpu.memref_slice %arg23[%dma_start3A_981, %dma_start3A_982] : memref<10112x128xf32, #tpu.memory_space<vmem_shared>> -> memref<10112x128xf32, #tpu.memory_space<vmem_shared>>
        tpu.enqueue_indirect_dma source(%arg19 : memref<64x128xf32, #tpu.memory_space<vmem>>) target(%dma_start3A_983 : memref<10112x128xf32, #tpu.memory_space<vmem_shared>>) offsets(%arg8 : memref<64xi32, #tpu.memory_space<vmem>>) semaphore(%arg41 : memref<!tpu.dma_semaphore, #tpu.memory_space<semaphore_mem>>) {add = true}
      } else {
      }
      %mul3A_222 = arith.constant 30 : i32
      %mul3A_223 = arith.muli %add3A_168, %mul3A_222 : i32
      %add3A_224 = arith.constant 2 : i32
      %add3A_225 = arith.addi %mul3A_223, %add3A_224 : i32
      %ge3A_226 = arith.constant 2 : i32
      %ge3A_227 = arith.cmpi sge, %add3A_225, %ge3A_226 : i32
      %lt3A_228 = arith.cmpi slt, %add3A_225, %select_n3A : i32
      %and3A_229 = arith.andi %ge3A_227, %lt3A_228 : i1
      %convert_element_type3A_230 = arith.extui %and3A_229 : i1 to i32
      %cond3A_231 = arith.constant 0 : i32
      %cond3A_232 = arith.cmpi ne, %convert_element_type3A_230, %cond3A_231 : i32
      scf.if %cond3A_232 {
        %dma_wait3A_978 = arith.constant 0 : i32
        %dma_wait3A_979 = arith.constant 0 : i32
        %dma_wait3A_980 = tpu.memref_slice %arg23[%dma_wait3A_978, %dma_wait3A_979] : memref<10112x128xf32, #tpu.memory_space<vmem_shared>> -> memref<10112x128xf32, #tpu.memory_space<vmem_shared>>
        tpu.wait_indirect_dma semaphore(%arg40 : memref<!tpu.dma_semaphore, #tpu.memory_space<semaphore_mem>>) src(%arg18 : memref<64x128xf32, #tpu.memory_space<vmem>>) dst(%dma_wait3A_980 : memref<10112x128xf32, #tpu.memory_space<vmem_shared>>)
      } else {
      }
      %add3A_233 = arith.constant 4 : i32
      %add3A_234 = arith.addi %add3A_225, %add3A_233 : i32
      %lt3A_235 = arith.cmpi slt, %add3A_234, %select_n3A : i32
      %convert_element_type3A_236 = arith.extui %lt3A_235 : i1 to i32
      %cond3A_237 = arith.constant 0 : i32
      %cond3A_238 = arith.cmpi ne, %convert_element_type3A_236, %cond3A_237 : i32
      scf.if %cond3A_238 {
        %add3A_978 = arith.constant 4 : i32
        %add3A_979 = arith.addi %add3A_225, %add3A_978 : i32
        %mul3A_980 = arith.constant 32 : i32
        %mul3A_981 = arith.muli %add3A_979, %mul3A_980 : i32
        %add3A_982 = arith.addi %add3A, %mul3A_981 : i32
        %mul3A_983 = arith.constant 64 : i32
        %mul3A_984 = arith.muli %add3A_982, %mul3A_983 : i32
        %dma_start3A_985 = tpu.memref_slice %arg3[%mul3A_984] : memref<320000xi32, #tpu.memory_space<hbm>> -> memref<64xi32, #tpu.memory_space<hbm>>
        %dma_start3A_986 = tpu.memref_slice %arg3[%mul3A_984] : memref<320000xi32, #tpu.memory_space<hbm>> -> memref<64xi32, #tpu.memory_space<hbm>>
        tpu.enqueue_dma source(%dma_start3A_986 : memref<64xi32, #tpu.memory_space<hbm>>) target(%arg7 : memref<64xi32, #tpu.memory_space<vmem>>) target_semaphore(%arg24 : memref<!tpu.dma_semaphore, #tpu.memory_space<semaphore_mem>>)
        %dma_start3A_987 = tpu.memref_slice %arg4[%mul3A_984] : memref<320000xi32, #tpu.memory_space<hbm>> -> memref<64xi32, #tpu.memory_space<hbm>>
        %dma_start3A_988 = tpu.memref_slice %arg4[%mul3A_984] : memref<320000xi32, #tpu.memory_space<hbm>> -> memref<64xi32, #tpu.memory_space<hbm>>
        tpu.enqueue_dma source(%dma_start3A_988 : memref<64xi32, #tpu.memory_space<hbm>>) target(%arg14 : memref<64xi32, #tpu.memory_space<vmem>>) target_semaphore(%arg31 : memref<!tpu.dma_semaphore, #tpu.memory_space<semaphore_mem>>)
      } else {
      }
      %add3A_239 = arith.constant 3 : i32
      %add3A_240 = arith.addi %add3A_225, %add3A_239 : i32
      %lt3A_241 = arith.cmpi slt, %add3A_240, %select_n3A : i32
      %convert_element_type3A_242 = arith.extui %lt3A_241 : i1 to i32
      %cond3A_243 = arith.constant 0 : i32
      %cond3A_244 = arith.cmpi ne, %convert_element_type3A_242, %cond3A_243 : i32
      scf.if %cond3A_244 {
        %dma_wait3A_978 = arith.constant 0 : i32
        %dma_wait3A_979 = tpu.memref_slice %arg3[%dma_wait3A_978] : memref<320000xi32, #tpu.memory_space<hbm>> -> memref<64xi32, #tpu.memory_space<hbm>>
        %dma_wait3A_980 = arith.constant 0 : i32
        %dma_wait3A_981 = tpu.memref_slice %arg3[%dma_wait3A_980] : memref<320000xi32, #tpu.memory_space<hbm>> -> memref<64xi32, #tpu.memory_space<hbm>>
        tpu.wait_dma2 semaphore(%arg29 : memref<!tpu.dma_semaphore, #tpu.memory_space<semaphore_mem>>) src(%dma_wait3A_981 : memref<64xi32, #tpu.memory_space<hbm>>) dst(%arg12 : memref<64xi32, #tpu.memory_space<vmem>>)
        %dma_wait3A_982 = arith.constant 0 : i32
        %dma_wait3A_983 = tpu.memref_slice %arg4[%dma_wait3A_982] : memref<320000xi32, #tpu.memory_space<hbm>> -> memref<64xi32, #tpu.memory_space<hbm>>
        %dma_wait3A_984 = arith.constant 0 : i32
        %dma_wait3A_985 = tpu.memref_slice %arg4[%dma_wait3A_984] : memref<320000xi32, #tpu.memory_space<hbm>> -> memref<64xi32, #tpu.memory_space<hbm>>
        tpu.wait_dma2 semaphore(%arg30 : memref<!tpu.dma_semaphore, #tpu.memory_space<semaphore_mem>>) src(%dma_wait3A_985 : memref<64xi32, #tpu.memory_space<hbm>>) dst(%arg13 : memref<64xi32, #tpu.memory_space<vmem>>)
        %dma_start3A_986 = arith.constant 0 : i32
        %dma_start3A_987 = arith.constant 0 : i32
        %dma_start3A_988 = tpu.memref_slice %arg2[%dma_start3A_986, %dma_start3A_987] : memref<10000x128xf32, #tpu.memory_space<hbm>> -> memref<10000x128xf32, #tpu.memory_space<hbm>>
        tpu.enqueue_indirect_dma source(%dma_start3A_988 : memref<10000x128xf32, #tpu.memory_space<hbm>>) target(%arg18 : memref<64x128xf32, #tpu.memory_space<vmem>>) offsets(%arg13 : memref<64xi32, #tpu.memory_space<vmem>>) semaphore(%arg35 : memref<!tpu.dma_semaphore, #tpu.memory_space<semaphore_mem>>)
      } else {
      }
      %lt3A_245 = arith.cmpi slt, %add3A_225, %select_n3A : i32
      %convert_element_type3A_246 = arith.extui %lt3A_245 : i1 to i32
      %cond3A_247 = arith.constant 0 : i32
      %cond3A_248 = arith.cmpi ne, %convert_element_type3A_246, %cond3A_247 : i32
      scf.if %cond3A_248 {
        %dma_wait3A_978 = arith.constant 0 : i32
        %dma_wait3A_979 = arith.constant 0 : i32
        %dma_wait3A_980 = tpu.memref_slice %arg2[%dma_wait3A_978, %dma_wait3A_979] : memref<10000x128xf32, #tpu.memory_space<hbm>> -> memref<10000x128xf32, #tpu.memory_space<hbm>>
        tpu.wait_indirect_dma semaphore(%arg37 : memref<!tpu.dma_semaphore, #tpu.memory_space<semaphore_mem>>) src(%dma_wait3A_980 : memref<10000x128xf32, #tpu.memory_space<hbm>>) dst(%arg20 : memref<64x128xf32, #tpu.memory_space<vmem>>)
        %dma_start3A_981 = arith.constant 0 : i32
        %dma_start3A_982 = arith.constant 0 : i32
        %dma_start3A_983 = tpu.memref_slice %arg23[%dma_start3A_981, %dma_start3A_982] : memref<10112x128xf32, #tpu.memory_space<vmem_shared>> -> memref<10112x128xf32, #tpu.memory_space<vmem_shared>>
        tpu.enqueue_indirect_dma source(%arg20 : memref<64x128xf32, #tpu.memory_space<vmem>>) target(%dma_start3A_983 : memref<10112x128xf32, #tpu.memory_space<vmem_shared>>) offsets(%arg9 : memref<64xi32, #tpu.memory_space<vmem>>) semaphore(%arg42 : memref<!tpu.dma_semaphore, #tpu.memory_space<semaphore_mem>>) {add = true}
      } else {
      }
      %mul3A_249 = arith.constant 30 : i32
      %mul3A_250 = arith.muli %add3A_168, %mul3A_249 : i32
      %add3A_251 = arith.constant 3 : i32
      %add3A_252 = arith.addi %mul3A_250, %add3A_251 : i32
      %ge3A_253 = arith.constant 2 : i32
      %ge3A_254 = arith.cmpi sge, %add3A_252, %ge3A_253 : i32
      %lt3A_255 = arith.cmpi slt, %add3A_252, %select_n3A : i32
      %and3A_256 = arith.andi %ge3A_254, %lt3A_255 : i1
      %convert_element_type3A_257 = arith.extui %and3A_256 : i1 to i32
      %cond3A_258 = arith.constant 0 : i32
      %cond3A_259 = arith.cmpi ne, %convert_element_type3A_257, %cond3A_258 : i32
      scf.if %cond3A_259 {
        %dma_wait3A_978 = arith.constant 0 : i32
        %dma_wait3A_979 = arith.constant 0 : i32
        %dma_wait3A_980 = tpu.memref_slice %arg23[%dma_wait3A_978, %dma_wait3A_979] : memref<10112x128xf32, #tpu.memory_space<vmem_shared>> -> memref<10112x128xf32, #tpu.memory_space<vmem_shared>>
        tpu.wait_indirect_dma semaphore(%arg41 : memref<!tpu.dma_semaphore, #tpu.memory_space<semaphore_mem>>) src(%arg19 : memref<64x128xf32, #tpu.memory_space<vmem>>) dst(%dma_wait3A_980 : memref<10112x128xf32, #tpu.memory_space<vmem_shared>>)
      } else {
      }
      %add3A_260 = arith.constant 4 : i32
      %add3A_261 = arith.addi %add3A_252, %add3A_260 : i32
      %lt3A_262 = arith.cmpi slt, %add3A_261, %select_n3A : i32
      %convert_element_type3A_263 = arith.extui %lt3A_262 : i1 to i32
      %cond3A_264 = arith.constant 0 : i32
      %cond3A_265 = arith.cmpi ne, %convert_element_type3A_263, %cond3A_264 : i32
      scf.if %cond3A_265 {
        %add3A_978 = arith.constant 4 : i32
        %add3A_979 = arith.addi %add3A_252, %add3A_978 : i32
        %mul3A_980 = arith.constant 32 : i32
        %mul3A_981 = arith.muli %add3A_979, %mul3A_980 : i32
        %add3A_982 = arith.addi %add3A, %mul3A_981 : i32
        %mul3A_983 = arith.constant 64 : i32
        %mul3A_984 = arith.muli %add3A_982, %mul3A_983 : i32
        %dma_start3A_985 = tpu.memref_slice %arg3[%mul3A_984] : memref<320000xi32, #tpu.memory_space<hbm>> -> memref<64xi32, #tpu.memory_space<hbm>>
        %dma_start3A_986 = tpu.memref_slice %arg3[%mul3A_984] : memref<320000xi32, #tpu.memory_space<hbm>> -> memref<64xi32, #tpu.memory_space<hbm>>
        tpu.enqueue_dma source(%dma_start3A_986 : memref<64xi32, #tpu.memory_space<hbm>>) target(%arg8 : memref<64xi32, #tpu.memory_space<vmem>>) target_semaphore(%arg25 : memref<!tpu.dma_semaphore, #tpu.memory_space<semaphore_mem>>)
        %dma_start3A_987 = tpu.memref_slice %arg4[%mul3A_984] : memref<320000xi32, #tpu.memory_space<hbm>> -> memref<64xi32, #tpu.memory_space<hbm>>
        %dma_start3A_988 = tpu.memref_slice %arg4[%mul3A_984] : memref<320000xi32, #tpu.memory_space<hbm>> -> memref<64xi32, #tpu.memory_space<hbm>>
        tpu.enqueue_dma source(%dma_start3A_988 : memref<64xi32, #tpu.memory_space<hbm>>) target(%arg15 : memref<64xi32, #tpu.memory_space<vmem>>) target_semaphore(%arg32 : memref<!tpu.dma_semaphore, #tpu.memory_space<semaphore_mem>>)
      } else {
      }
      %add3A_266 = arith.constant 3 : i32
      %add3A_267 = arith.addi %add3A_252, %add3A_266 : i32
      %lt3A_268 = arith.cmpi slt, %add3A_267, %select_n3A : i32
      %convert_element_type3A_269 = arith.extui %lt3A_268 : i1 to i32
      %cond3A_270 = arith.constant 0 : i32
      %cond3A_271 = arith.cmpi ne, %convert_element_type3A_269, %cond3A_270 : i32
      scf.if %cond3A_271 {
        %dma_wait3A_978 = arith.constant 0 : i32
        %dma_wait3A_979 = tpu.memref_slice %arg3[%dma_wait3A_978] : memref<320000xi32, #tpu.memory_space<hbm>> -> memref<64xi32, #tpu.memory_space<hbm>>
        %dma_wait3A_980 = arith.constant 0 : i32
        %dma_wait3A_981 = tpu.memref_slice %arg3[%dma_wait3A_980] : memref<320000xi32, #tpu.memory_space<hbm>> -> memref<64xi32, #tpu.memory_space<hbm>>
        tpu.wait_dma2 semaphore(%arg24 : memref<!tpu.dma_semaphore, #tpu.memory_space<semaphore_mem>>) src(%dma_wait3A_981 : memref<64xi32, #tpu.memory_space<hbm>>) dst(%arg7 : memref<64xi32, #tpu.memory_space<vmem>>)
        %dma_wait3A_982 = arith.constant 0 : i32
        %dma_wait3A_983 = tpu.memref_slice %arg4[%dma_wait3A_982] : memref<320000xi32, #tpu.memory_space<hbm>> -> memref<64xi32, #tpu.memory_space<hbm>>
        %dma_wait3A_984 = arith.constant 0 : i32
        %dma_wait3A_985 = tpu.memref_slice %arg4[%dma_wait3A_984] : memref<320000xi32, #tpu.memory_space<hbm>> -> memref<64xi32, #tpu.memory_space<hbm>>
        tpu.wait_dma2 semaphore(%arg31 : memref<!tpu.dma_semaphore, #tpu.memory_space<semaphore_mem>>) src(%dma_wait3A_985 : memref<64xi32, #tpu.memory_space<hbm>>) dst(%arg14 : memref<64xi32, #tpu.memory_space<vmem>>)
        %dma_start3A_986 = arith.constant 0 : i32
        %dma_start3A_987 = arith.constant 0 : i32
        %dma_start3A_988 = tpu.memref_slice %arg2[%dma_start3A_986, %dma_start3A_987] : memref<10000x128xf32, #tpu.memory_space<hbm>> -> memref<10000x128xf32, #tpu.memory_space<hbm>>
        tpu.enqueue_indirect_dma source(%dma_start3A_988 : memref<10000x128xf32, #tpu.memory_space<hbm>>) target(%arg19 : memref<64x128xf32, #tpu.memory_space<vmem>>) offsets(%arg14 : memref<64xi32, #tpu.memory_space<vmem>>) semaphore(%arg36 : memref<!tpu.dma_semaphore, #tpu.memory_space<semaphore_mem>>)
      } else {
      }
      %lt3A_272 = arith.cmpi slt, %add3A_252, %select_n3A : i32
      %convert_element_type3A_273 = arith.extui %lt3A_272 : i1 to i32
      %cond3A_274 = arith.constant 0 : i32
      %cond3A_275 = arith.cmpi ne, %convert_element_type3A_273, %cond3A_274 : i32
      scf.if %cond3A_275 {
        %dma_wait3A_978 = arith.constant 0 : i32
        %dma_wait3A_979 = arith.constant 0 : i32
        %dma_wait3A_980 = tpu.memref_slice %arg2[%dma_wait3A_978, %dma_wait3A_979] : memref<10000x128xf32, #tpu.memory_space<hbm>> -> memref<10000x128xf32, #tpu.memory_space<hbm>>
        tpu.wait_indirect_dma semaphore(%arg38 : memref<!tpu.dma_semaphore, #tpu.memory_space<semaphore_mem>>) src(%dma_wait3A_980 : memref<10000x128xf32, #tpu.memory_space<hbm>>) dst(%arg21 : memref<64x128xf32, #tpu.memory_space<vmem>>)
        %dma_start3A_981 = arith.constant 0 : i32
        %dma_start3A_982 = arith.constant 0 : i32
        %dma_start3A_983 = tpu.memref_slice %arg23[%dma_start3A_981, %dma_start3A_982] : memref<10112x128xf32, #tpu.memory_space<vmem_shared>> -> memref<10112x128xf32, #tpu.memory_space<vmem_shared>>
        tpu.enqueue_indirect_dma source(%arg21 : memref<64x128xf32, #tpu.memory_space<vmem>>) target(%dma_start3A_983 : memref<10112x128xf32, #tpu.memory_space<vmem_shared>>) offsets(%arg10 : memref<64xi32, #tpu.memory_space<vmem>>) semaphore(%arg43 : memref<!tpu.dma_semaphore, #tpu.memory_space<semaphore_mem>>) {add = true}
      } else {
      }
      %mul3A_276 = arith.constant 30 : i32
      %mul3A_277 = arith.muli %add3A_168, %mul3A_276 : i32
      %add3A_278 = arith.constant 4 : i32
      %add3A_279 = arith.addi %mul3A_277, %add3A_278 : i32
      %ge3A_280 = arith.constant 2 : i32
      %ge3A_281 = arith.cmpi sge, %add3A_279, %ge3A_280 : i32
      %lt3A_282 = arith.cmpi slt, %add3A_279, %select_n3A : i32
      %and3A_283 = arith.andi %ge3A_281, %lt3A_282 : i1
      %convert_element_type3A_284 = arith.extui %and3A_283 : i1 to i32
      %cond3A_285 = arith.constant 0 : i32
      %cond3A_286 = arith.cmpi ne, %convert_element_type3A_284, %cond3A_285 : i32
      scf.if %cond3A_286 {
        %dma_wait3A_978 = arith.constant 0 : i32
        %dma_wait3A_979 = arith.constant 0 : i32
        %dma_wait3A_980 = tpu.memref_slice %arg23[%dma_wait3A_978, %dma_wait3A_979] : memref<10112x128xf32, #tpu.memory_space<vmem_shared>> -> memref<10112x128xf32, #tpu.memory_space<vmem_shared>>
        tpu.wait_indirect_dma semaphore(%arg42 : memref<!tpu.dma_semaphore, #tpu.memory_space<semaphore_mem>>) src(%arg20 : memref<64x128xf32, #tpu.memory_space<vmem>>) dst(%dma_wait3A_980 : memref<10112x128xf32, #tpu.memory_space<vmem_shared>>)
      } else {
      }
      %add3A_287 = arith.constant 4 : i32
      %add3A_288 = arith.addi %add3A_279, %add3A_287 : i32
      %lt3A_289 = arith.cmpi slt, %add3A_288, %select_n3A : i32
      %convert_element_type3A_290 = arith.extui %lt3A_289 : i1 to i32
      %cond3A_291 = arith.constant 0 : i32
      %cond3A_292 = arith.cmpi ne, %convert_element_type3A_290, %cond3A_291 : i32
      scf.if %cond3A_292 {
        %add3A_978 = arith.constant 4 : i32
        %add3A_979 = arith.addi %add3A_279, %add3A_978 : i32
        %mul3A_980 = arith.constant 32 : i32
        %mul3A_981 = arith.muli %add3A_979, %mul3A_980 : i32
        %add3A_982 = arith.addi %add3A, %mul3A_981 : i32
        %mul3A_983 = arith.constant 64 : i32
        %mul3A_984 = arith.muli %add3A_982, %mul3A_983 : i32
        %dma_start3A_985 = tpu.memref_slice %arg3[%mul3A_984] : memref<320000xi32, #tpu.memory_space<hbm>> -> memref<64xi32, #tpu.memory_space<hbm>>
        %dma_start3A_986 = tpu.memref_slice %arg3[%mul3A_984] : memref<320000xi32, #tpu.memory_space<hbm>> -> memref<64xi32, #tpu.memory_space<hbm>>
        tpu.enqueue_dma source(%dma_start3A_986 : memref<64xi32, #tpu.memory_space<hbm>>) target(%arg9 : memref<64xi32, #tpu.memory_space<vmem>>) target_semaphore(%arg26 : memref<!tpu.dma_semaphore, #tpu.memory_space<semaphore_mem>>)
        %dma_start3A_987 = tpu.memref_slice %arg4[%mul3A_984] : memref<320000xi32, #tpu.memory_space<hbm>> -> memref<64xi32, #tpu.memory_space<hbm>>
        %dma_start3A_988 = tpu.memref_slice %arg4[%mul3A_984] : memref<320000xi32, #tpu.memory_space<hbm>> -> memref<64xi32, #tpu.memory_space<hbm>>
        tpu.enqueue_dma source(%dma_start3A_988 : memref<64xi32, #tpu.memory_space<hbm>>) target(%arg16 : memref<64xi32, #tpu.memory_space<vmem>>) target_semaphore(%arg33 : memref<!tpu.dma_semaphore, #tpu.memory_space<semaphore_mem>>)
      } else {
      }
      %add3A_293 = arith.constant 3 : i32
      %add3A_294 = arith.addi %add3A_279, %add3A_293 : i32
      %lt3A_295 = arith.cmpi slt, %add3A_294, %select_n3A : i32
      %convert_element_type3A_296 = arith.extui %lt3A_295 : i1 to i32
      %cond3A_297 = arith.constant 0 : i32
      %cond3A_298 = arith.cmpi ne, %convert_element_type3A_296, %cond3A_297 : i32
      scf.if %cond3A_298 {
        %dma_wait3A_978 = arith.constant 0 : i32
        %dma_wait3A_979 = tpu.memref_slice %arg3[%dma_wait3A_978] : memref<320000xi32, #tpu.memory_space<hbm>> -> memref<64xi32, #tpu.memory_space<hbm>>
        %dma_wait3A_980 = arith.constant 0 : i32
        %dma_wait3A_981 = tpu.memref_slice %arg3[%dma_wait3A_980] : memref<320000xi32, #tpu.memory_space<hbm>> -> memref<64xi32, #tpu.memory_space<hbm>>
        tpu.wait_dma2 semaphore(%arg25 : memref<!tpu.dma_semaphore, #tpu.memory_space<semaphore_mem>>) src(%dma_wait3A_981 : memref<64xi32, #tpu.memory_space<hbm>>) dst(%arg8 : memref<64xi32, #tpu.memory_space<vmem>>)
        %dma_wait3A_982 = arith.constant 0 : i32
        %dma_wait3A_983 = tpu.memref_slice %arg4[%dma_wait3A_982] : memref<320000xi32, #tpu.memory_space<hbm>> -> memref<64xi32, #tpu.memory_space<hbm>>
        %dma_wait3A_984 = arith.constant 0 : i32
        %dma_wait3A_985 = tpu.memref_slice %arg4[%dma_wait3A_984] : memref<320000xi32, #tpu.memory_space<hbm>> -> memref<64xi32, #tpu.memory_space<hbm>>
        tpu.wait_dma2 semaphore(%arg32 : memref<!tpu.dma_semaphore, #tpu.memory_space<semaphore_mem>>) src(%dma_wait3A_985 : memref<64xi32, #tpu.memory_space<hbm>>) dst(%arg15 : memref<64xi32, #tpu.memory_space<vmem>>)
        %dma_start3A_986 = arith.constant 0 : i32
        %dma_start3A_987 = arith.constant 0 : i32
        %dma_start3A_988 = tpu.memref_slice %arg2[%dma_start3A_986, %dma_start3A_987] : memref<10000x128xf32, #tpu.memory_space<hbm>> -> memref<10000x128xf32, #tpu.memory_space<hbm>>
        tpu.enqueue_indirect_dma source(%dma_start3A_988 : memref<10000x128xf32, #tpu.memory_space<hbm>>) target(%arg20 : memref<64x128xf32, #tpu.memory_space<vmem>>) offsets(%arg15 : memref<64xi32, #tpu.memory_space<vmem>>) semaphore(%arg37 : memref<!tpu.dma_semaphore, #tpu.memory_space<semaphore_mem>>)
      } else {
      }
      %lt3A_299 = arith.cmpi slt, %add3A_279, %select_n3A : i32
      %convert_element_type3A_300 = arith.extui %lt3A_299 : i1 to i32
      %cond3A_301 = arith.constant 0 : i32
      %cond3A_302 = arith.cmpi ne, %convert_element_type3A_300, %cond3A_301 : i32
      scf.if %cond3A_302 {
        %dma_wait3A_978 = arith.constant 0 : i32
        %dma_wait3A_979 = arith.constant 0 : i32
        %dma_wait3A_980 = tpu.memref_slice %arg2[%dma_wait3A_978, %dma_wait3A_979] : memref<10000x128xf32, #tpu.memory_space<hbm>> -> memref<10000x128xf32, #tpu.memory_space<hbm>>
        tpu.wait_indirect_dma semaphore(%arg39 : memref<!tpu.dma_semaphore, #tpu.memory_space<semaphore_mem>>) src(%dma_wait3A_980 : memref<10000x128xf32, #tpu.memory_space<hbm>>) dst(%arg22 : memref<64x128xf32, #tpu.memory_space<vmem>>)
        %dma_start3A_981 = arith.constant 0 : i32
        %dma_start3A_982 = arith.constant 0 : i32
        %dma_start3A_983 = tpu.memref_slice %arg23[%dma_start3A_981, %dma_start3A_982] : memref<10112x128xf32, #tpu.memory_space<vmem_shared>> -> memref<10112x128xf32, #tpu.memory_space<vmem_shared>>
        tpu.enqueue_indirect_dma source(%arg22 : memref<64x128xf32, #tpu.memory_space<vmem>>) target(%dma_start3A_983 : memref<10112x128xf32, #tpu.memory_space<vmem_shared>>) offsets(%arg11 : memref<64xi32, #tpu.memory_space<vmem>>) semaphore(%arg44 : memref<!tpu.dma_semaphore, #tpu.memory_space<semaphore_mem>>) {add = true}
      } else {
      }
      %mul3A_303 = arith.constant 30 : i32
      %mul3A_304 = arith.muli %add3A_168, %mul3A_303 : i32
      %add3A_305 = arith.constant 5 : i32
      %add3A_306 = arith.addi %mul3A_304, %add3A_305 : i32
      %ge3A_307 = arith.constant 2 : i32
      %ge3A_308 = arith.cmpi sge, %add3A_306, %ge3A_307 : i32
      %lt3A_309 = arith.cmpi slt, %add3A_306, %select_n3A : i32
      %and3A_310 = arith.andi %ge3A_308, %lt3A_309 : i1
      %convert_element_type3A_311 = arith.extui %and3A_310 : i1 to i32
      %cond3A_312 = arith.constant 0 : i32
      %cond3A_313 = arith.cmpi ne, %convert_element_type3A_311, %cond3A_312 : i32
      scf.if %cond3A_313 {
        %dma_wait3A_978 = arith.constant 0 : i32
        %dma_wait3A_979 = arith.constant 0 : i32
        %dma_wait3A_980 = tpu.memref_slice %arg23[%dma_wait3A_978, %dma_wait3A_979] : memref<10112x128xf32, #tpu.memory_space<vmem_shared>> -> memref<10112x128xf32, #tpu.memory_space<vmem_shared>>
        tpu.wait_indirect_dma semaphore(%arg43 : memref<!tpu.dma_semaphore, #tpu.memory_space<semaphore_mem>>) src(%arg21 : memref<64x128xf32, #tpu.memory_space<vmem>>) dst(%dma_wait3A_980 : memref<10112x128xf32, #tpu.memory_space<vmem_shared>>)
      } else {
      }
      %add3A_314 = arith.constant 4 : i32
      %add3A_315 = arith.addi %add3A_306, %add3A_314 : i32
      %lt3A_316 = arith.cmpi slt, %add3A_315, %select_n3A : i32
      %convert_element_type3A_317 = arith.extui %lt3A_316 : i1 to i32
      %cond3A_318 = arith.constant 0 : i32
      %cond3A_319 = arith.cmpi ne, %convert_element_type3A_317, %cond3A_318 : i32
      scf.if %cond3A_319 {
        %add3A_978 = arith.constant 4 : i32
        %add3A_979 = arith.addi %add3A_306, %add3A_978 : i32
        %mul3A_980 = arith.constant 32 : i32
        %mul3A_981 = arith.muli %add3A_979, %mul3A_980 : i32
        %add3A_982 = arith.addi %add3A, %mul3A_981 : i32
        %mul3A_983 = arith.constant 64 : i32
        %mul3A_984 = arith.muli %add3A_982, %mul3A_983 : i32
        %dma_start3A_985 = tpu.memref_slice %arg3[%mul3A_984] : memref<320000xi32, #tpu.memory_space<hbm>> -> memref<64xi32, #tpu.memory_space<hbm>>
        %dma_start3A_986 = tpu.memref_slice %arg3[%mul3A_984] : memref<320000xi32, #tpu.memory_space<hbm>> -> memref<64xi32, #tpu.memory_space<hbm>>
        tpu.enqueue_dma source(%dma_start3A_986 : memref<64xi32, #tpu.memory_space<hbm>>) target(%arg10 : memref<64xi32, #tpu.memory_space<vmem>>) target_semaphore(%arg27 : memref<!tpu.dma_semaphore, #tpu.memory_space<semaphore_mem>>)
        %dma_start3A_987 = tpu.memref_slice %arg4[%mul3A_984] : memref<320000xi32, #tpu.memory_space<hbm>> -> memref<64xi32, #tpu.memory_space<hbm>>
        %dma_start3A_988 = tpu.memref_slice %arg4[%mul3A_984] : memref<320000xi32, #tpu.memory_space<hbm>> -> memref<64xi32, #tpu.memory_space<hbm>>
        tpu.enqueue_dma source(%dma_start3A_988 : memref<64xi32, #tpu.memory_space<hbm>>) target(%arg17 : memref<64xi32, #tpu.memory_space<vmem>>) target_semaphore(%arg34 : memref<!tpu.dma_semaphore, #tpu.memory_space<semaphore_mem>>)
      } else {
      }
      %add3A_320 = arith.constant 3 : i32
      %add3A_321 = arith.addi %add3A_306, %add3A_320 : i32
      %lt3A_322 = arith.cmpi slt, %add3A_321, %select_n3A : i32
      %convert_element_type3A_323 = arith.extui %lt3A_322 : i1 to i32
      %cond3A_324 = arith.constant 0 : i32
      %cond3A_325 = arith.cmpi ne, %convert_element_type3A_323, %cond3A_324 : i32
      scf.if %cond3A_325 {
        %dma_wait3A_978 = arith.constant 0 : i32
        %dma_wait3A_979 = tpu.memref_slice %arg3[%dma_wait3A_978] : memref<320000xi32, #tpu.memory_space<hbm>> -> memref<64xi32, #tpu.memory_space<hbm>>
        %dma_wait3A_980 = arith.constant 0 : i32
        %dma_wait3A_981 = tpu.memref_slice %arg3[%dma_wait3A_980] : memref<320000xi32, #tpu.memory_space<hbm>> -> memref<64xi32, #tpu.memory_space<hbm>>
        tpu.wait_dma2 semaphore(%arg26 : memref<!tpu.dma_semaphore, #tpu.memory_space<semaphore_mem>>) src(%dma_wait3A_981 : memref<64xi32, #tpu.memory_space<hbm>>) dst(%arg9 : memref<64xi32, #tpu.memory_space<vmem>>)
        %dma_wait3A_982 = arith.constant 0 : i32
        %dma_wait3A_983 = tpu.memref_slice %arg4[%dma_wait3A_982] : memref<320000xi32, #tpu.memory_space<hbm>> -> memref<64xi32, #tpu.memory_space<hbm>>
        %dma_wait3A_984 = arith.constant 0 : i32
        %dma_wait3A_985 = tpu.memref_slice %arg4[%dma_wait3A_984] : memref<320000xi32, #tpu.memory_space<hbm>> -> memref<64xi32, #tpu.memory_space<hbm>>
        tpu.wait_dma2 semaphore(%arg33 : memref<!tpu.dma_semaphore, #tpu.memory_space<semaphore_mem>>) src(%dma_wait3A_985 : memref<64xi32, #tpu.memory_space<hbm>>) dst(%arg16 : memref<64xi32, #tpu.memory_space<vmem>>)
        %dma_start3A_986 = arith.constant 0 : i32
        %dma_start3A_987 = arith.constant 0 : i32
        %dma_start3A_988 = tpu.memref_slice %arg2[%dma_start3A_986, %dma_start3A_987] : memref<10000x128xf32, #tpu.memory_space<hbm>> -> memref<10000x128xf32, #tpu.memory_space<hbm>>
        tpu.enqueue_indirect_dma source(%dma_start3A_988 : memref<10000x128xf32, #tpu.memory_space<hbm>>) target(%arg21 : memref<64x128xf32, #tpu.memory_space<vmem>>) offsets(%arg16 : memref<64xi32, #tpu.memory_space<vmem>>) semaphore(%arg38 : memref<!tpu.dma_semaphore, #tpu.memory_space<semaphore_mem>>)
      } else {
      }
      %lt3A_326 = arith.cmpi slt, %add3A_306, %select_n3A : i32
      %convert_element_type3A_327 = arith.extui %lt3A_326 : i1 to i32
      %cond3A_328 = arith.constant 0 : i32
      %cond3A_329 = arith.cmpi ne, %convert_element_type3A_327, %cond3A_328 : i32
      scf.if %cond3A_329 {
        %dma_wait3A_978 = arith.constant 0 : i32
        %dma_wait3A_979 = arith.constant 0 : i32
        %dma_wait3A_980 = tpu.memref_slice %arg2[%dma_wait3A_978, %dma_wait3A_979] : memref<10000x128xf32, #tpu.memory_space<hbm>> -> memref<10000x128xf32, #tpu.memory_space<hbm>>
        tpu.wait_indirect_dma semaphore(%arg35 : memref<!tpu.dma_semaphore, #tpu.memory_space<semaphore_mem>>) src(%dma_wait3A_980 : memref<10000x128xf32, #tpu.memory_space<hbm>>) dst(%arg18 : memref<64x128xf32, #tpu.memory_space<vmem>>)
        %dma_start3A_981 = arith.constant 0 : i32
        %dma_start3A_982 = arith.constant 0 : i32
        %dma_start3A_983 = tpu.memref_slice %arg23[%dma_start3A_981, %dma_start3A_982] : memref<10112x128xf32, #tpu.memory_space<vmem_shared>> -> memref<10112x128xf32, #tpu.memory_space<vmem_shared>>
        tpu.enqueue_indirect_dma source(%arg18 : memref<64x128xf32, #tpu.memory_space<vmem>>) target(%dma_start3A_983 : memref<10112x128xf32, #tpu.memory_space<vmem_shared>>) offsets(%arg12 : memref<64xi32, #tpu.memory_space<vmem>>) semaphore(%arg40 : memref<!tpu.dma_semaphore, #tpu.memory_space<semaphore_mem>>) {add = true}
      } else {
      }
      %mul3A_330 = arith.constant 30 : i32
      %mul3A_331 = arith.muli %add3A_168, %mul3A_330 : i32
      %add3A_332 = arith.constant 6 : i32
      %add3A_333 = arith.addi %mul3A_331, %add3A_332 : i32
      %ge3A_334 = arith.constant 2 : i32
      %ge3A_335 = arith.cmpi sge, %add3A_333, %ge3A_334 : i32
      %lt3A_336 = arith.cmpi slt, %add3A_333, %select_n3A : i32
      %and3A_337 = arith.andi %ge3A_335, %lt3A_336 : i1
      %convert_element_type3A_338 = arith.extui %and3A_337 : i1 to i32
      %cond3A_339 = arith.constant 0 : i32
      %cond3A_340 = arith.cmpi ne, %convert_element_type3A_338, %cond3A_339 : i32
      scf.if %cond3A_340 {
        %dma_wait3A_978 = arith.constant 0 : i32
        %dma_wait3A_979 = arith.constant 0 : i32
        %dma_wait3A_980 = tpu.memref_slice %arg23[%dma_wait3A_978, %dma_wait3A_979] : memref<10112x128xf32, #tpu.memory_space<vmem_shared>> -> memref<10112x128xf32, #tpu.memory_space<vmem_shared>>
        tpu.wait_indirect_dma semaphore(%arg44 : memref<!tpu.dma_semaphore, #tpu.memory_space<semaphore_mem>>) src(%arg22 : memref<64x128xf32, #tpu.memory_space<vmem>>) dst(%dma_wait3A_980 : memref<10112x128xf32, #tpu.memory_space<vmem_shared>>)
      } else {
      }
      %add3A_341 = arith.constant 4 : i32
      %add3A_342 = arith.addi %add3A_333, %add3A_341 : i32
      %lt3A_343 = arith.cmpi slt, %add3A_342, %select_n3A : i32
      %convert_element_type3A_344 = arith.extui %lt3A_343 : i1 to i32
      %cond3A_345 = arith.constant 0 : i32
      %cond3A_346 = arith.cmpi ne, %convert_element_type3A_344, %cond3A_345 : i32
      scf.if %cond3A_346 {
        %add3A_978 = arith.constant 4 : i32
        %add3A_979 = arith.addi %add3A_333, %add3A_978 : i32
        %mul3A_980 = arith.constant 32 : i32
        %mul3A_981 = arith.muli %add3A_979, %mul3A_980 : i32
        %add3A_982 = arith.addi %add3A, %mul3A_981 : i32
        %mul3A_983 = arith.constant 64 : i32
        %mul3A_984 = arith.muli %add3A_982, %mul3A_983 : i32
        %dma_start3A_985 = tpu.memref_slice %arg3[%mul3A_984] : memref<320000xi32, #tpu.memory_space<hbm>> -> memref<64xi32, #tpu.memory_space<hbm>>
        %dma_start3A_986 = tpu.memref_slice %arg3[%mul3A_984] : memref<320000xi32, #tpu.memory_space<hbm>> -> memref<64xi32, #tpu.memory_space<hbm>>
        tpu.enqueue_dma source(%dma_start3A_986 : memref<64xi32, #tpu.memory_space<hbm>>) target(%arg11 : memref<64xi32, #tpu.memory_space<vmem>>) target_semaphore(%arg28 : memref<!tpu.dma_semaphore, #tpu.memory_space<semaphore_mem>>)
        %dma_start3A_987 = tpu.memref_slice %arg4[%mul3A_984] : memref<320000xi32, #tpu.memory_space<hbm>> -> memref<64xi32, #tpu.memory_space<hbm>>
        %dma_start3A_988 = tpu.memref_slice %arg4[%mul3A_984] : memref<320000xi32, #tpu.memory_space<hbm>> -> memref<64xi32, #tpu.memory_space<hbm>>
        tpu.enqueue_dma source(%dma_start3A_988 : memref<64xi32, #tpu.memory_space<hbm>>) target(%arg13 : memref<64xi32, #tpu.memory_space<vmem>>) target_semaphore(%arg30 : memref<!tpu.dma_semaphore, #tpu.memory_space<semaphore_mem>>)
      } else {
      }
      %add3A_347 = arith.constant 3 : i32
      %add3A_348 = arith.addi %add3A_333, %add3A_347 : i32
      %lt3A_349 = arith.cmpi slt, %add3A_348, %select_n3A : i32
      %convert_element_type3A_350 = arith.extui %lt3A_349 : i1 to i32
      %cond3A_351 = arith.constant 0 : i32
      %cond3A_352 = arith.cmpi ne, %convert_element_type3A_350, %cond3A_351 : i32
      scf.if %cond3A_352 {
        %dma_wait3A_978 = arith.constant 0 : i32
        %dma_wait3A_979 = tpu.memref_slice %arg3[%dma_wait3A_978] : memref<320000xi32, #tpu.memory_space<hbm>> -> memref<64xi32, #tpu.memory_space<hbm>>
        %dma_wait3A_980 = arith.constant 0 : i32
        %dma_wait3A_981 = tpu.memref_slice %arg3[%dma_wait3A_980] : memref<320000xi32, #tpu.memory_space<hbm>> -> memref<64xi32, #tpu.memory_space<hbm>>
        tpu.wait_dma2 semaphore(%arg27 : memref<!tpu.dma_semaphore, #tpu.memory_space<semaphore_mem>>) src(%dma_wait3A_981 : memref<64xi32, #tpu.memory_space<hbm>>) dst(%arg10 : memref<64xi32, #tpu.memory_space<vmem>>)
        %dma_wait3A_982 = arith.constant 0 : i32
        %dma_wait3A_983 = tpu.memref_slice %arg4[%dma_wait3A_982] : memref<320000xi32, #tpu.memory_space<hbm>> -> memref<64xi32, #tpu.memory_space<hbm>>
        %dma_wait3A_984 = arith.constant 0 : i32
        %dma_wait3A_985 = tpu.memref_slice %arg4[%dma_wait3A_984] : memref<320000xi32, #tpu.memory_space<hbm>> -> memref<64xi32, #tpu.memory_space<hbm>>
        tpu.wait_dma2 semaphore(%arg34 : memref<!tpu.dma_semaphore, #tpu.memory_space<semaphore_mem>>) src(%dma_wait3A_985 : memref<64xi32, #tpu.memory_space<hbm>>) dst(%arg17 : memref<64xi32, #tpu.memory_space<vmem>>)
        %dma_start3A_986 = arith.constant 0 : i32
        %dma_start3A_987 = arith.constant 0 : i32
        %dma_start3A_988 = tpu.memref_slice %arg2[%dma_start3A_986, %dma_start3A_987] : memref<10000x128xf32, #tpu.memory_space<hbm>> -> memref<10000x128xf32, #tpu.memory_space<hbm>>
        tpu.enqueue_indirect_dma source(%dma_start3A_988 : memref<10000x128xf32, #tpu.memory_space<hbm>>) target(%arg22 : memref<64x128xf32, #tpu.memory_space<vmem>>) offsets(%arg17 : memref<64xi32, #tpu.memory_space<vmem>>) semaphore(%arg39 : memref<!tpu.dma_semaphore, #tpu.memory_space<semaphore_mem>>)
      } else {
      }
      %lt3A_353 = arith.cmpi slt, %add3A_333, %select_n3A : i32
      %convert_element_type3A_354 = arith.extui %lt3A_353 : i1 to i32
      %cond3A_355 = arith.constant 0 : i32
      %cond3A_356 = arith.cmpi ne, %convert_element_type3A_354, %cond3A_355 : i32
      scf.if %cond3A_356 {
        %dma_wait3A_978 = arith.constant 0 : i32
        %dma_wait3A_979 = arith.constant 0 : i32
        %dma_wait3A_980 = tpu.memref_slice %arg2[%dma_wait3A_978, %dma_wait3A_979] : memref<10000x128xf32, #tpu.memory_space<hbm>> -> memref<10000x128xf32, #tpu.memory_space<hbm>>
        tpu.wait_indirect_dma semaphore(%arg36 : memref<!tpu.dma_semaphore, #tpu.memory_space<semaphore_mem>>) src(%dma_wait3A_980 : memref<10000x128xf32, #tpu.memory_space<hbm>>) dst(%arg19 : memref<64x128xf32, #tpu.memory_space<vmem>>)
        %dma_start3A_981 = arith.constant 0 : i32
        %dma_start3A_982 = arith.constant 0 : i32
        %dma_start3A_983 = tpu.memref_slice %arg23[%dma_start3A_981, %dma_start3A_982] : memref<10112x128xf32, #tpu.memory_space<vmem_shared>> -> memref<10112x128xf32, #tpu.memory_space<vmem_shared>>
        tpu.enqueue_indirect_dma source(%arg19 : memref<64x128xf32, #tpu.memory_space<vmem>>) target(%dma_start3A_983 : memref<10112x128xf32, #tpu.memory_space<vmem_shared>>) offsets(%arg7 : memref<64xi32, #tpu.memory_space<vmem>>) semaphore(%arg41 : memref<!tpu.dma_semaphore, #tpu.memory_space<semaphore_mem>>) {add = true}
      } else {
      }
      %mul3A_357 = arith.constant 30 : i32
      %mul3A_358 = arith.muli %add3A_168, %mul3A_357 : i32
      %add3A_359 = arith.constant 7 : i32
      %add3A_360 = arith.addi %mul3A_358, %add3A_359 : i32
      %ge3A_361 = arith.constant 2 : i32
      %ge3A_362 = arith.cmpi sge, %add3A_360, %ge3A_361 : i32
      %lt3A_363 = arith.cmpi slt, %add3A_360, %select_n3A : i32
      %and3A_364 = arith.andi %ge3A_362, %lt3A_363 : i1
      %convert_element_type3A_365 = arith.extui %and3A_364 : i1 to i32
      %cond3A_366 = arith.constant 0 : i32
      %cond3A_367 = arith.cmpi ne, %convert_element_type3A_365, %cond3A_366 : i32
      scf.if %cond3A_367 {
        %dma_wait3A_978 = arith.constant 0 : i32
        %dma_wait3A_979 = arith.constant 0 : i32
        %dma_wait3A_980 = tpu.memref_slice %arg23[%dma_wait3A_978, %dma_wait3A_979] : memref<10112x128xf32, #tpu.memory_space<vmem_shared>> -> memref<10112x128xf32, #tpu.memory_space<vmem_shared>>
        tpu.wait_indirect_dma semaphore(%arg40 : memref<!tpu.dma_semaphore, #tpu.memory_space<semaphore_mem>>) src(%arg18 : memref<64x128xf32, #tpu.memory_space<vmem>>) dst(%dma_wait3A_980 : memref<10112x128xf32, #tpu.memory_space<vmem_shared>>)
      } else {
      }
      %add3A_368 = arith.constant 4 : i32
      %add3A_369 = arith.addi %add3A_360, %add3A_368 : i32
      %lt3A_370 = arith.cmpi slt, %add3A_369, %select_n3A : i32
      %convert_element_type3A_371 = arith.extui %lt3A_370 : i1 to i32
      %cond3A_372 = arith.constant 0 : i32
      %cond3A_373 = arith.cmpi ne, %convert_element_type3A_371, %cond3A_372 : i32
      scf.if %cond3A_373 {
        %add3A_978 = arith.constant 4 : i32
        %add3A_979 = arith.addi %add3A_360, %add3A_978 : i32
        %mul3A_980 = arith.constant 32 : i32
        %mul3A_981 = arith.muli %add3A_979, %mul3A_980 : i32
        %add3A_982 = arith.addi %add3A, %mul3A_981 : i32
        %mul3A_983 = arith.constant 64 : i32
        %mul3A_984 = arith.muli %add3A_982, %mul3A_983 : i32
        %dma_start3A_985 = tpu.memref_slice %arg3[%mul3A_984] : memref<320000xi32, #tpu.memory_space<hbm>> -> memref<64xi32, #tpu.memory_space<hbm>>
        %dma_start3A_986 = tpu.memref_slice %arg3[%mul3A_984] : memref<320000xi32, #tpu.memory_space<hbm>> -> memref<64xi32, #tpu.memory_space<hbm>>
        tpu.enqueue_dma source(%dma_start3A_986 : memref<64xi32, #tpu.memory_space<hbm>>) target(%arg12 : memref<64xi32, #tpu.memory_space<vmem>>) target_semaphore(%arg29 : memref<!tpu.dma_semaphore, #tpu.memory_space<semaphore_mem>>)
        %dma_start3A_987 = tpu.memref_slice %arg4[%mul3A_984] : memref<320000xi32, #tpu.memory_space<hbm>> -> memref<64xi32, #tpu.memory_space<hbm>>
        %dma_start3A_988 = tpu.memref_slice %arg4[%mul3A_984] : memref<320000xi32, #tpu.memory_space<hbm>> -> memref<64xi32, #tpu.memory_space<hbm>>
        tpu.enqueue_dma source(%dma_start3A_988 : memref<64xi32, #tpu.memory_space<hbm>>) target(%arg14 : memref<64xi32, #tpu.memory_space<vmem>>) target_semaphore(%arg31 : memref<!tpu.dma_semaphore, #tpu.memory_space<semaphore_mem>>)
      } else {
      }
      %add3A_374 = arith.constant 3 : i32
      %add3A_375 = arith.addi %add3A_360, %add3A_374 : i32
      %lt3A_376 = arith.cmpi slt, %add3A_375, %select_n3A : i32
      %convert_element_type3A_377 = arith.extui %lt3A_376 : i1 to i32
      %cond3A_378 = arith.constant 0 : i32
      %cond3A_379 = arith.cmpi ne, %convert_element_type3A_377, %cond3A_378 : i32
      scf.if %cond3A_379 {
        %dma_wait3A_978 = arith.constant 0 : i32
        %dma_wait3A_979 = tpu.memref_slice %arg3[%dma_wait3A_978] : memref<320000xi32, #tpu.memory_space<hbm>> -> memref<64xi32, #tpu.memory_space<hbm>>
        %dma_wait3A_980 = arith.constant 0 : i32
        %dma_wait3A_981 = tpu.memref_slice %arg3[%dma_wait3A_980] : memref<320000xi32, #tpu.memory_space<hbm>> -> memref<64xi32, #tpu.memory_space<hbm>>
        tpu.wait_dma2 semaphore(%arg28 : memref<!tpu.dma_semaphore, #tpu.memory_space<semaphore_mem>>) src(%dma_wait3A_981 : memref<64xi32, #tpu.memory_space<hbm>>) dst(%arg11 : memref<64xi32, #tpu.memory_space<vmem>>)
        %dma_wait3A_982 = arith.constant 0 : i32
        %dma_wait3A_983 = tpu.memref_slice %arg4[%dma_wait3A_982] : memref<320000xi32, #tpu.memory_space<hbm>> -> memref<64xi32, #tpu.memory_space<hbm>>
        %dma_wait3A_984 = arith.constant 0 : i32
        %dma_wait3A_985 = tpu.memref_slice %arg4[%dma_wait3A_984] : memref<320000xi32, #tpu.memory_space<hbm>> -> memref<64xi32, #tpu.memory_space<hbm>>
        tpu.wait_dma2 semaphore(%arg30 : memref<!tpu.dma_semaphore, #tpu.memory_space<semaphore_mem>>) src(%dma_wait3A_985 : memref<64xi32, #tpu.memory_space<hbm>>) dst(%arg13 : memref<64xi32, #tpu.memory_space<vmem>>)
        %dma_start3A_986 = arith.constant 0 : i32
        %dma_start3A_987 = arith.constant 0 : i32
        %dma_start3A_988 = tpu.memref_slice %arg2[%dma_start3A_986, %dma_start3A_987] : memref<10000x128xf32, #tpu.memory_space<hbm>> -> memref<10000x128xf32, #tpu.memory_space<hbm>>
        tpu.enqueue_indirect_dma source(%dma_start3A_988 : memref<10000x128xf32, #tpu.memory_space<hbm>>) target(%arg18 : memref<64x128xf32, #tpu.memory_space<vmem>>) offsets(%arg13 : memref<64xi32, #tpu.memory_space<vmem>>) semaphore(%arg35 : memref<!tpu.dma_semaphore, #tpu.memory_space<semaphore_mem>>)
      } else {
      }
      %lt3A_380 = arith.cmpi slt, %add3A_360, %select_n3A : i32
      %convert_element_type3A_381 = arith.extui %lt3A_380 : i1 to i32
      %cond3A_382 = arith.constant 0 : i32
      %cond3A_383 = arith.cmpi ne, %convert_element_type3A_381, %cond3A_382 : i32
      scf.if %cond3A_383 {
        %dma_wait3A_978 = arith.constant 0 : i32
        %dma_wait3A_979 = arith.constant 0 : i32
        %dma_wait3A_980 = tpu.memref_slice %arg2[%dma_wait3A_978, %dma_wait3A_979] : memref<10000x128xf32, #tpu.memory_space<hbm>> -> memref<10000x128xf32, #tpu.memory_space<hbm>>
        tpu.wait_indirect_dma semaphore(%arg37 : memref<!tpu.dma_semaphore, #tpu.memory_space<semaphore_mem>>) src(%dma_wait3A_980 : memref<10000x128xf32, #tpu.memory_space<hbm>>) dst(%arg20 : memref<64x128xf32, #tpu.memory_space<vmem>>)
        %dma_start3A_981 = arith.constant 0 : i32
        %dma_start3A_982 = arith.constant 0 : i32
        %dma_start3A_983 = tpu.memref_slice %arg23[%dma_start3A_981, %dma_start3A_982] : memref<10112x128xf32, #tpu.memory_space<vmem_shared>> -> memref<10112x128xf32, #tpu.memory_space<vmem_shared>>
        tpu.enqueue_indirect_dma source(%arg20 : memref<64x128xf32, #tpu.memory_space<vmem>>) target(%dma_start3A_983 : memref<10112x128xf32, #tpu.memory_space<vmem_shared>>) offsets(%arg8 : memref<64xi32, #tpu.memory_space<vmem>>) semaphore(%arg42 : memref<!tpu.dma_semaphore, #tpu.memory_space<semaphore_mem>>) {add = true}
      } else {
      }
      %mul3A_384 = arith.constant 30 : i32
      %mul3A_385 = arith.muli %add3A_168, %mul3A_384 : i32
      %add3A_386 = arith.constant 8 : i32
      %add3A_387 = arith.addi %mul3A_385, %add3A_386 : i32
      %ge3A_388 = arith.constant 2 : i32
      %ge3A_389 = arith.cmpi sge, %add3A_387, %ge3A_388 : i32
      %lt3A_390 = arith.cmpi slt, %add3A_387, %select_n3A : i32
      %and3A_391 = arith.andi %ge3A_389, %lt3A_390 : i1
      %convert_element_type3A_392 = arith.extui %and3A_391 : i1 to i32
      %cond3A_393 = arith.constant 0 : i32
      %cond3A_394 = arith.cmpi ne, %convert_element_type3A_392, %cond3A_393 : i32
      scf.if %cond3A_394 {
        %dma_wait3A_978 = arith.constant 0 : i32
        %dma_wait3A_979 = arith.constant 0 : i32
        %dma_wait3A_980 = tpu.memref_slice %arg23[%dma_wait3A_978, %dma_wait3A_979] : memref<10112x128xf32, #tpu.memory_space<vmem_shared>> -> memref<10112x128xf32, #tpu.memory_space<vmem_shared>>
        tpu.wait_indirect_dma semaphore(%arg41 : memref<!tpu.dma_semaphore, #tpu.memory_space<semaphore_mem>>) src(%arg19 : memref<64x128xf32, #tpu.memory_space<vmem>>) dst(%dma_wait3A_980 : memref<10112x128xf32, #tpu.memory_space<vmem_shared>>)
      } else {
      }
      %add3A_395 = arith.constant 4 : i32
      %add3A_396 = arith.addi %add3A_387, %add3A_395 : i32
      %lt3A_397 = arith.cmpi slt, %add3A_396, %select_n3A : i32
      %convert_element_type3A_398 = arith.extui %lt3A_397 : i1 to i32
      %cond3A_399 = arith.constant 0 : i32
      %cond3A_400 = arith.cmpi ne, %convert_element_type3A_398, %cond3A_399 : i32
      scf.if %cond3A_400 {
        %add3A_978 = arith.constant 4 : i32
        %add3A_979 = arith.addi %add3A_387, %add3A_978 : i32
        %mul3A_980 = arith.constant 32 : i32
        %mul3A_981 = arith.muli %add3A_979, %mul3A_980 : i32
        %add3A_982 = arith.addi %add3A, %mul3A_981 : i32
        %mul3A_983 = arith.constant 64 : i32
        %mul3A_984 = arith.muli %add3A_982, %mul3A_983 : i32
        %dma_start3A_985 = tpu.memref_slice %arg3[%mul3A_984] : memref<320000xi32, #tpu.memory_space<hbm>> -> memref<64xi32, #tpu.memory_space<hbm>>
        %dma_start3A_986 = tpu.memref_slice %arg3[%mul3A_984] : memref<320000xi32, #tpu.memory_space<hbm>> -> memref<64xi32, #tpu.memory_space<hbm>>
        tpu.enqueue_dma source(%dma_start3A_986 : memref<64xi32, #tpu.memory_space<hbm>>) target(%arg7 : memref<64xi32, #tpu.memory_space<vmem>>) target_semaphore(%arg24 : memref<!tpu.dma_semaphore, #tpu.memory_space<semaphore_mem>>)
        %dma_start3A_987 = tpu.memref_slice %arg4[%mul3A_984] : memref<320000xi32, #tpu.memory_space<hbm>> -> memref<64xi32, #tpu.memory_space<hbm>>
        %dma_start3A_988 = tpu.memref_slice %arg4[%mul3A_984] : memref<320000xi32, #tpu.memory_space<hbm>> -> memref<64xi32, #tpu.memory_space<hbm>>
        tpu.enqueue_dma source(%dma_start3A_988 : memref<64xi32, #tpu.memory_space<hbm>>) target(%arg15 : memref<64xi32, #tpu.memory_space<vmem>>) target_semaphore(%arg32 : memref<!tpu.dma_semaphore, #tpu.memory_space<semaphore_mem>>)
      } else {
      }
      %add3A_401 = arith.constant 3 : i32
      %add3A_402 = arith.addi %add3A_387, %add3A_401 : i32
      %lt3A_403 = arith.cmpi slt, %add3A_402, %select_n3A : i32
      %convert_element_type3A_404 = arith.extui %lt3A_403 : i1 to i32
      %cond3A_405 = arith.constant 0 : i32
      %cond3A_406 = arith.cmpi ne, %convert_element_type3A_404, %cond3A_405 : i32
      scf.if %cond3A_406 {
        %dma_wait3A_978 = arith.constant 0 : i32
        %dma_wait3A_979 = tpu.memref_slice %arg3[%dma_wait3A_978] : memref<320000xi32, #tpu.memory_space<hbm>> -> memref<64xi32, #tpu.memory_space<hbm>>
        %dma_wait3A_980 = arith.constant 0 : i32
        %dma_wait3A_981 = tpu.memref_slice %arg3[%dma_wait3A_980] : memref<320000xi32, #tpu.memory_space<hbm>> -> memref<64xi32, #tpu.memory_space<hbm>>
        tpu.wait_dma2 semaphore(%arg29 : memref<!tpu.dma_semaphore, #tpu.memory_space<semaphore_mem>>) src(%dma_wait3A_981 : memref<64xi32, #tpu.memory_space<hbm>>) dst(%arg12 : memref<64xi32, #tpu.memory_space<vmem>>)
        %dma_wait3A_982 = arith.constant 0 : i32
        %dma_wait3A_983 = tpu.memref_slice %arg4[%dma_wait3A_982] : memref<320000xi32, #tpu.memory_space<hbm>> -> memref<64xi32, #tpu.memory_space<hbm>>
        %dma_wait3A_984 = arith.constant 0 : i32
        %dma_wait3A_985 = tpu.memref_slice %arg4[%dma_wait3A_984] : memref<320000xi32, #tpu.memory_space<hbm>> -> memref<64xi32, #tpu.memory_space<hbm>>
        tpu.wait_dma2 semaphore(%arg31 : memref<!tpu.dma_semaphore, #tpu.memory_space<semaphore_mem>>) src(%dma_wait3A_985 : memref<64xi32, #tpu.memory_space<hbm>>) dst(%arg14 : memref<64xi32, #tpu.memory_space<vmem>>)
        %dma_start3A_986 = arith.constant 0 : i32
        %dma_start3A_987 = arith.constant 0 : i32
        %dma_start3A_988 = tpu.memref_slice %arg2[%dma_start3A_986, %dma_start3A_987] : memref<10000x128xf32, #tpu.memory_space<hbm>> -> memref<10000x128xf32, #tpu.memory_space<hbm>>
        tpu.enqueue_indirect_dma source(%dma_start3A_988 : memref<10000x128xf32, #tpu.memory_space<hbm>>) target(%arg19 : memref<64x128xf32, #tpu.memory_space<vmem>>) offsets(%arg14 : memref<64xi32, #tpu.memory_space<vmem>>) semaphore(%arg36 : memref<!tpu.dma_semaphore, #tpu.memory_space<semaphore_mem>>)
      } else {
      }
      %lt3A_407 = arith.cmpi slt, %add3A_387, %select_n3A : i32
      %convert_element_type3A_408 = arith.extui %lt3A_407 : i1 to i32
      %cond3A_409 = arith.constant 0 : i32
      %cond3A_410 = arith.cmpi ne, %convert_element_type3A_408, %cond3A_409 : i32
      scf.if %cond3A_410 {
        %dma_wait3A_978 = arith.constant 0 : i32
        %dma_wait3A_979 = arith.constant 0 : i32
        %dma_wait3A_980 = tpu.memref_slice %arg2[%dma_wait3A_978, %dma_wait3A_979] : memref<10000x128xf32, #tpu.memory_space<hbm>> -> memref<10000x128xf32, #tpu.memory_space<hbm>>
        tpu.wait_indirect_dma semaphore(%arg38 : memref<!tpu.dma_semaphore, #tpu.memory_space<semaphore_mem>>) src(%dma_wait3A_980 : memref<10000x128xf32, #tpu.memory_space<hbm>>) dst(%arg21 : memref<64x128xf32, #tpu.memory_space<vmem>>)
        %dma_start3A_981 = arith.constant 0 : i32
        %dma_start3A_982 = arith.constant 0 : i32
        %dma_start3A_983 = tpu.memref_slice %arg23[%dma_start3A_981, %dma_start3A_982] : memref<10112x128xf32, #tpu.memory_space<vmem_shared>> -> memref<10112x128xf32, #tpu.memory_space<vmem_shared>>
        tpu.enqueue_indirect_dma source(%arg21 : memref<64x128xf32, #tpu.memory_space<vmem>>) target(%dma_start3A_983 : memref<10112x128xf32, #tpu.memory_space<vmem_shared>>) offsets(%arg9 : memref<64xi32, #tpu.memory_space<vmem>>) semaphore(%arg43 : memref<!tpu.dma_semaphore, #tpu.memory_space<semaphore_mem>>) {add = true}
      } else {
      }
      %mul3A_411 = arith.constant 30 : i32
      %mul3A_412 = arith.muli %add3A_168, %mul3A_411 : i32
      %add3A_413 = arith.constant 9 : i32
      %add3A_414 = arith.addi %mul3A_412, %add3A_413 : i32
      %ge3A_415 = arith.constant 2 : i32
      %ge3A_416 = arith.cmpi sge, %add3A_414, %ge3A_415 : i32
      %lt3A_417 = arith.cmpi slt, %add3A_414, %select_n3A : i32
      %and3A_418 = arith.andi %ge3A_416, %lt3A_417 : i1
      %convert_element_type3A_419 = arith.extui %and3A_418 : i1 to i32
      %cond3A_420 = arith.constant 0 : i32
      %cond3A_421 = arith.cmpi ne, %convert_element_type3A_419, %cond3A_420 : i32
      scf.if %cond3A_421 {
        %dma_wait3A_978 = arith.constant 0 : i32
        %dma_wait3A_979 = arith.constant 0 : i32
        %dma_wait3A_980 = tpu.memref_slice %arg23[%dma_wait3A_978, %dma_wait3A_979] : memref<10112x128xf32, #tpu.memory_space<vmem_shared>> -> memref<10112x128xf32, #tpu.memory_space<vmem_shared>>
        tpu.wait_indirect_dma semaphore(%arg42 : memref<!tpu.dma_semaphore, #tpu.memory_space<semaphore_mem>>) src(%arg20 : memref<64x128xf32, #tpu.memory_space<vmem>>) dst(%dma_wait3A_980 : memref<10112x128xf32, #tpu.memory_space<vmem_shared>>)
      } else {
      }
      %add3A_422 = arith.constant 4 : i32
      %add3A_423 = arith.addi %add3A_414, %add3A_422 : i32
      %lt3A_424 = arith.cmpi slt, %add3A_423, %select_n3A : i32
      %convert_element_type3A_425 = arith.extui %lt3A_424 : i1 to i32
      %cond3A_426 = arith.constant 0 : i32
      %cond3A_427 = arith.cmpi ne, %convert_element_type3A_425, %cond3A_426 : i32
      scf.if %cond3A_427 {
        %add3A_978 = arith.constant 4 : i32
        %add3A_979 = arith.addi %add3A_414, %add3A_978 : i32
        %mul3A_980 = arith.constant 32 : i32
        %mul3A_981 = arith.muli %add3A_979, %mul3A_980 : i32
        %add3A_982 = arith.addi %add3A, %mul3A_981 : i32
        %mul3A_983 = arith.constant 64 : i32
        %mul3A_984 = arith.muli %add3A_982, %mul3A_983 : i32
        %dma_start3A_985 = tpu.memref_slice %arg3[%mul3A_984] : memref<320000xi32, #tpu.memory_space<hbm>> -> memref<64xi32, #tpu.memory_space<hbm>>
        %dma_start3A_986 = tpu.memref_slice %arg3[%mul3A_984] : memref<320000xi32, #tpu.memory_space<hbm>> -> memref<64xi32, #tpu.memory_space<hbm>>
        tpu.enqueue_dma source(%dma_start3A_986 : memref<64xi32, #tpu.memory_space<hbm>>) target(%arg8 : memref<64xi32, #tpu.memory_space<vmem>>) target_semaphore(%arg25 : memref<!tpu.dma_semaphore, #tpu.memory_space<semaphore_mem>>)
        %dma_start3A_987 = tpu.memref_slice %arg4[%mul3A_984] : memref<320000xi32, #tpu.memory_space<hbm>> -> memref<64xi32, #tpu.memory_space<hbm>>
        %dma_start3A_988 = tpu.memref_slice %arg4[%mul3A_984] : memref<320000xi32, #tpu.memory_space<hbm>> -> memref<64xi32, #tpu.memory_space<hbm>>
        tpu.enqueue_dma source(%dma_start3A_988 : memref<64xi32, #tpu.memory_space<hbm>>) target(%arg16 : memref<64xi32, #tpu.memory_space<vmem>>) target_semaphore(%arg33 : memref<!tpu.dma_semaphore, #tpu.memory_space<semaphore_mem>>)
      } else {
      }
      %add3A_428 = arith.constant 3 : i32
      %add3A_429 = arith.addi %add3A_414, %add3A_428 : i32
      %lt3A_430 = arith.cmpi slt, %add3A_429, %select_n3A : i32
      %convert_element_type3A_431 = arith.extui %lt3A_430 : i1 to i32
      %cond3A_432 = arith.constant 0 : i32
      %cond3A_433 = arith.cmpi ne, %convert_element_type3A_431, %cond3A_432 : i32
      scf.if %cond3A_433 {
        %dma_wait3A_978 = arith.constant 0 : i32
        %dma_wait3A_979 = tpu.memref_slice %arg3[%dma_wait3A_978] : memref<320000xi32, #tpu.memory_space<hbm>> -> memref<64xi32, #tpu.memory_space<hbm>>
        %dma_wait3A_980 = arith.constant 0 : i32
        %dma_wait3A_981 = tpu.memref_slice %arg3[%dma_wait3A_980] : memref<320000xi32, #tpu.memory_space<hbm>> -> memref<64xi32, #tpu.memory_space<hbm>>
        tpu.wait_dma2 semaphore(%arg24 : memref<!tpu.dma_semaphore, #tpu.memory_space<semaphore_mem>>) src(%dma_wait3A_981 : memref<64xi32, #tpu.memory_space<hbm>>) dst(%arg7 : memref<64xi32, #tpu.memory_space<vmem>>)
        %dma_wait3A_982 = arith.constant 0 : i32
        %dma_wait3A_983 = tpu.memref_slice %arg4[%dma_wait3A_982] : memref<320000xi32, #tpu.memory_space<hbm>> -> memref<64xi32, #tpu.memory_space<hbm>>
        %dma_wait3A_984 = arith.constant 0 : i32
        %dma_wait3A_985 = tpu.memref_slice %arg4[%dma_wait3A_984] : memref<320000xi32, #tpu.memory_space<hbm>> -> memref<64xi32, #tpu.memory_space<hbm>>
        tpu.wait_dma2 semaphore(%arg32 : memref<!tpu.dma_semaphore, #tpu.memory_space<semaphore_mem>>) src(%dma_wait3A_985 : memref<64xi32, #tpu.memory_space<hbm>>) dst(%arg15 : memref<64xi32, #tpu.memory_space<vmem>>)
        %dma_start3A_986 = arith.constant 0 : i32
        %dma_start3A_987 = arith.constant 0 : i32
        %dma_start3A_988 = tpu.memref_slice %arg2[%dma_start3A_986, %dma_start3A_987] : memref<10000x128xf32, #tpu.memory_space<hbm>> -> memref<10000x128xf32, #tpu.memory_space<hbm>>
        tpu.enqueue_indirect_dma source(%dma_start3A_988 : memref<10000x128xf32, #tpu.memory_space<hbm>>) target(%arg20 : memref<64x128xf32, #tpu.memory_space<vmem>>) offsets(%arg15 : memref<64xi32, #tpu.memory_space<vmem>>) semaphore(%arg37 : memref<!tpu.dma_semaphore, #tpu.memory_space<semaphore_mem>>)
      } else {
      }
      %lt3A_434 = arith.cmpi slt, %add3A_414, %select_n3A : i32
      %convert_element_type3A_435 = arith.extui %lt3A_434 : i1 to i32
      %cond3A_436 = arith.constant 0 : i32
      %cond3A_437 = arith.cmpi ne, %convert_element_type3A_435, %cond3A_436 : i32
      scf.if %cond3A_437 {
        %dma_wait3A_978 = arith.constant 0 : i32
        %dma_wait3A_979 = arith.constant 0 : i32
        %dma_wait3A_980 = tpu.memref_slice %arg2[%dma_wait3A_978, %dma_wait3A_979] : memref<10000x128xf32, #tpu.memory_space<hbm>> -> memref<10000x128xf32, #tpu.memory_space<hbm>>
        tpu.wait_indirect_dma semaphore(%arg39 : memref<!tpu.dma_semaphore, #tpu.memory_space<semaphore_mem>>) src(%dma_wait3A_980 : memref<10000x128xf32, #tpu.memory_space<hbm>>) dst(%arg22 : memref<64x128xf32, #tpu.memory_space<vmem>>)
        %dma_start3A_981 = arith.constant 0 : i32
        %dma_start3A_982 = arith.constant 0 : i32
        %dma_start3A_983 = tpu.memref_slice %arg23[%dma_start3A_981, %dma_start3A_982] : memref<10112x128xf32, #tpu.memory_space<vmem_shared>> -> memref<10112x128xf32, #tpu.memory_space<vmem_shared>>
        tpu.enqueue_indirect_dma source(%arg22 : memref<64x128xf32, #tpu.memory_space<vmem>>) target(%dma_start3A_983 : memref<10112x128xf32, #tpu.memory_space<vmem_shared>>) offsets(%arg10 : memref<64xi32, #tpu.memory_space<vmem>>) semaphore(%arg44 : memref<!tpu.dma_semaphore, #tpu.memory_space<semaphore_mem>>) {add = true}
      } else {
      }
      %mul3A_438 = arith.constant 30 : i32
      %mul3A_439 = arith.muli %add3A_168, %mul3A_438 : i32
      %add3A_440 = arith.constant 10 : i32
      %add3A_441 = arith.addi %mul3A_439, %add3A_440 : i32
      %ge3A_442 = arith.constant 2 : i32
      %ge3A_443 = arith.cmpi sge, %add3A_441, %ge3A_442 : i32
      %lt3A_444 = arith.cmpi slt, %add3A_441, %select_n3A : i32
      %and3A_445 = arith.andi %ge3A_443, %lt3A_444 : i1
      %convert_element_type3A_446 = arith.extui %and3A_445 : i1 to i32
      %cond3A_447 = arith.constant 0 : i32
      %cond3A_448 = arith.cmpi ne, %convert_element_type3A_446, %cond3A_447 : i32
      scf.if %cond3A_448 {
        %dma_wait3A_978 = arith.constant 0 : i32
        %dma_wait3A_979 = arith.constant 0 : i32
        %dma_wait3A_980 = tpu.memref_slice %arg23[%dma_wait3A_978, %dma_wait3A_979] : memref<10112x128xf32, #tpu.memory_space<vmem_shared>> -> memref<10112x128xf32, #tpu.memory_space<vmem_shared>>
        tpu.wait_indirect_dma semaphore(%arg43 : memref<!tpu.dma_semaphore, #tpu.memory_space<semaphore_mem>>) src(%arg21 : memref<64x128xf32, #tpu.memory_space<vmem>>) dst(%dma_wait3A_980 : memref<10112x128xf32, #tpu.memory_space<vmem_shared>>)
      } else {
      }
      %add3A_449 = arith.constant 4 : i32
      %add3A_450 = arith.addi %add3A_441, %add3A_449 : i32
      %lt3A_451 = arith.cmpi slt, %add3A_450, %select_n3A : i32
      %convert_element_type3A_452 = arith.extui %lt3A_451 : i1 to i32
      %cond3A_453 = arith.constant 0 : i32
      %cond3A_454 = arith.cmpi ne, %convert_element_type3A_452, %cond3A_453 : i32
      scf.if %cond3A_454 {
        %add3A_978 = arith.constant 4 : i32
        %add3A_979 = arith.addi %add3A_441, %add3A_978 : i32
        %mul3A_980 = arith.constant 32 : i32
        %mul3A_981 = arith.muli %add3A_979, %mul3A_980 : i32
        %add3A_982 = arith.addi %add3A, %mul3A_981 : i32
        %mul3A_983 = arith.constant 64 : i32
        %mul3A_984 = arith.muli %add3A_982, %mul3A_983 : i32
        %dma_start3A_985 = tpu.memref_slice %arg3[%mul3A_984] : memref<320000xi32, #tpu.memory_space<hbm>> -> memref<64xi32, #tpu.memory_space<hbm>>
        %dma_start3A_986 = tpu.memref_slice %arg3[%mul3A_984] : memref<320000xi32, #tpu.memory_space<hbm>> -> memref<64xi32, #tpu.memory_space<hbm>>
        tpu.enqueue_dma source(%dma_start3A_986 : memref<64xi32, #tpu.memory_space<hbm>>) target(%arg9 : memref<64xi32, #tpu.memory_space<vmem>>) target_semaphore(%arg26 : memref<!tpu.dma_semaphore, #tpu.memory_space<semaphore_mem>>)
        %dma_start3A_987 = tpu.memref_slice %arg4[%mul3A_984] : memref<320000xi32, #tpu.memory_space<hbm>> -> memref<64xi32, #tpu.memory_space<hbm>>
        %dma_start3A_988 = tpu.memref_slice %arg4[%mul3A_984] : memref<320000xi32, #tpu.memory_space<hbm>> -> memref<64xi32, #tpu.memory_space<hbm>>
        tpu.enqueue_dma source(%dma_start3A_988 : memref<64xi32, #tpu.memory_space<hbm>>) target(%arg17 : memref<64xi32, #tpu.memory_space<vmem>>) target_semaphore(%arg34 : memref<!tpu.dma_semaphore, #tpu.memory_space<semaphore_mem>>)
      } else {
      }
      %add3A_455 = arith.constant 3 : i32
      %add3A_456 = arith.addi %add3A_441, %add3A_455 : i32
      %lt3A_457 = arith.cmpi slt, %add3A_456, %select_n3A : i32
      %convert_element_type3A_458 = arith.extui %lt3A_457 : i1 to i32
      %cond3A_459 = arith.constant 0 : i32
      %cond3A_460 = arith.cmpi ne, %convert_element_type3A_458, %cond3A_459 : i32
      scf.if %cond3A_460 {
        %dma_wait3A_978 = arith.constant 0 : i32
        %dma_wait3A_979 = tpu.memref_slice %arg3[%dma_wait3A_978] : memref<320000xi32, #tpu.memory_space<hbm>> -> memref<64xi32, #tpu.memory_space<hbm>>
        %dma_wait3A_980 = arith.constant 0 : i32
        %dma_wait3A_981 = tpu.memref_slice %arg3[%dma_wait3A_980] : memref<320000xi32, #tpu.memory_space<hbm>> -> memref<64xi32, #tpu.memory_space<hbm>>
        tpu.wait_dma2 semaphore(%arg25 : memref<!tpu.dma_semaphore, #tpu.memory_space<semaphore_mem>>) src(%dma_wait3A_981 : memref<64xi32, #tpu.memory_space<hbm>>) dst(%arg8 : memref<64xi32, #tpu.memory_space<vmem>>)
        %dma_wait3A_982 = arith.constant 0 : i32
        %dma_wait3A_983 = tpu.memref_slice %arg4[%dma_wait3A_982] : memref<320000xi32, #tpu.memory_space<hbm>> -> memref<64xi32, #tpu.memory_space<hbm>>
        %dma_wait3A_984 = arith.constant 0 : i32
        %dma_wait3A_985 = tpu.memref_slice %arg4[%dma_wait3A_984] : memref<320000xi32, #tpu.memory_space<hbm>> -> memref<64xi32, #tpu.memory_space<hbm>>
        tpu.wait_dma2 semaphore(%arg33 : memref<!tpu.dma_semaphore, #tpu.memory_space<semaphore_mem>>) src(%dma_wait3A_985 : memref<64xi32, #tpu.memory_space<hbm>>) dst(%arg16 : memref<64xi32, #tpu.memory_space<vmem>>)
        %dma_start3A_986 = arith.constant 0 : i32
        %dma_start3A_987 = arith.constant 0 : i32
        %dma_start3A_988 = tpu.memref_slice %arg2[%dma_start3A_986, %dma_start3A_987] : memref<10000x128xf32, #tpu.memory_space<hbm>> -> memref<10000x128xf32, #tpu.memory_space<hbm>>
        tpu.enqueue_indirect_dma source(%dma_start3A_988 : memref<10000x128xf32, #tpu.memory_space<hbm>>) target(%arg21 : memref<64x128xf32, #tpu.memory_space<vmem>>) offsets(%arg16 : memref<64xi32, #tpu.memory_space<vmem>>) semaphore(%arg38 : memref<!tpu.dma_semaphore, #tpu.memory_space<semaphore_mem>>)
      } else {
      }
      %lt3A_461 = arith.cmpi slt, %add3A_441, %select_n3A : i32
      %convert_element_type3A_462 = arith.extui %lt3A_461 : i1 to i32
      %cond3A_463 = arith.constant 0 : i32
      %cond3A_464 = arith.cmpi ne, %convert_element_type3A_462, %cond3A_463 : i32
      scf.if %cond3A_464 {
        %dma_wait3A_978 = arith.constant 0 : i32
        %dma_wait3A_979 = arith.constant 0 : i32
        %dma_wait3A_980 = tpu.memref_slice %arg2[%dma_wait3A_978, %dma_wait3A_979] : memref<10000x128xf32, #tpu.memory_space<hbm>> -> memref<10000x128xf32, #tpu.memory_space<hbm>>
        tpu.wait_indirect_dma semaphore(%arg35 : memref<!tpu.dma_semaphore, #tpu.memory_space<semaphore_mem>>) src(%dma_wait3A_980 : memref<10000x128xf32, #tpu.memory_space<hbm>>) dst(%arg18 : memref<64x128xf32, #tpu.memory_space<vmem>>)
        %dma_start3A_981 = arith.constant 0 : i32
        %dma_start3A_982 = arith.constant 0 : i32
        %dma_start3A_983 = tpu.memref_slice %arg23[%dma_start3A_981, %dma_start3A_982] : memref<10112x128xf32, #tpu.memory_space<vmem_shared>> -> memref<10112x128xf32, #tpu.memory_space<vmem_shared>>
        tpu.enqueue_indirect_dma source(%arg18 : memref<64x128xf32, #tpu.memory_space<vmem>>) target(%dma_start3A_983 : memref<10112x128xf32, #tpu.memory_space<vmem_shared>>) offsets(%arg11 : memref<64xi32, #tpu.memory_space<vmem>>) semaphore(%arg40 : memref<!tpu.dma_semaphore, #tpu.memory_space<semaphore_mem>>) {add = true}
      } else {
      }
      %mul3A_465 = arith.constant 30 : i32
      %mul3A_466 = arith.muli %add3A_168, %mul3A_465 : i32
      %add3A_467 = arith.constant 11 : i32
      %add3A_468 = arith.addi %mul3A_466, %add3A_467 : i32
      %ge3A_469 = arith.constant 2 : i32
      %ge3A_470 = arith.cmpi sge, %add3A_468, %ge3A_469 : i32
      %lt3A_471 = arith.cmpi slt, %add3A_468, %select_n3A : i32
      %and3A_472 = arith.andi %ge3A_470, %lt3A_471 : i1
      %convert_element_type3A_473 = arith.extui %and3A_472 : i1 to i32
      %cond3A_474 = arith.constant 0 : i32
      %cond3A_475 = arith.cmpi ne, %convert_element_type3A_473, %cond3A_474 : i32
      scf.if %cond3A_475 {
        %dma_wait3A_978 = arith.constant 0 : i32
        %dma_wait3A_979 = arith.constant 0 : i32
        %dma_wait3A_980 = tpu.memref_slice %arg23[%dma_wait3A_978, %dma_wait3A_979] : memref<10112x128xf32, #tpu.memory_space<vmem_shared>> -> memref<10112x128xf32, #tpu.memory_space<vmem_shared>>
        tpu.wait_indirect_dma semaphore(%arg44 : memref<!tpu.dma_semaphore, #tpu.memory_space<semaphore_mem>>) src(%arg22 : memref<64x128xf32, #tpu.memory_space<vmem>>) dst(%dma_wait3A_980 : memref<10112x128xf32, #tpu.memory_space<vmem_shared>>)
      } else {
      }
      %add3A_476 = arith.constant 4 : i32
      %add3A_477 = arith.addi %add3A_468, %add3A_476 : i32
      %lt3A_478 = arith.cmpi slt, %add3A_477, %select_n3A : i32
      %convert_element_type3A_479 = arith.extui %lt3A_478 : i1 to i32
      %cond3A_480 = arith.constant 0 : i32
      %cond3A_481 = arith.cmpi ne, %convert_element_type3A_479, %cond3A_480 : i32
      scf.if %cond3A_481 {
        %add3A_978 = arith.constant 4 : i32
        %add3A_979 = arith.addi %add3A_468, %add3A_978 : i32
        %mul3A_980 = arith.constant 32 : i32
        %mul3A_981 = arith.muli %add3A_979, %mul3A_980 : i32
        %add3A_982 = arith.addi %add3A, %mul3A_981 : i32
        %mul3A_983 = arith.constant 64 : i32
        %mul3A_984 = arith.muli %add3A_982, %mul3A_983 : i32
        %dma_start3A_985 = tpu.memref_slice %arg3[%mul3A_984] : memref<320000xi32, #tpu.memory_space<hbm>> -> memref<64xi32, #tpu.memory_space<hbm>>
        %dma_start3A_986 = tpu.memref_slice %arg3[%mul3A_984] : memref<320000xi32, #tpu.memory_space<hbm>> -> memref<64xi32, #tpu.memory_space<hbm>>
        tpu.enqueue_dma source(%dma_start3A_986 : memref<64xi32, #tpu.memory_space<hbm>>) target(%arg10 : memref<64xi32, #tpu.memory_space<vmem>>) target_semaphore(%arg27 : memref<!tpu.dma_semaphore, #tpu.memory_space<semaphore_mem>>)
        %dma_start3A_987 = tpu.memref_slice %arg4[%mul3A_984] : memref<320000xi32, #tpu.memory_space<hbm>> -> memref<64xi32, #tpu.memory_space<hbm>>
        %dma_start3A_988 = tpu.memref_slice %arg4[%mul3A_984] : memref<320000xi32, #tpu.memory_space<hbm>> -> memref<64xi32, #tpu.memory_space<hbm>>
        tpu.enqueue_dma source(%dma_start3A_988 : memref<64xi32, #tpu.memory_space<hbm>>) target(%arg13 : memref<64xi32, #tpu.memory_space<vmem>>) target_semaphore(%arg30 : memref<!tpu.dma_semaphore, #tpu.memory_space<semaphore_mem>>)
      } else {
      }
      %add3A_482 = arith.constant 3 : i32
      %add3A_483 = arith.addi %add3A_468, %add3A_482 : i32
      %lt3A_484 = arith.cmpi slt, %add3A_483, %select_n3A : i32
      %convert_element_type3A_485 = arith.extui %lt3A_484 : i1 to i32
      %cond3A_486 = arith.constant 0 : i32
      %cond3A_487 = arith.cmpi ne, %convert_element_type3A_485, %cond3A_486 : i32
      scf.if %cond3A_487 {
        %dma_wait3A_978 = arith.constant 0 : i32
        %dma_wait3A_979 = tpu.memref_slice %arg3[%dma_wait3A_978] : memref<320000xi32, #tpu.memory_space<hbm>> -> memref<64xi32, #tpu.memory_space<hbm>>
        %dma_wait3A_980 = arith.constant 0 : i32
        %dma_wait3A_981 = tpu.memref_slice %arg3[%dma_wait3A_980] : memref<320000xi32, #tpu.memory_space<hbm>> -> memref<64xi32, #tpu.memory_space<hbm>>
        tpu.wait_dma2 semaphore(%arg26 : memref<!tpu.dma_semaphore, #tpu.memory_space<semaphore_mem>>) src(%dma_wait3A_981 : memref<64xi32, #tpu.memory_space<hbm>>) dst(%arg9 : memref<64xi32, #tpu.memory_space<vmem>>)
        %dma_wait3A_982 = arith.constant 0 : i32
        %dma_wait3A_983 = tpu.memref_slice %arg4[%dma_wait3A_982] : memref<320000xi32, #tpu.memory_space<hbm>> -> memref<64xi32, #tpu.memory_space<hbm>>
        %dma_wait3A_984 = arith.constant 0 : i32
        %dma_wait3A_985 = tpu.memref_slice %arg4[%dma_wait3A_984] : memref<320000xi32, #tpu.memory_space<hbm>> -> memref<64xi32, #tpu.memory_space<hbm>>
        tpu.wait_dma2 semaphore(%arg34 : memref<!tpu.dma_semaphore, #tpu.memory_space<semaphore_mem>>) src(%dma_wait3A_985 : memref<64xi32, #tpu.memory_space<hbm>>) dst(%arg17 : memref<64xi32, #tpu.memory_space<vmem>>)
        %dma_start3A_986 = arith.constant 0 : i32
        %dma_start3A_987 = arith.constant 0 : i32
        %dma_start3A_988 = tpu.memref_slice %arg2[%dma_start3A_986, %dma_start3A_987] : memref<10000x128xf32, #tpu.memory_space<hbm>> -> memref<10000x128xf32, #tpu.memory_space<hbm>>
        tpu.enqueue_indirect_dma source(%dma_start3A_988 : memref<10000x128xf32, #tpu.memory_space<hbm>>) target(%arg22 : memref<64x128xf32, #tpu.memory_space<vmem>>) offsets(%arg17 : memref<64xi32, #tpu.memory_space<vmem>>) semaphore(%arg39 : memref<!tpu.dma_semaphore, #tpu.memory_space<semaphore_mem>>)
      } else {
      }
      %lt3A_488 = arith.cmpi slt, %add3A_468, %select_n3A : i32
      %convert_element_type3A_489 = arith.extui %lt3A_488 : i1 to i32
      %cond3A_490 = arith.constant 0 : i32
      %cond3A_491 = arith.cmpi ne, %convert_element_type3A_489, %cond3A_490 : i32
      scf.if %cond3A_491 {
        %dma_wait3A_978 = arith.constant 0 : i32
        %dma_wait3A_979 = arith.constant 0 : i32
        %dma_wait3A_980 = tpu.memref_slice %arg2[%dma_wait3A_978, %dma_wait3A_979] : memref<10000x128xf32, #tpu.memory_space<hbm>> -> memref<10000x128xf32, #tpu.memory_space<hbm>>
        tpu.wait_indirect_dma semaphore(%arg36 : memref<!tpu.dma_semaphore, #tpu.memory_space<semaphore_mem>>) src(%dma_wait3A_980 : memref<10000x128xf32, #tpu.memory_space<hbm>>) dst(%arg19 : memref<64x128xf32, #tpu.memory_space<vmem>>)
        %dma_start3A_981 = arith.constant 0 : i32
        %dma_start3A_982 = arith.constant 0 : i32
        %dma_start3A_983 = tpu.memref_slice %arg23[%dma_start3A_981, %dma_start3A_982] : memref<10112x128xf32, #tpu.memory_space<vmem_shared>> -> memref<10112x128xf32, #tpu.memory_space<vmem_shared>>
        tpu.enqueue_indirect_dma source(%arg19 : memref<64x128xf32, #tpu.memory_space<vmem>>) target(%dma_start3A_983 : memref<10112x128xf32, #tpu.memory_space<vmem_shared>>) offsets(%arg12 : memref<64xi32, #tpu.memory_space<vmem>>) semaphore(%arg41 : memref<!tpu.dma_semaphore, #tpu.memory_space<semaphore_mem>>) {add = true}
      } else {
      }
      %mul3A_492 = arith.constant 30 : i32
      %mul3A_493 = arith.muli %add3A_168, %mul3A_492 : i32
      %add3A_494 = arith.constant 12 : i32
      %add3A_495 = arith.addi %mul3A_493, %add3A_494 : i32
      %ge3A_496 = arith.constant 2 : i32
      %ge3A_497 = arith.cmpi sge, %add3A_495, %ge3A_496 : i32
      %lt3A_498 = arith.cmpi slt, %add3A_495, %select_n3A : i32
      %and3A_499 = arith.andi %ge3A_497, %lt3A_498 : i1
      %convert_element_type3A_500 = arith.extui %and3A_499 : i1 to i32
      %cond3A_501 = arith.constant 0 : i32
      %cond3A_502 = arith.cmpi ne, %convert_element_type3A_500, %cond3A_501 : i32
      scf.if %cond3A_502 {
        %dma_wait3A_978 = arith.constant 0 : i32
        %dma_wait3A_979 = arith.constant 0 : i32
        %dma_wait3A_980 = tpu.memref_slice %arg23[%dma_wait3A_978, %dma_wait3A_979] : memref<10112x128xf32, #tpu.memory_space<vmem_shared>> -> memref<10112x128xf32, #tpu.memory_space<vmem_shared>>
        tpu.wait_indirect_dma semaphore(%arg40 : memref<!tpu.dma_semaphore, #tpu.memory_space<semaphore_mem>>) src(%arg18 : memref<64x128xf32, #tpu.memory_space<vmem>>) dst(%dma_wait3A_980 : memref<10112x128xf32, #tpu.memory_space<vmem_shared>>)
      } else {
      }
      %add3A_503 = arith.constant 4 : i32
      %add3A_504 = arith.addi %add3A_495, %add3A_503 : i32
      %lt3A_505 = arith.cmpi slt, %add3A_504, %select_n3A : i32
      %convert_element_type3A_506 = arith.extui %lt3A_505 : i1 to i32
      %cond3A_507 = arith.constant 0 : i32
      %cond3A_508 = arith.cmpi ne, %convert_element_type3A_506, %cond3A_507 : i32
      scf.if %cond3A_508 {
        %add3A_978 = arith.constant 4 : i32
        %add3A_979 = arith.addi %add3A_495, %add3A_978 : i32
        %mul3A_980 = arith.constant 32 : i32
        %mul3A_981 = arith.muli %add3A_979, %mul3A_980 : i32
        %add3A_982 = arith.addi %add3A, %mul3A_981 : i32
        %mul3A_983 = arith.constant 64 : i32
        %mul3A_984 = arith.muli %add3A_982, %mul3A_983 : i32
        %dma_start3A_985 = tpu.memref_slice %arg3[%mul3A_984] : memref<320000xi32, #tpu.memory_space<hbm>> -> memref<64xi32, #tpu.memory_space<hbm>>
        %dma_start3A_986 = tpu.memref_slice %arg3[%mul3A_984] : memref<320000xi32, #tpu.memory_space<hbm>> -> memref<64xi32, #tpu.memory_space<hbm>>
        tpu.enqueue_dma source(%dma_start3A_986 : memref<64xi32, #tpu.memory_space<hbm>>) target(%arg11 : memref<64xi32, #tpu.memory_space<vmem>>) target_semaphore(%arg28 : memref<!tpu.dma_semaphore, #tpu.memory_space<semaphore_mem>>)
        %dma_start3A_987 = tpu.memref_slice %arg4[%mul3A_984] : memref<320000xi32, #tpu.memory_space<hbm>> -> memref<64xi32, #tpu.memory_space<hbm>>
        %dma_start3A_988 = tpu.memref_slice %arg4[%mul3A_984] : memref<320000xi32, #tpu.memory_space<hbm>> -> memref<64xi32, #tpu.memory_space<hbm>>
        tpu.enqueue_dma source(%dma_start3A_988 : memref<64xi32, #tpu.memory_space<hbm>>) target(%arg14 : memref<64xi32, #tpu.memory_space<vmem>>) target_semaphore(%arg31 : memref<!tpu.dma_semaphore, #tpu.memory_space<semaphore_mem>>)
      } else {
      }
      %add3A_509 = arith.constant 3 : i32
      %add3A_510 = arith.addi %add3A_495, %add3A_509 : i32
      %lt3A_511 = arith.cmpi slt, %add3A_510, %select_n3A : i32
      %convert_element_type3A_512 = arith.extui %lt3A_511 : i1 to i32
      %cond3A_513 = arith.constant 0 : i32
      %cond3A_514 = arith.cmpi ne, %convert_element_type3A_512, %cond3A_513 : i32
      scf.if %cond3A_514 {
        %dma_wait3A_978 = arith.constant 0 : i32
        %dma_wait3A_979 = tpu.memref_slice %arg3[%dma_wait3A_978] : memref<320000xi32, #tpu.memory_space<hbm>> -> memref<64xi32, #tpu.memory_space<hbm>>
        %dma_wait3A_980 = arith.constant 0 : i32
        %dma_wait3A_981 = tpu.memref_slice %arg3[%dma_wait3A_980] : memref<320000xi32, #tpu.memory_space<hbm>> -> memref<64xi32, #tpu.memory_space<hbm>>
        tpu.wait_dma2 semaphore(%arg27 : memref<!tpu.dma_semaphore, #tpu.memory_space<semaphore_mem>>) src(%dma_wait3A_981 : memref<64xi32, #tpu.memory_space<hbm>>) dst(%arg10 : memref<64xi32, #tpu.memory_space<vmem>>)
        %dma_wait3A_982 = arith.constant 0 : i32
        %dma_wait3A_983 = tpu.memref_slice %arg4[%dma_wait3A_982] : memref<320000xi32, #tpu.memory_space<hbm>> -> memref<64xi32, #tpu.memory_space<hbm>>
        %dma_wait3A_984 = arith.constant 0 : i32
        %dma_wait3A_985 = tpu.memref_slice %arg4[%dma_wait3A_984] : memref<320000xi32, #tpu.memory_space<hbm>> -> memref<64xi32, #tpu.memory_space<hbm>>
        tpu.wait_dma2 semaphore(%arg30 : memref<!tpu.dma_semaphore, #tpu.memory_space<semaphore_mem>>) src(%dma_wait3A_985 : memref<64xi32, #tpu.memory_space<hbm>>) dst(%arg13 : memref<64xi32, #tpu.memory_space<vmem>>)
        %dma_start3A_986 = arith.constant 0 : i32
        %dma_start3A_987 = arith.constant 0 : i32
        %dma_start3A_988 = tpu.memref_slice %arg2[%dma_start3A_986, %dma_start3A_987] : memref<10000x128xf32, #tpu.memory_space<hbm>> -> memref<10000x128xf32, #tpu.memory_space<hbm>>
        tpu.enqueue_indirect_dma source(%dma_start3A_988 : memref<10000x128xf32, #tpu.memory_space<hbm>>) target(%arg18 : memref<64x128xf32, #tpu.memory_space<vmem>>) offsets(%arg13 : memref<64xi32, #tpu.memory_space<vmem>>) semaphore(%arg35 : memref<!tpu.dma_semaphore, #tpu.memory_space<semaphore_mem>>)
      } else {
      }
      %lt3A_515 = arith.cmpi slt, %add3A_495, %select_n3A : i32
      %convert_element_type3A_516 = arith.extui %lt3A_515 : i1 to i32
      %cond3A_517 = arith.constant 0 : i32
      %cond3A_518 = arith.cmpi ne, %convert_element_type3A_516, %cond3A_517 : i32
      scf.if %cond3A_518 {
        %dma_wait3A_978 = arith.constant 0 : i32
        %dma_wait3A_979 = arith.constant 0 : i32
        %dma_wait3A_980 = tpu.memref_slice %arg2[%dma_wait3A_978, %dma_wait3A_979] : memref<10000x128xf32, #tpu.memory_space<hbm>> -> memref<10000x128xf32, #tpu.memory_space<hbm>>
        tpu.wait_indirect_dma semaphore(%arg37 : memref<!tpu.dma_semaphore, #tpu.memory_space<semaphore_mem>>) src(%dma_wait3A_980 : memref<10000x128xf32, #tpu.memory_space<hbm>>) dst(%arg20 : memref<64x128xf32, #tpu.memory_space<vmem>>)
        %dma_start3A_981 = arith.constant 0 : i32
        %dma_start3A_982 = arith.constant 0 : i32
        %dma_start3A_983 = tpu.memref_slice %arg23[%dma_start3A_981, %dma_start3A_982] : memref<10112x128xf32, #tpu.memory_space<vmem_shared>> -> memref<10112x128xf32, #tpu.memory_space<vmem_shared>>
        tpu.enqueue_indirect_dma source(%arg20 : memref<64x128xf32, #tpu.memory_space<vmem>>) target(%dma_start3A_983 : memref<10112x128xf32, #tpu.memory_space<vmem_shared>>) offsets(%arg7 : memref<64xi32, #tpu.memory_space<vmem>>) semaphore(%arg42 : memref<!tpu.dma_semaphore, #tpu.memory_space<semaphore_mem>>) {add = true}
      } else {
      }
      %mul3A_519 = arith.constant 30 : i32
      %mul3A_520 = arith.muli %add3A_168, %mul3A_519 : i32
      %add3A_521 = arith.constant 13 : i32
      %add3A_522 = arith.addi %mul3A_520, %add3A_521 : i32
      %ge3A_523 = arith.constant 2 : i32
      %ge3A_524 = arith.cmpi sge, %add3A_522, %ge3A_523 : i32
      %lt3A_525 = arith.cmpi slt, %add3A_522, %select_n3A : i32
      %and3A_526 = arith.andi %ge3A_524, %lt3A_525 : i1
      %convert_element_type3A_527 = arith.extui %and3A_526 : i1 to i32
      %cond3A_528 = arith.constant 0 : i32
      %cond3A_529 = arith.cmpi ne, %convert_element_type3A_527, %cond3A_528 : i32
      scf.if %cond3A_529 {
        %dma_wait3A_978 = arith.constant 0 : i32
        %dma_wait3A_979 = arith.constant 0 : i32
        %dma_wait3A_980 = tpu.memref_slice %arg23[%dma_wait3A_978, %dma_wait3A_979] : memref<10112x128xf32, #tpu.memory_space<vmem_shared>> -> memref<10112x128xf32, #tpu.memory_space<vmem_shared>>
        tpu.wait_indirect_dma semaphore(%arg41 : memref<!tpu.dma_semaphore, #tpu.memory_space<semaphore_mem>>) src(%arg19 : memref<64x128xf32, #tpu.memory_space<vmem>>) dst(%dma_wait3A_980 : memref<10112x128xf32, #tpu.memory_space<vmem_shared>>)
      } else {
      }
      %add3A_530 = arith.constant 4 : i32
      %add3A_531 = arith.addi %add3A_522, %add3A_530 : i32
      %lt3A_532 = arith.cmpi slt, %add3A_531, %select_n3A : i32
      %convert_element_type3A_533 = arith.extui %lt3A_532 : i1 to i32
      %cond3A_534 = arith.constant 0 : i32
      %cond3A_535 = arith.cmpi ne, %convert_element_type3A_533, %cond3A_534 : i32
      scf.if %cond3A_535 {
        %add3A_978 = arith.constant 4 : i32
        %add3A_979 = arith.addi %add3A_522, %add3A_978 : i32
        %mul3A_980 = arith.constant 32 : i32
        %mul3A_981 = arith.muli %add3A_979, %mul3A_980 : i32
        %add3A_982 = arith.addi %add3A, %mul3A_981 : i32
        %mul3A_983 = arith.constant 64 : i32
        %mul3A_984 = arith.muli %add3A_982, %mul3A_983 : i32
        %dma_start3A_985 = tpu.memref_slice %arg3[%mul3A_984] : memref<320000xi32, #tpu.memory_space<hbm>> -> memref<64xi32, #tpu.memory_space<hbm>>
        %dma_start3A_986 = tpu.memref_slice %arg3[%mul3A_984] : memref<320000xi32, #tpu.memory_space<hbm>> -> memref<64xi32, #tpu.memory_space<hbm>>
        tpu.enqueue_dma source(%dma_start3A_986 : memref<64xi32, #tpu.memory_space<hbm>>) target(%arg12 : memref<64xi32, #tpu.memory_space<vmem>>) target_semaphore(%arg29 : memref<!tpu.dma_semaphore, #tpu.memory_space<semaphore_mem>>)
        %dma_start3A_987 = tpu.memref_slice %arg4[%mul3A_984] : memref<320000xi32, #tpu.memory_space<hbm>> -> memref<64xi32, #tpu.memory_space<hbm>>
        %dma_start3A_988 = tpu.memref_slice %arg4[%mul3A_984] : memref<320000xi32, #tpu.memory_space<hbm>> -> memref<64xi32, #tpu.memory_space<hbm>>
        tpu.enqueue_dma source(%dma_start3A_988 : memref<64xi32, #tpu.memory_space<hbm>>) target(%arg15 : memref<64xi32, #tpu.memory_space<vmem>>) target_semaphore(%arg32 : memref<!tpu.dma_semaphore, #tpu.memory_space<semaphore_mem>>)
      } else {
      }
      %add3A_536 = arith.constant 3 : i32
      %add3A_537 = arith.addi %add3A_522, %add3A_536 : i32
      %lt3A_538 = arith.cmpi slt, %add3A_537, %select_n3A : i32
      %convert_element_type3A_539 = arith.extui %lt3A_538 : i1 to i32
      %cond3A_540 = arith.constant 0 : i32
      %cond3A_541 = arith.cmpi ne, %convert_element_type3A_539, %cond3A_540 : i32
      scf.if %cond3A_541 {
        %dma_wait3A_978 = arith.constant 0 : i32
        %dma_wait3A_979 = tpu.memref_slice %arg3[%dma_wait3A_978] : memref<320000xi32, #tpu.memory_space<hbm>> -> memref<64xi32, #tpu.memory_space<hbm>>
        %dma_wait3A_980 = arith.constant 0 : i32
        %dma_wait3A_981 = tpu.memref_slice %arg3[%dma_wait3A_980] : memref<320000xi32, #tpu.memory_space<hbm>> -> memref<64xi32, #tpu.memory_space<hbm>>
        tpu.wait_dma2 semaphore(%arg28 : memref<!tpu.dma_semaphore, #tpu.memory_space<semaphore_mem>>) src(%dma_wait3A_981 : memref<64xi32, #tpu.memory_space<hbm>>) dst(%arg11 : memref<64xi32, #tpu.memory_space<vmem>>)
        %dma_wait3A_982 = arith.constant 0 : i32
        %dma_wait3A_983 = tpu.memref_slice %arg4[%dma_wait3A_982] : memref<320000xi32, #tpu.memory_space<hbm>> -> memref<64xi32, #tpu.memory_space<hbm>>
        %dma_wait3A_984 = arith.constant 0 : i32
        %dma_wait3A_985 = tpu.memref_slice %arg4[%dma_wait3A_984] : memref<320000xi32, #tpu.memory_space<hbm>> -> memref<64xi32, #tpu.memory_space<hbm>>
        tpu.wait_dma2 semaphore(%arg31 : memref<!tpu.dma_semaphore, #tpu.memory_space<semaphore_mem>>) src(%dma_wait3A_985 : memref<64xi32, #tpu.memory_space<hbm>>) dst(%arg14 : memref<64xi32, #tpu.memory_space<vmem>>)
        %dma_start3A_986 = arith.constant 0 : i32
        %dma_start3A_987 = arith.constant 0 : i32
        %dma_start3A_988 = tpu.memref_slice %arg2[%dma_start3A_986, %dma_start3A_987] : memref<10000x128xf32, #tpu.memory_space<hbm>> -> memref<10000x128xf32, #tpu.memory_space<hbm>>
        tpu.enqueue_indirect_dma source(%dma_start3A_988 : memref<10000x128xf32, #tpu.memory_space<hbm>>) target(%arg19 : memref<64x128xf32, #tpu.memory_space<vmem>>) offsets(%arg14 : memref<64xi32, #tpu.memory_space<vmem>>) semaphore(%arg36 : memref<!tpu.dma_semaphore, #tpu.memory_space<semaphore_mem>>)
      } else {
      }
      %lt3A_542 = arith.cmpi slt, %add3A_522, %select_n3A : i32
      %convert_element_type3A_543 = arith.extui %lt3A_542 : i1 to i32
      %cond3A_544 = arith.constant 0 : i32
      %cond3A_545 = arith.cmpi ne, %convert_element_type3A_543, %cond3A_544 : i32
      scf.if %cond3A_545 {
        %dma_wait3A_978 = arith.constant 0 : i32
        %dma_wait3A_979 = arith.constant 0 : i32
        %dma_wait3A_980 = tpu.memref_slice %arg2[%dma_wait3A_978, %dma_wait3A_979] : memref<10000x128xf32, #tpu.memory_space<hbm>> -> memref<10000x128xf32, #tpu.memory_space<hbm>>
        tpu.wait_indirect_dma semaphore(%arg38 : memref<!tpu.dma_semaphore, #tpu.memory_space<semaphore_mem>>) src(%dma_wait3A_980 : memref<10000x128xf32, #tpu.memory_space<hbm>>) dst(%arg21 : memref<64x128xf32, #tpu.memory_space<vmem>>)
        %dma_start3A_981 = arith.constant 0 : i32
        %dma_start3A_982 = arith.constant 0 : i32
        %dma_start3A_983 = tpu.memref_slice %arg23[%dma_start3A_981, %dma_start3A_982] : memref<10112x128xf32, #tpu.memory_space<vmem_shared>> -> memref<10112x128xf32, #tpu.memory_space<vmem_shared>>
        tpu.enqueue_indirect_dma source(%arg21 : memref<64x128xf32, #tpu.memory_space<vmem>>) target(%dma_start3A_983 : memref<10112x128xf32, #tpu.memory_space<vmem_shared>>) offsets(%arg8 : memref<64xi32, #tpu.memory_space<vmem>>) semaphore(%arg43 : memref<!tpu.dma_semaphore, #tpu.memory_space<semaphore_mem>>) {add = true}
      } else {
      }
      %mul3A_546 = arith.constant 30 : i32
      %mul3A_547 = arith.muli %add3A_168, %mul3A_546 : i32
      %add3A_548 = arith.constant 14 : i32
      %add3A_549 = arith.addi %mul3A_547, %add3A_548 : i32
      %ge3A_550 = arith.constant 2 : i32
      %ge3A_551 = arith.cmpi sge, %add3A_549, %ge3A_550 : i32
      %lt3A_552 = arith.cmpi slt, %add3A_549, %select_n3A : i32
      %and3A_553 = arith.andi %ge3A_551, %lt3A_552 : i1
      %convert_element_type3A_554 = arith.extui %and3A_553 : i1 to i32
      %cond3A_555 = arith.constant 0 : i32
      %cond3A_556 = arith.cmpi ne, %convert_element_type3A_554, %cond3A_555 : i32
      scf.if %cond3A_556 {
        %dma_wait3A_978 = arith.constant 0 : i32
        %dma_wait3A_979 = arith.constant 0 : i32
        %dma_wait3A_980 = tpu.memref_slice %arg23[%dma_wait3A_978, %dma_wait3A_979] : memref<10112x128xf32, #tpu.memory_space<vmem_shared>> -> memref<10112x128xf32, #tpu.memory_space<vmem_shared>>
        tpu.wait_indirect_dma semaphore(%arg42 : memref<!tpu.dma_semaphore, #tpu.memory_space<semaphore_mem>>) src(%arg20 : memref<64x128xf32, #tpu.memory_space<vmem>>) dst(%dma_wait3A_980 : memref<10112x128xf32, #tpu.memory_space<vmem_shared>>)
      } else {
      }
      %add3A_557 = arith.constant 4 : i32
      %add3A_558 = arith.addi %add3A_549, %add3A_557 : i32
      %lt3A_559 = arith.cmpi slt, %add3A_558, %select_n3A : i32
      %convert_element_type3A_560 = arith.extui %lt3A_559 : i1 to i32
      %cond3A_561 = arith.constant 0 : i32
      %cond3A_562 = arith.cmpi ne, %convert_element_type3A_560, %cond3A_561 : i32
      scf.if %cond3A_562 {
        %add3A_978 = arith.constant 4 : i32
        %add3A_979 = arith.addi %add3A_549, %add3A_978 : i32
        %mul3A_980 = arith.constant 32 : i32
        %mul3A_981 = arith.muli %add3A_979, %mul3A_980 : i32
        %add3A_982 = arith.addi %add3A, %mul3A_981 : i32
        %mul3A_983 = arith.constant 64 : i32
        %mul3A_984 = arith.muli %add3A_982, %mul3A_983 : i32
        %dma_start3A_985 = tpu.memref_slice %arg3[%mul3A_984] : memref<320000xi32, #tpu.memory_space<hbm>> -> memref<64xi32, #tpu.memory_space<hbm>>
        %dma_start3A_986 = tpu.memref_slice %arg3[%mul3A_984] : memref<320000xi32, #tpu.memory_space<hbm>> -> memref<64xi32, #tpu.memory_space<hbm>>
        tpu.enqueue_dma source(%dma_start3A_986 : memref<64xi32, #tpu.memory_space<hbm>>) target(%arg7 : memref<64xi32, #tpu.memory_space<vmem>>) target_semaphore(%arg24 : memref<!tpu.dma_semaphore, #tpu.memory_space<semaphore_mem>>)
        %dma_start3A_987 = tpu.memref_slice %arg4[%mul3A_984] : memref<320000xi32, #tpu.memory_space<hbm>> -> memref<64xi32, #tpu.memory_space<hbm>>
        %dma_start3A_988 = tpu.memref_slice %arg4[%mul3A_984] : memref<320000xi32, #tpu.memory_space<hbm>> -> memref<64xi32, #tpu.memory_space<hbm>>
        tpu.enqueue_dma source(%dma_start3A_988 : memref<64xi32, #tpu.memory_space<hbm>>) target(%arg16 : memref<64xi32, #tpu.memory_space<vmem>>) target_semaphore(%arg33 : memref<!tpu.dma_semaphore, #tpu.memory_space<semaphore_mem>>)
      } else {
      }
      %add3A_563 = arith.constant 3 : i32
      %add3A_564 = arith.addi %add3A_549, %add3A_563 : i32
      %lt3A_565 = arith.cmpi slt, %add3A_564, %select_n3A : i32
      %convert_element_type3A_566 = arith.extui %lt3A_565 : i1 to i32
      %cond3A_567 = arith.constant 0 : i32
      %cond3A_568 = arith.cmpi ne, %convert_element_type3A_566, %cond3A_567 : i32
      scf.if %cond3A_568 {
        %dma_wait3A_978 = arith.constant 0 : i32
        %dma_wait3A_979 = tpu.memref_slice %arg3[%dma_wait3A_978] : memref<320000xi32, #tpu.memory_space<hbm>> -> memref<64xi32, #tpu.memory_space<hbm>>
        %dma_wait3A_980 = arith.constant 0 : i32
        %dma_wait3A_981 = tpu.memref_slice %arg3[%dma_wait3A_980] : memref<320000xi32, #tpu.memory_space<hbm>> -> memref<64xi32, #tpu.memory_space<hbm>>
        tpu.wait_dma2 semaphore(%arg29 : memref<!tpu.dma_semaphore, #tpu.memory_space<semaphore_mem>>) src(%dma_wait3A_981 : memref<64xi32, #tpu.memory_space<hbm>>) dst(%arg12 : memref<64xi32, #tpu.memory_space<vmem>>)
        %dma_wait3A_982 = arith.constant 0 : i32
        %dma_wait3A_983 = tpu.memref_slice %arg4[%dma_wait3A_982] : memref<320000xi32, #tpu.memory_space<hbm>> -> memref<64xi32, #tpu.memory_space<hbm>>
        %dma_wait3A_984 = arith.constant 0 : i32
        %dma_wait3A_985 = tpu.memref_slice %arg4[%dma_wait3A_984] : memref<320000xi32, #tpu.memory_space<hbm>> -> memref<64xi32, #tpu.memory_space<hbm>>
        tpu.wait_dma2 semaphore(%arg32 : memref<!tpu.dma_semaphore, #tpu.memory_space<semaphore_mem>>) src(%dma_wait3A_985 : memref<64xi32, #tpu.memory_space<hbm>>) dst(%arg15 : memref<64xi32, #tpu.memory_space<vmem>>)
        %dma_start3A_986 = arith.constant 0 : i32
        %dma_start3A_987 = arith.constant 0 : i32
        %dma_start3A_988 = tpu.memref_slice %arg2[%dma_start3A_986, %dma_start3A_987] : memref<10000x128xf32, #tpu.memory_space<hbm>> -> memref<10000x128xf32, #tpu.memory_space<hbm>>
        tpu.enqueue_indirect_dma source(%dma_start3A_988 : memref<10000x128xf32, #tpu.memory_space<hbm>>) target(%arg20 : memref<64x128xf32, #tpu.memory_space<vmem>>) offsets(%arg15 : memref<64xi32, #tpu.memory_space<vmem>>) semaphore(%arg37 : memref<!tpu.dma_semaphore, #tpu.memory_space<semaphore_mem>>)
      } else {
      }
      %lt3A_569 = arith.cmpi slt, %add3A_549, %select_n3A : i32
      %convert_element_type3A_570 = arith.extui %lt3A_569 : i1 to i32
      %cond3A_571 = arith.constant 0 : i32
      %cond3A_572 = arith.cmpi ne, %convert_element_type3A_570, %cond3A_571 : i32
      scf.if %cond3A_572 {
        %dma_wait3A_978 = arith.constant 0 : i32
        %dma_wait3A_979 = arith.constant 0 : i32
        %dma_wait3A_980 = tpu.memref_slice %arg2[%dma_wait3A_978, %dma_wait3A_979] : memref<10000x128xf32, #tpu.memory_space<hbm>> -> memref<10000x128xf32, #tpu.memory_space<hbm>>
        tpu.wait_indirect_dma semaphore(%arg39 : memref<!tpu.dma_semaphore, #tpu.memory_space<semaphore_mem>>) src(%dma_wait3A_980 : memref<10000x128xf32, #tpu.memory_space<hbm>>) dst(%arg22 : memref<64x128xf32, #tpu.memory_space<vmem>>)
        %dma_start3A_981 = arith.constant 0 : i32
        %dma_start3A_982 = arith.constant 0 : i32
        %dma_start3A_983 = tpu.memref_slice %arg23[%dma_start3A_981, %dma_start3A_982] : memref<10112x128xf32, #tpu.memory_space<vmem_shared>> -> memref<10112x128xf32, #tpu.memory_space<vmem_shared>>
        tpu.enqueue_indirect_dma source(%arg22 : memref<64x128xf32, #tpu.memory_space<vmem>>) target(%dma_start3A_983 : memref<10112x128xf32, #tpu.memory_space<vmem_shared>>) offsets(%arg9 : memref<64xi32, #tpu.memory_space<vmem>>) semaphore(%arg44 : memref<!tpu.dma_semaphore, #tpu.memory_space<semaphore_mem>>) {add = true}
      } else {
      }
      %mul3A_573 = arith.constant 30 : i32
      %mul3A_574 = arith.muli %add3A_168, %mul3A_573 : i32
      %add3A_575 = arith.constant 15 : i32
      %add3A_576 = arith.addi %mul3A_574, %add3A_575 : i32
      %ge3A_577 = arith.constant 2 : i32
      %ge3A_578 = arith.cmpi sge, %add3A_576, %ge3A_577 : i32
      %lt3A_579 = arith.cmpi slt, %add3A_576, %select_n3A : i32
      %and3A_580 = arith.andi %ge3A_578, %lt3A_579 : i1
      %convert_element_type3A_581 = arith.extui %and3A_580 : i1 to i32
      %cond3A_582 = arith.constant 0 : i32
      %cond3A_583 = arith.cmpi ne, %convert_element_type3A_581, %cond3A_582 : i32
      scf.if %cond3A_583 {
        %dma_wait3A_978 = arith.constant 0 : i32
        %dma_wait3A_979 = arith.constant 0 : i32
        %dma_wait3A_980 = tpu.memref_slice %arg23[%dma_wait3A_978, %dma_wait3A_979] : memref<10112x128xf32, #tpu.memory_space<vmem_shared>> -> memref<10112x128xf32, #tpu.memory_space<vmem_shared>>
        tpu.wait_indirect_dma semaphore(%arg43 : memref<!tpu.dma_semaphore, #tpu.memory_space<semaphore_mem>>) src(%arg21 : memref<64x128xf32, #tpu.memory_space<vmem>>) dst(%dma_wait3A_980 : memref<10112x128xf32, #tpu.memory_space<vmem_shared>>)
      } else {
      }
      %add3A_584 = arith.constant 4 : i32
      %add3A_585 = arith.addi %add3A_576, %add3A_584 : i32
      %lt3A_586 = arith.cmpi slt, %add3A_585, %select_n3A : i32
      %convert_element_type3A_587 = arith.extui %lt3A_586 : i1 to i32
      %cond3A_588 = arith.constant 0 : i32
      %cond3A_589 = arith.cmpi ne, %convert_element_type3A_587, %cond3A_588 : i32
      scf.if %cond3A_589 {
        %add3A_978 = arith.constant 4 : i32
        %add3A_979 = arith.addi %add3A_576, %add3A_978 : i32
        %mul3A_980 = arith.constant 32 : i32
        %mul3A_981 = arith.muli %add3A_979, %mul3A_980 : i32
        %add3A_982 = arith.addi %add3A, %mul3A_981 : i32
        %mul3A_983 = arith.constant 64 : i32
        %mul3A_984 = arith.muli %add3A_982, %mul3A_983 : i32
        %dma_start3A_985 = tpu.memref_slice %arg3[%mul3A_984] : memref<320000xi32, #tpu.memory_space<hbm>> -> memref<64xi32, #tpu.memory_space<hbm>>
        %dma_start3A_986 = tpu.memref_slice %arg3[%mul3A_984] : memref<320000xi32, #tpu.memory_space<hbm>> -> memref<64xi32, #tpu.memory_space<hbm>>
        tpu.enqueue_dma source(%dma_start3A_986 : memref<64xi32, #tpu.memory_space<hbm>>) target(%arg8 : memref<64xi32, #tpu.memory_space<vmem>>) target_semaphore(%arg25 : memref<!tpu.dma_semaphore, #tpu.memory_space<semaphore_mem>>)
        %dma_start3A_987 = tpu.memref_slice %arg4[%mul3A_984] : memref<320000xi32, #tpu.memory_space<hbm>> -> memref<64xi32, #tpu.memory_space<hbm>>
        %dma_start3A_988 = tpu.memref_slice %arg4[%mul3A_984] : memref<320000xi32, #tpu.memory_space<hbm>> -> memref<64xi32, #tpu.memory_space<hbm>>
        tpu.enqueue_dma source(%dma_start3A_988 : memref<64xi32, #tpu.memory_space<hbm>>) target(%arg17 : memref<64xi32, #tpu.memory_space<vmem>>) target_semaphore(%arg34 : memref<!tpu.dma_semaphore, #tpu.memory_space<semaphore_mem>>)
      } else {
      }
      %add3A_590 = arith.constant 3 : i32
      %add3A_591 = arith.addi %add3A_576, %add3A_590 : i32
      %lt3A_592 = arith.cmpi slt, %add3A_591, %select_n3A : i32
      %convert_element_type3A_593 = arith.extui %lt3A_592 : i1 to i32
      %cond3A_594 = arith.constant 0 : i32
      %cond3A_595 = arith.cmpi ne, %convert_element_type3A_593, %cond3A_594 : i32
      scf.if %cond3A_595 {
        %dma_wait3A_978 = arith.constant 0 : i32
        %dma_wait3A_979 = tpu.memref_slice %arg3[%dma_wait3A_978] : memref<320000xi32, #tpu.memory_space<hbm>> -> memref<64xi32, #tpu.memory_space<hbm>>
        %dma_wait3A_980 = arith.constant 0 : i32
        %dma_wait3A_981 = tpu.memref_slice %arg3[%dma_wait3A_980] : memref<320000xi32, #tpu.memory_space<hbm>> -> memref<64xi32, #tpu.memory_space<hbm>>
        tpu.wait_dma2 semaphore(%arg24 : memref<!tpu.dma_semaphore, #tpu.memory_space<semaphore_mem>>) src(%dma_wait3A_981 : memref<64xi32, #tpu.memory_space<hbm>>) dst(%arg7 : memref<64xi32, #tpu.memory_space<vmem>>)
        %dma_wait3A_982 = arith.constant 0 : i32
        %dma_wait3A_983 = tpu.memref_slice %arg4[%dma_wait3A_982] : memref<320000xi32, #tpu.memory_space<hbm>> -> memref<64xi32, #tpu.memory_space<hbm>>
        %dma_wait3A_984 = arith.constant 0 : i32
        %dma_wait3A_985 = tpu.memref_slice %arg4[%dma_wait3A_984] : memref<320000xi32, #tpu.memory_space<hbm>> -> memref<64xi32, #tpu.memory_space<hbm>>
        tpu.wait_dma2 semaphore(%arg33 : memref<!tpu.dma_semaphore, #tpu.memory_space<semaphore_mem>>) src(%dma_wait3A_985 : memref<64xi32, #tpu.memory_space<hbm>>) dst(%arg16 : memref<64xi32, #tpu.memory_space<vmem>>)
        %dma_start3A_986 = arith.constant 0 : i32
        %dma_start3A_987 = arith.constant 0 : i32
        %dma_start3A_988 = tpu.memref_slice %arg2[%dma_start3A_986, %dma_start3A_987] : memref<10000x128xf32, #tpu.memory_space<hbm>> -> memref<10000x128xf32, #tpu.memory_space<hbm>>
        tpu.enqueue_indirect_dma source(%dma_start3A_988 : memref<10000x128xf32, #tpu.memory_space<hbm>>) target(%arg21 : memref<64x128xf32, #tpu.memory_space<vmem>>) offsets(%arg16 : memref<64xi32, #tpu.memory_space<vmem>>) semaphore(%arg38 : memref<!tpu.dma_semaphore, #tpu.memory_space<semaphore_mem>>)
      } else {
      }
      %lt3A_596 = arith.cmpi slt, %add3A_576, %select_n3A : i32
      %convert_element_type3A_597 = arith.extui %lt3A_596 : i1 to i32
      %cond3A_598 = arith.constant 0 : i32
      %cond3A_599 = arith.cmpi ne, %convert_element_type3A_597, %cond3A_598 : i32
      scf.if %cond3A_599 {
        %dma_wait3A_978 = arith.constant 0 : i32
        %dma_wait3A_979 = arith.constant 0 : i32
        %dma_wait3A_980 = tpu.memref_slice %arg2[%dma_wait3A_978, %dma_wait3A_979] : memref<10000x128xf32, #tpu.memory_space<hbm>> -> memref<10000x128xf32, #tpu.memory_space<hbm>>
        tpu.wait_indirect_dma semaphore(%arg35 : memref<!tpu.dma_semaphore, #tpu.memory_space<semaphore_mem>>) src(%dma_wait3A_980 : memref<10000x128xf32, #tpu.memory_space<hbm>>) dst(%arg18 : memref<64x128xf32, #tpu.memory_space<vmem>>)
        %dma_start3A_981 = arith.constant 0 : i32
        %dma_start3A_982 = arith.constant 0 : i32
        %dma_start3A_983 = tpu.memref_slice %arg23[%dma_start3A_981, %dma_start3A_982] : memref<10112x128xf32, #tpu.memory_space<vmem_shared>> -> memref<10112x128xf32, #tpu.memory_space<vmem_shared>>
        tpu.enqueue_indirect_dma source(%arg18 : memref<64x128xf32, #tpu.memory_space<vmem>>) target(%dma_start3A_983 : memref<10112x128xf32, #tpu.memory_space<vmem_shared>>) offsets(%arg10 : memref<64xi32, #tpu.memory_space<vmem>>) semaphore(%arg40 : memref<!tpu.dma_semaphore, #tpu.memory_space<semaphore_mem>>) {add = true}
      } else {
      }
      %mul3A_600 = arith.constant 30 : i32
      %mul3A_601 = arith.muli %add3A_168, %mul3A_600 : i32
      %add3A_602 = arith.constant 16 : i32
      %add3A_603 = arith.addi %mul3A_601, %add3A_602 : i32
      %ge3A_604 = arith.constant 2 : i32
      %ge3A_605 = arith.cmpi sge, %add3A_603, %ge3A_604 : i32
      %lt3A_606 = arith.cmpi slt, %add3A_603, %select_n3A : i32
      %and3A_607 = arith.andi %ge3A_605, %lt3A_606 : i1
      %convert_element_type3A_608 = arith.extui %and3A_607 : i1 to i32
      %cond3A_609 = arith.constant 0 : i32
      %cond3A_610 = arith.cmpi ne, %convert_element_type3A_608, %cond3A_609 : i32
      scf.if %cond3A_610 {
        %dma_wait3A_978 = arith.constant 0 : i32
        %dma_wait3A_979 = arith.constant 0 : i32
        %dma_wait3A_980 = tpu.memref_slice %arg23[%dma_wait3A_978, %dma_wait3A_979] : memref<10112x128xf32, #tpu.memory_space<vmem_shared>> -> memref<10112x128xf32, #tpu.memory_space<vmem_shared>>
        tpu.wait_indirect_dma semaphore(%arg44 : memref<!tpu.dma_semaphore, #tpu.memory_space<semaphore_mem>>) src(%arg22 : memref<64x128xf32, #tpu.memory_space<vmem>>) dst(%dma_wait3A_980 : memref<10112x128xf32, #tpu.memory_space<vmem_shared>>)
      } else {
      }
      %add3A_611 = arith.constant 4 : i32
      %add3A_612 = arith.addi %add3A_603, %add3A_611 : i32
      %lt3A_613 = arith.cmpi slt, %add3A_612, %select_n3A : i32
      %convert_element_type3A_614 = arith.extui %lt3A_613 : i1 to i32
      %cond3A_615 = arith.constant 0 : i32
      %cond3A_616 = arith.cmpi ne, %convert_element_type3A_614, %cond3A_615 : i32
      scf.if %cond3A_616 {
        %add3A_978 = arith.constant 4 : i32
        %add3A_979 = arith.addi %add3A_603, %add3A_978 : i32
        %mul3A_980 = arith.constant 32 : i32
        %mul3A_981 = arith.muli %add3A_979, %mul3A_980 : i32
        %add3A_982 = arith.addi %add3A, %mul3A_981 : i32
        %mul3A_983 = arith.constant 64 : i32
        %mul3A_984 = arith.muli %add3A_982, %mul3A_983 : i32
        %dma_start3A_985 = tpu.memref_slice %arg3[%mul3A_984] : memref<320000xi32, #tpu.memory_space<hbm>> -> memref<64xi32, #tpu.memory_space<hbm>>
        %dma_start3A_986 = tpu.memref_slice %arg3[%mul3A_984] : memref<320000xi32, #tpu.memory_space<hbm>> -> memref<64xi32, #tpu.memory_space<hbm>>
        tpu.enqueue_dma source(%dma_start3A_986 : memref<64xi32, #tpu.memory_space<hbm>>) target(%arg9 : memref<64xi32, #tpu.memory_space<vmem>>) target_semaphore(%arg26 : memref<!tpu.dma_semaphore, #tpu.memory_space<semaphore_mem>>)
        %dma_start3A_987 = tpu.memref_slice %arg4[%mul3A_984] : memref<320000xi32, #tpu.memory_space<hbm>> -> memref<64xi32, #tpu.memory_space<hbm>>
        %dma_start3A_988 = tpu.memref_slice %arg4[%mul3A_984] : memref<320000xi32, #tpu.memory_space<hbm>> -> memref<64xi32, #tpu.memory_space<hbm>>
        tpu.enqueue_dma source(%dma_start3A_988 : memref<64xi32, #tpu.memory_space<hbm>>) target(%arg13 : memref<64xi32, #tpu.memory_space<vmem>>) target_semaphore(%arg30 : memref<!tpu.dma_semaphore, #tpu.memory_space<semaphore_mem>>)
      } else {
      }
      %add3A_617 = arith.constant 3 : i32
      %add3A_618 = arith.addi %add3A_603, %add3A_617 : i32
      %lt3A_619 = arith.cmpi slt, %add3A_618, %select_n3A : i32
      %convert_element_type3A_620 = arith.extui %lt3A_619 : i1 to i32
      %cond3A_621 = arith.constant 0 : i32
      %cond3A_622 = arith.cmpi ne, %convert_element_type3A_620, %cond3A_621 : i32
      scf.if %cond3A_622 {
        %dma_wait3A_978 = arith.constant 0 : i32
        %dma_wait3A_979 = tpu.memref_slice %arg3[%dma_wait3A_978] : memref<320000xi32, #tpu.memory_space<hbm>> -> memref<64xi32, #tpu.memory_space<hbm>>
        %dma_wait3A_980 = arith.constant 0 : i32
        %dma_wait3A_981 = tpu.memref_slice %arg3[%dma_wait3A_980] : memref<320000xi32, #tpu.memory_space<hbm>> -> memref<64xi32, #tpu.memory_space<hbm>>
        tpu.wait_dma2 semaphore(%arg25 : memref<!tpu.dma_semaphore, #tpu.memory_space<semaphore_mem>>) src(%dma_wait3A_981 : memref<64xi32, #tpu.memory_space<hbm>>) dst(%arg8 : memref<64xi32, #tpu.memory_space<vmem>>)
        %dma_wait3A_982 = arith.constant 0 : i32
        %dma_wait3A_983 = tpu.memref_slice %arg4[%dma_wait3A_982] : memref<320000xi32, #tpu.memory_space<hbm>> -> memref<64xi32, #tpu.memory_space<hbm>>
        %dma_wait3A_984 = arith.constant 0 : i32
        %dma_wait3A_985 = tpu.memref_slice %arg4[%dma_wait3A_984] : memref<320000xi32, #tpu.memory_space<hbm>> -> memref<64xi32, #tpu.memory_space<hbm>>
        tpu.wait_dma2 semaphore(%arg34 : memref<!tpu.dma_semaphore, #tpu.memory_space<semaphore_mem>>) src(%dma_wait3A_985 : memref<64xi32, #tpu.memory_space<hbm>>) dst(%arg17 : memref<64xi32, #tpu.memory_space<vmem>>)
        %dma_start3A_986 = arith.constant 0 : i32
        %dma_start3A_987 = arith.constant 0 : i32
        %dma_start3A_988 = tpu.memref_slice %arg2[%dma_start3A_986, %dma_start3A_987] : memref<10000x128xf32, #tpu.memory_space<hbm>> -> memref<10000x128xf32, #tpu.memory_space<hbm>>
        tpu.enqueue_indirect_dma source(%dma_start3A_988 : memref<10000x128xf32, #tpu.memory_space<hbm>>) target(%arg22 : memref<64x128xf32, #tpu.memory_space<vmem>>) offsets(%arg17 : memref<64xi32, #tpu.memory_space<vmem>>) semaphore(%arg39 : memref<!tpu.dma_semaphore, #tpu.memory_space<semaphore_mem>>)
      } else {
      }
      %lt3A_623 = arith.cmpi slt, %add3A_603, %select_n3A : i32
      %convert_element_type3A_624 = arith.extui %lt3A_623 : i1 to i32
      %cond3A_625 = arith.constant 0 : i32
      %cond3A_626 = arith.cmpi ne, %convert_element_type3A_624, %cond3A_625 : i32
      scf.if %cond3A_626 {
        %dma_wait3A_978 = arith.constant 0 : i32
        %dma_wait3A_979 = arith.constant 0 : i32
        %dma_wait3A_980 = tpu.memref_slice %arg2[%dma_wait3A_978, %dma_wait3A_979] : memref<10000x128xf32, #tpu.memory_space<hbm>> -> memref<10000x128xf32, #tpu.memory_space<hbm>>
        tpu.wait_indirect_dma semaphore(%arg36 : memref<!tpu.dma_semaphore, #tpu.memory_space<semaphore_mem>>) src(%dma_wait3A_980 : memref<10000x128xf32, #tpu.memory_space<hbm>>) dst(%arg19 : memref<64x128xf32, #tpu.memory_space<vmem>>)
        %dma_start3A_981 = arith.constant 0 : i32
        %dma_start3A_982 = arith.constant 0 : i32
        %dma_start3A_983 = tpu.memref_slice %arg23[%dma_start3A_981, %dma_start3A_982] : memref<10112x128xf32, #tpu.memory_space<vmem_shared>> -> memref<10112x128xf32, #tpu.memory_space<vmem_shared>>
        tpu.enqueue_indirect_dma source(%arg19 : memref<64x128xf32, #tpu.memory_space<vmem>>) target(%dma_start3A_983 : memref<10112x128xf32, #tpu.memory_space<vmem_shared>>) offsets(%arg11 : memref<64xi32, #tpu.memory_space<vmem>>) semaphore(%arg41 : memref<!tpu.dma_semaphore, #tpu.memory_space<semaphore_mem>>) {add = true}
      } else {
      }
      %mul3A_627 = arith.constant 30 : i32
      %mul3A_628 = arith.muli %add3A_168, %mul3A_627 : i32
      %add3A_629 = arith.constant 17 : i32
      %add3A_630 = arith.addi %mul3A_628, %add3A_629 : i32
      %ge3A_631 = arith.constant 2 : i32
      %ge3A_632 = arith.cmpi sge, %add3A_630, %ge3A_631 : i32
      %lt3A_633 = arith.cmpi slt, %add3A_630, %select_n3A : i32
      %and3A_634 = arith.andi %ge3A_632, %lt3A_633 : i1
      %convert_element_type3A_635 = arith.extui %and3A_634 : i1 to i32
      %cond3A_636 = arith.constant 0 : i32
      %cond3A_637 = arith.cmpi ne, %convert_element_type3A_635, %cond3A_636 : i32
      scf.if %cond3A_637 {
        %dma_wait3A_978 = arith.constant 0 : i32
        %dma_wait3A_979 = arith.constant 0 : i32
        %dma_wait3A_980 = tpu.memref_slice %arg23[%dma_wait3A_978, %dma_wait3A_979] : memref<10112x128xf32, #tpu.memory_space<vmem_shared>> -> memref<10112x128xf32, #tpu.memory_space<vmem_shared>>
        tpu.wait_indirect_dma semaphore(%arg40 : memref<!tpu.dma_semaphore, #tpu.memory_space<semaphore_mem>>) src(%arg18 : memref<64x128xf32, #tpu.memory_space<vmem>>) dst(%dma_wait3A_980 : memref<10112x128xf32, #tpu.memory_space<vmem_shared>>)
      } else {
      }
      %add3A_638 = arith.constant 4 : i32
      %add3A_639 = arith.addi %add3A_630, %add3A_638 : i32
      %lt3A_640 = arith.cmpi slt, %add3A_639, %select_n3A : i32
      %convert_element_type3A_641 = arith.extui %lt3A_640 : i1 to i32
      %cond3A_642 = arith.constant 0 : i32
      %cond3A_643 = arith.cmpi ne, %convert_element_type3A_641, %cond3A_642 : i32
      scf.if %cond3A_643 {
        %add3A_978 = arith.constant 4 : i32
        %add3A_979 = arith.addi %add3A_630, %add3A_978 : i32
        %mul3A_980 = arith.constant 32 : i32
        %mul3A_981 = arith.muli %add3A_979, %mul3A_980 : i32
        %add3A_982 = arith.addi %add3A, %mul3A_981 : i32
        %mul3A_983 = arith.constant 64 : i32
        %mul3A_984 = arith.muli %add3A_982, %mul3A_983 : i32
        %dma_start3A_985 = tpu.memref_slice %arg3[%mul3A_984] : memref<320000xi32, #tpu.memory_space<hbm>> -> memref<64xi32, #tpu.memory_space<hbm>>
        %dma_start3A_986 = tpu.memref_slice %arg3[%mul3A_984] : memref<320000xi32, #tpu.memory_space<hbm>> -> memref<64xi32, #tpu.memory_space<hbm>>
        tpu.enqueue_dma source(%dma_start3A_986 : memref<64xi32, #tpu.memory_space<hbm>>) target(%arg10 : memref<64xi32, #tpu.memory_space<vmem>>) target_semaphore(%arg27 : memref<!tpu.dma_semaphore, #tpu.memory_space<semaphore_mem>>)
        %dma_start3A_987 = tpu.memref_slice %arg4[%mul3A_984] : memref<320000xi32, #tpu.memory_space<hbm>> -> memref<64xi32, #tpu.memory_space<hbm>>
        %dma_start3A_988 = tpu.memref_slice %arg4[%mul3A_984] : memref<320000xi32, #tpu.memory_space<hbm>> -> memref<64xi32, #tpu.memory_space<hbm>>
        tpu.enqueue_dma source(%dma_start3A_988 : memref<64xi32, #tpu.memory_space<hbm>>) target(%arg14 : memref<64xi32, #tpu.memory_space<vmem>>) target_semaphore(%arg31 : memref<!tpu.dma_semaphore, #tpu.memory_space<semaphore_mem>>)
      } else {
      }
      %add3A_644 = arith.constant 3 : i32
      %add3A_645 = arith.addi %add3A_630, %add3A_644 : i32
      %lt3A_646 = arith.cmpi slt, %add3A_645, %select_n3A : i32
      %convert_element_type3A_647 = arith.extui %lt3A_646 : i1 to i32
      %cond3A_648 = arith.constant 0 : i32
      %cond3A_649 = arith.cmpi ne, %convert_element_type3A_647, %cond3A_648 : i32
      scf.if %cond3A_649 {
        %dma_wait3A_978 = arith.constant 0 : i32
        %dma_wait3A_979 = tpu.memref_slice %arg3[%dma_wait3A_978] : memref<320000xi32, #tpu.memory_space<hbm>> -> memref<64xi32, #tpu.memory_space<hbm>>
        %dma_wait3A_980 = arith.constant 0 : i32
        %dma_wait3A_981 = tpu.memref_slice %arg3[%dma_wait3A_980] : memref<320000xi32, #tpu.memory_space<hbm>> -> memref<64xi32, #tpu.memory_space<hbm>>
        tpu.wait_dma2 semaphore(%arg26 : memref<!tpu.dma_semaphore, #tpu.memory_space<semaphore_mem>>) src(%dma_wait3A_981 : memref<64xi32, #tpu.memory_space<hbm>>) dst(%arg9 : memref<64xi32, #tpu.memory_space<vmem>>)
        %dma_wait3A_982 = arith.constant 0 : i32
        %dma_wait3A_983 = tpu.memref_slice %arg4[%dma_wait3A_982] : memref<320000xi32, #tpu.memory_space<hbm>> -> memref<64xi32, #tpu.memory_space<hbm>>
        %dma_wait3A_984 = arith.constant 0 : i32
        %dma_wait3A_985 = tpu.memref_slice %arg4[%dma_wait3A_984] : memref<320000xi32, #tpu.memory_space<hbm>> -> memref<64xi32, #tpu.memory_space<hbm>>
        tpu.wait_dma2 semaphore(%arg30 : memref<!tpu.dma_semaphore, #tpu.memory_space<semaphore_mem>>) src(%dma_wait3A_985 : memref<64xi32, #tpu.memory_space<hbm>>) dst(%arg13 : memref<64xi32, #tpu.memory_space<vmem>>)
        %dma_start3A_986 = arith.constant 0 : i32
        %dma_start3A_987 = arith.constant 0 : i32
        %dma_start3A_988 = tpu.memref_slice %arg2[%dma_start3A_986, %dma_start3A_987] : memref<10000x128xf32, #tpu.memory_space<hbm>> -> memref<10000x128xf32, #tpu.memory_space<hbm>>
        tpu.enqueue_indirect_dma source(%dma_start3A_988 : memref<10000x128xf32, #tpu.memory_space<hbm>>) target(%arg18 : memref<64x128xf32, #tpu.memory_space<vmem>>) offsets(%arg13 : memref<64xi32, #tpu.memory_space<vmem>>) semaphore(%arg35 : memref<!tpu.dma_semaphore, #tpu.memory_space<semaphore_mem>>)
      } else {
      }
      %lt3A_650 = arith.cmpi slt, %add3A_630, %select_n3A : i32
      %convert_element_type3A_651 = arith.extui %lt3A_650 : i1 to i32
      %cond3A_652 = arith.constant 0 : i32
      %cond3A_653 = arith.cmpi ne, %convert_element_type3A_651, %cond3A_652 : i32
      scf.if %cond3A_653 {
        %dma_wait3A_978 = arith.constant 0 : i32
        %dma_wait3A_979 = arith.constant 0 : i32
        %dma_wait3A_980 = tpu.memref_slice %arg2[%dma_wait3A_978, %dma_wait3A_979] : memref<10000x128xf32, #tpu.memory_space<hbm>> -> memref<10000x128xf32, #tpu.memory_space<hbm>>
        tpu.wait_indirect_dma semaphore(%arg37 : memref<!tpu.dma_semaphore, #tpu.memory_space<semaphore_mem>>) src(%dma_wait3A_980 : memref<10000x128xf32, #tpu.memory_space<hbm>>) dst(%arg20 : memref<64x128xf32, #tpu.memory_space<vmem>>)
        %dma_start3A_981 = arith.constant 0 : i32
        %dma_start3A_982 = arith.constant 0 : i32
        %dma_start3A_983 = tpu.memref_slice %arg23[%dma_start3A_981, %dma_start3A_982] : memref<10112x128xf32, #tpu.memory_space<vmem_shared>> -> memref<10112x128xf32, #tpu.memory_space<vmem_shared>>
        tpu.enqueue_indirect_dma source(%arg20 : memref<64x128xf32, #tpu.memory_space<vmem>>) target(%dma_start3A_983 : memref<10112x128xf32, #tpu.memory_space<vmem_shared>>) offsets(%arg12 : memref<64xi32, #tpu.memory_space<vmem>>) semaphore(%arg42 : memref<!tpu.dma_semaphore, #tpu.memory_space<semaphore_mem>>) {add = true}
      } else {
      }
      %mul3A_654 = arith.constant 30 : i32
      %mul3A_655 = arith.muli %add3A_168, %mul3A_654 : i32
      %add3A_656 = arith.constant 18 : i32
      %add3A_657 = arith.addi %mul3A_655, %add3A_656 : i32
      %ge3A_658 = arith.constant 2 : i32
      %ge3A_659 = arith.cmpi sge, %add3A_657, %ge3A_658 : i32
      %lt3A_660 = arith.cmpi slt, %add3A_657, %select_n3A : i32
      %and3A_661 = arith.andi %ge3A_659, %lt3A_660 : i1
      %convert_element_type3A_662 = arith.extui %and3A_661 : i1 to i32
      %cond3A_663 = arith.constant 0 : i32
      %cond3A_664 = arith.cmpi ne, %convert_element_type3A_662, %cond3A_663 : i32
      scf.if %cond3A_664 {
        %dma_wait3A_978 = arith.constant 0 : i32
        %dma_wait3A_979 = arith.constant 0 : i32
        %dma_wait3A_980 = tpu.memref_slice %arg23[%dma_wait3A_978, %dma_wait3A_979] : memref<10112x128xf32, #tpu.memory_space<vmem_shared>> -> memref<10112x128xf32, #tpu.memory_space<vmem_shared>>
        tpu.wait_indirect_dma semaphore(%arg41 : memref<!tpu.dma_semaphore, #tpu.memory_space<semaphore_mem>>) src(%arg19 : memref<64x128xf32, #tpu.memory_space<vmem>>) dst(%dma_wait3A_980 : memref<10112x128xf32, #tpu.memory_space<vmem_shared>>)
      } else {
      }
      %add3A_665 = arith.constant 4 : i32
      %add3A_666 = arith.addi %add3A_657, %add3A_665 : i32
      %lt3A_667 = arith.cmpi slt, %add3A_666, %select_n3A : i32
      %convert_element_type3A_668 = arith.extui %lt3A_667 : i1 to i32
      %cond3A_669 = arith.constant 0 : i32
      %cond3A_670 = arith.cmpi ne, %convert_element_type3A_668, %cond3A_669 : i32
      scf.if %cond3A_670 {
        %add3A_978 = arith.constant 4 : i32
        %add3A_979 = arith.addi %add3A_657, %add3A_978 : i32
        %mul3A_980 = arith.constant 32 : i32
        %mul3A_981 = arith.muli %add3A_979, %mul3A_980 : i32
        %add3A_982 = arith.addi %add3A, %mul3A_981 : i32
        %mul3A_983 = arith.constant 64 : i32
        %mul3A_984 = arith.muli %add3A_982, %mul3A_983 : i32
        %dma_start3A_985 = tpu.memref_slice %arg3[%mul3A_984] : memref<320000xi32, #tpu.memory_space<hbm>> -> memref<64xi32, #tpu.memory_space<hbm>>
        %dma_start3A_986 = tpu.memref_slice %arg3[%mul3A_984] : memref<320000xi32, #tpu.memory_space<hbm>> -> memref<64xi32, #tpu.memory_space<hbm>>
        tpu.enqueue_dma source(%dma_start3A_986 : memref<64xi32, #tpu.memory_space<hbm>>) target(%arg11 : memref<64xi32, #tpu.memory_space<vmem>>) target_semaphore(%arg28 : memref<!tpu.dma_semaphore, #tpu.memory_space<semaphore_mem>>)
        %dma_start3A_987 = tpu.memref_slice %arg4[%mul3A_984] : memref<320000xi32, #tpu.memory_space<hbm>> -> memref<64xi32, #tpu.memory_space<hbm>>
        %dma_start3A_988 = tpu.memref_slice %arg4[%mul3A_984] : memref<320000xi32, #tpu.memory_space<hbm>> -> memref<64xi32, #tpu.memory_space<hbm>>
        tpu.enqueue_dma source(%dma_start3A_988 : memref<64xi32, #tpu.memory_space<hbm>>) target(%arg15 : memref<64xi32, #tpu.memory_space<vmem>>) target_semaphore(%arg32 : memref<!tpu.dma_semaphore, #tpu.memory_space<semaphore_mem>>)
      } else {
      }
      %add3A_671 = arith.constant 3 : i32
      %add3A_672 = arith.addi %add3A_657, %add3A_671 : i32
      %lt3A_673 = arith.cmpi slt, %add3A_672, %select_n3A : i32
      %convert_element_type3A_674 = arith.extui %lt3A_673 : i1 to i32
      %cond3A_675 = arith.constant 0 : i32
      %cond3A_676 = arith.cmpi ne, %convert_element_type3A_674, %cond3A_675 : i32
      scf.if %cond3A_676 {
        %dma_wait3A_978 = arith.constant 0 : i32
        %dma_wait3A_979 = tpu.memref_slice %arg3[%dma_wait3A_978] : memref<320000xi32, #tpu.memory_space<hbm>> -> memref<64xi32, #tpu.memory_space<hbm>>
        %dma_wait3A_980 = arith.constant 0 : i32
        %dma_wait3A_981 = tpu.memref_slice %arg3[%dma_wait3A_980] : memref<320000xi32, #tpu.memory_space<hbm>> -> memref<64xi32, #tpu.memory_space<hbm>>
        tpu.wait_dma2 semaphore(%arg27 : memref<!tpu.dma_semaphore, #tpu.memory_space<semaphore_mem>>) src(%dma_wait3A_981 : memref<64xi32, #tpu.memory_space<hbm>>) dst(%arg10 : memref<64xi32, #tpu.memory_space<vmem>>)
        %dma_wait3A_982 = arith.constant 0 : i32
        %dma_wait3A_983 = tpu.memref_slice %arg4[%dma_wait3A_982] : memref<320000xi32, #tpu.memory_space<hbm>> -> memref<64xi32, #tpu.memory_space<hbm>>
        %dma_wait3A_984 = arith.constant 0 : i32
        %dma_wait3A_985 = tpu.memref_slice %arg4[%dma_wait3A_984] : memref<320000xi32, #tpu.memory_space<hbm>> -> memref<64xi32, #tpu.memory_space<hbm>>
        tpu.wait_dma2 semaphore(%arg31 : memref<!tpu.dma_semaphore, #tpu.memory_space<semaphore_mem>>) src(%dma_wait3A_985 : memref<64xi32, #tpu.memory_space<hbm>>) dst(%arg14 : memref<64xi32, #tpu.memory_space<vmem>>)
        %dma_start3A_986 = arith.constant 0 : i32
        %dma_start3A_987 = arith.constant 0 : i32
        %dma_start3A_988 = tpu.memref_slice %arg2[%dma_start3A_986, %dma_start3A_987] : memref<10000x128xf32, #tpu.memory_space<hbm>> -> memref<10000x128xf32, #tpu.memory_space<hbm>>
        tpu.enqueue_indirect_dma source(%dma_start3A_988 : memref<10000x128xf32, #tpu.memory_space<hbm>>) target(%arg19 : memref<64x128xf32, #tpu.memory_space<vmem>>) offsets(%arg14 : memref<64xi32, #tpu.memory_space<vmem>>) semaphore(%arg36 : memref<!tpu.dma_semaphore, #tpu.memory_space<semaphore_mem>>)
      } else {
      }
      %lt3A_677 = arith.cmpi slt, %add3A_657, %select_n3A : i32
      %convert_element_type3A_678 = arith.extui %lt3A_677 : i1 to i32
      %cond3A_679 = arith.constant 0 : i32
      %cond3A_680 = arith.cmpi ne, %convert_element_type3A_678, %cond3A_679 : i32
      scf.if %cond3A_680 {
        %dma_wait3A_978 = arith.constant 0 : i32
        %dma_wait3A_979 = arith.constant 0 : i32
        %dma_wait3A_980 = tpu.memref_slice %arg2[%dma_wait3A_978, %dma_wait3A_979] : memref<10000x128xf32, #tpu.memory_space<hbm>> -> memref<10000x128xf32, #tpu.memory_space<hbm>>
        tpu.wait_indirect_dma semaphore(%arg38 : memref<!tpu.dma_semaphore, #tpu.memory_space<semaphore_mem>>) src(%dma_wait3A_980 : memref<10000x128xf32, #tpu.memory_space<hbm>>) dst(%arg21 : memref<64x128xf32, #tpu.memory_space<vmem>>)
        %dma_start3A_981 = arith.constant 0 : i32
        %dma_start3A_982 = arith.constant 0 : i32
        %dma_start3A_983 = tpu.memref_slice %arg23[%dma_start3A_981, %dma_start3A_982] : memref<10112x128xf32, #tpu.memory_space<vmem_shared>> -> memref<10112x128xf32, #tpu.memory_space<vmem_shared>>
        tpu.enqueue_indirect_dma source(%arg21 : memref<64x128xf32, #tpu.memory_space<vmem>>) target(%dma_start3A_983 : memref<10112x128xf32, #tpu.memory_space<vmem_shared>>) offsets(%arg7 : memref<64xi32, #tpu.memory_space<vmem>>) semaphore(%arg43 : memref<!tpu.dma_semaphore, #tpu.memory_space<semaphore_mem>>) {add = true}
      } else {
      }
      %mul3A_681 = arith.constant 30 : i32
      %mul3A_682 = arith.muli %add3A_168, %mul3A_681 : i32
      %add3A_683 = arith.constant 19 : i32
      %add3A_684 = arith.addi %mul3A_682, %add3A_683 : i32
      %ge3A_685 = arith.constant 2 : i32
      %ge3A_686 = arith.cmpi sge, %add3A_684, %ge3A_685 : i32
      %lt3A_687 = arith.cmpi slt, %add3A_684, %select_n3A : i32
      %and3A_688 = arith.andi %ge3A_686, %lt3A_687 : i1
      %convert_element_type3A_689 = arith.extui %and3A_688 : i1 to i32
      %cond3A_690 = arith.constant 0 : i32
      %cond3A_691 = arith.cmpi ne, %convert_element_type3A_689, %cond3A_690 : i32
      scf.if %cond3A_691 {
        %dma_wait3A_978 = arith.constant 0 : i32
        %dma_wait3A_979 = arith.constant 0 : i32
        %dma_wait3A_980 = tpu.memref_slice %arg23[%dma_wait3A_978, %dma_wait3A_979] : memref<10112x128xf32, #tpu.memory_space<vmem_shared>> -> memref<10112x128xf32, #tpu.memory_space<vmem_shared>>
        tpu.wait_indirect_dma semaphore(%arg42 : memref<!tpu.dma_semaphore, #tpu.memory_space<semaphore_mem>>) src(%arg20 : memref<64x128xf32, #tpu.memory_space<vmem>>) dst(%dma_wait3A_980 : memref<10112x128xf32, #tpu.memory_space<vmem_shared>>)
      } else {
      }
      %add3A_692 = arith.constant 4 : i32
      %add3A_693 = arith.addi %add3A_684, %add3A_692 : i32
      %lt3A_694 = arith.cmpi slt, %add3A_693, %select_n3A : i32
      %convert_element_type3A_695 = arith.extui %lt3A_694 : i1 to i32
      %cond3A_696 = arith.constant 0 : i32
      %cond3A_697 = arith.cmpi ne, %convert_element_type3A_695, %cond3A_696 : i32
      scf.if %cond3A_697 {
        %add3A_978 = arith.constant 4 : i32
        %add3A_979 = arith.addi %add3A_684, %add3A_978 : i32
        %mul3A_980 = arith.constant 32 : i32
        %mul3A_981 = arith.muli %add3A_979, %mul3A_980 : i32
        %add3A_982 = arith.addi %add3A, %mul3A_981 : i32
        %mul3A_983 = arith.constant 64 : i32
        %mul3A_984 = arith.muli %add3A_982, %mul3A_983 : i32
        %dma_start3A_985 = tpu.memref_slice %arg3[%mul3A_984] : memref<320000xi32, #tpu.memory_space<hbm>> -> memref<64xi32, #tpu.memory_space<hbm>>
        %dma_start3A_986 = tpu.memref_slice %arg3[%mul3A_984] : memref<320000xi32, #tpu.memory_space<hbm>> -> memref<64xi32, #tpu.memory_space<hbm>>
        tpu.enqueue_dma source(%dma_start3A_986 : memref<64xi32, #tpu.memory_space<hbm>>) target(%arg12 : memref<64xi32, #tpu.memory_space<vmem>>) target_semaphore(%arg29 : memref<!tpu.dma_semaphore, #tpu.memory_space<semaphore_mem>>)
        %dma_start3A_987 = tpu.memref_slice %arg4[%mul3A_984] : memref<320000xi32, #tpu.memory_space<hbm>> -> memref<64xi32, #tpu.memory_space<hbm>>
        %dma_start3A_988 = tpu.memref_slice %arg4[%mul3A_984] : memref<320000xi32, #tpu.memory_space<hbm>> -> memref<64xi32, #tpu.memory_space<hbm>>
        tpu.enqueue_dma source(%dma_start3A_988 : memref<64xi32, #tpu.memory_space<hbm>>) target(%arg16 : memref<64xi32, #tpu.memory_space<vmem>>) target_semaphore(%arg33 : memref<!tpu.dma_semaphore, #tpu.memory_space<semaphore_mem>>)
      } else {
      }
      %add3A_698 = arith.constant 3 : i32
      %add3A_699 = arith.addi %add3A_684, %add3A_698 : i32
      %lt3A_700 = arith.cmpi slt, %add3A_699, %select_n3A : i32
      %convert_element_type3A_701 = arith.extui %lt3A_700 : i1 to i32
      %cond3A_702 = arith.constant 0 : i32
      %cond3A_703 = arith.cmpi ne, %convert_element_type3A_701, %cond3A_702 : i32
      scf.if %cond3A_703 {
        %dma_wait3A_978 = arith.constant 0 : i32
        %dma_wait3A_979 = tpu.memref_slice %arg3[%dma_wait3A_978] : memref<320000xi32, #tpu.memory_space<hbm>> -> memref<64xi32, #tpu.memory_space<hbm>>
        %dma_wait3A_980 = arith.constant 0 : i32
        %dma_wait3A_981 = tpu.memref_slice %arg3[%dma_wait3A_980] : memref<320000xi32, #tpu.memory_space<hbm>> -> memref<64xi32, #tpu.memory_space<hbm>>
        tpu.wait_dma2 semaphore(%arg28 : memref<!tpu.dma_semaphore, #tpu.memory_space<semaphore_mem>>) src(%dma_wait3A_981 : memref<64xi32, #tpu.memory_space<hbm>>) dst(%arg11 : memref<64xi32, #tpu.memory_space<vmem>>)
        %dma_wait3A_982 = arith.constant 0 : i32
        %dma_wait3A_983 = tpu.memref_slice %arg4[%dma_wait3A_982] : memref<320000xi32, #tpu.memory_space<hbm>> -> memref<64xi32, #tpu.memory_space<hbm>>
        %dma_wait3A_984 = arith.constant 0 : i32
        %dma_wait3A_985 = tpu.memref_slice %arg4[%dma_wait3A_984] : memref<320000xi32, #tpu.memory_space<hbm>> -> memref<64xi32, #tpu.memory_space<hbm>>
        tpu.wait_dma2 semaphore(%arg32 : memref<!tpu.dma_semaphore, #tpu.memory_space<semaphore_mem>>) src(%dma_wait3A_985 : memref<64xi32, #tpu.memory_space<hbm>>) dst(%arg15 : memref<64xi32, #tpu.memory_space<vmem>>)
        %dma_start3A_986 = arith.constant 0 : i32
        %dma_start3A_987 = arith.constant 0 : i32
        %dma_start3A_988 = tpu.memref_slice %arg2[%dma_start3A_986, %dma_start3A_987] : memref<10000x128xf32, #tpu.memory_space<hbm>> -> memref<10000x128xf32, #tpu.memory_space<hbm>>
        tpu.enqueue_indirect_dma source(%dma_start3A_988 : memref<10000x128xf32, #tpu.memory_space<hbm>>) target(%arg20 : memref<64x128xf32, #tpu.memory_space<vmem>>) offsets(%arg15 : memref<64xi32, #tpu.memory_space<vmem>>) semaphore(%arg37 : memref<!tpu.dma_semaphore, #tpu.memory_space<semaphore_mem>>)
      } else {
      }
      %lt3A_704 = arith.cmpi slt, %add3A_684, %select_n3A : i32
      %convert_element_type3A_705 = arith.extui %lt3A_704 : i1 to i32
      %cond3A_706 = arith.constant 0 : i32
      %cond3A_707 = arith.cmpi ne, %convert_element_type3A_705, %cond3A_706 : i32
      scf.if %cond3A_707 {
        %dma_wait3A_978 = arith.constant 0 : i32
        %dma_wait3A_979 = arith.constant 0 : i32
        %dma_wait3A_980 = tpu.memref_slice %arg2[%dma_wait3A_978, %dma_wait3A_979] : memref<10000x128xf32, #tpu.memory_space<hbm>> -> memref<10000x128xf32, #tpu.memory_space<hbm>>
        tpu.wait_indirect_dma semaphore(%arg39 : memref<!tpu.dma_semaphore, #tpu.memory_space<semaphore_mem>>) src(%dma_wait3A_980 : memref<10000x128xf32, #tpu.memory_space<hbm>>) dst(%arg22 : memref<64x128xf32, #tpu.memory_space<vmem>>)
        %dma_start3A_981 = arith.constant 0 : i32
        %dma_start3A_982 = arith.constant 0 : i32
        %dma_start3A_983 = tpu.memref_slice %arg23[%dma_start3A_981, %dma_start3A_982] : memref<10112x128xf32, #tpu.memory_space<vmem_shared>> -> memref<10112x128xf32, #tpu.memory_space<vmem_shared>>
        tpu.enqueue_indirect_dma source(%arg22 : memref<64x128xf32, #tpu.memory_space<vmem>>) target(%dma_start3A_983 : memref<10112x128xf32, #tpu.memory_space<vmem_shared>>) offsets(%arg8 : memref<64xi32, #tpu.memory_space<vmem>>) semaphore(%arg44 : memref<!tpu.dma_semaphore, #tpu.memory_space<semaphore_mem>>) {add = true}
      } else {
      }
      %mul3A_708 = arith.constant 30 : i32
      %mul3A_709 = arith.muli %add3A_168, %mul3A_708 : i32
      %add3A_710 = arith.constant 20 : i32
      %add3A_711 = arith.addi %mul3A_709, %add3A_710 : i32
      %ge3A_712 = arith.constant 2 : i32
      %ge3A_713 = arith.cmpi sge, %add3A_711, %ge3A_712 : i32
      %lt3A_714 = arith.cmpi slt, %add3A_711, %select_n3A : i32
      %and3A_715 = arith.andi %ge3A_713, %lt3A_714 : i1
      %convert_element_type3A_716 = arith.extui %and3A_715 : i1 to i32
      %cond3A_717 = arith.constant 0 : i32
      %cond3A_718 = arith.cmpi ne, %convert_element_type3A_716, %cond3A_717 : i32
      scf.if %cond3A_718 {
        %dma_wait3A_978 = arith.constant 0 : i32
        %dma_wait3A_979 = arith.constant 0 : i32
        %dma_wait3A_980 = tpu.memref_slice %arg23[%dma_wait3A_978, %dma_wait3A_979] : memref<10112x128xf32, #tpu.memory_space<vmem_shared>> -> memref<10112x128xf32, #tpu.memory_space<vmem_shared>>
        tpu.wait_indirect_dma semaphore(%arg43 : memref<!tpu.dma_semaphore, #tpu.memory_space<semaphore_mem>>) src(%arg21 : memref<64x128xf32, #tpu.memory_space<vmem>>) dst(%dma_wait3A_980 : memref<10112x128xf32, #tpu.memory_space<vmem_shared>>)
      } else {
      }
      %add3A_719 = arith.constant 4 : i32
      %add3A_720 = arith.addi %add3A_711, %add3A_719 : i32
      %lt3A_721 = arith.cmpi slt, %add3A_720, %select_n3A : i32
      %convert_element_type3A_722 = arith.extui %lt3A_721 : i1 to i32
      %cond3A_723 = arith.constant 0 : i32
      %cond3A_724 = arith.cmpi ne, %convert_element_type3A_722, %cond3A_723 : i32
      scf.if %cond3A_724 {
        %add3A_978 = arith.constant 4 : i32
        %add3A_979 = arith.addi %add3A_711, %add3A_978 : i32
        %mul3A_980 = arith.constant 32 : i32
        %mul3A_981 = arith.muli %add3A_979, %mul3A_980 : i32
        %add3A_982 = arith.addi %add3A, %mul3A_981 : i32
        %mul3A_983 = arith.constant 64 : i32
        %mul3A_984 = arith.muli %add3A_982, %mul3A_983 : i32
        %dma_start3A_985 = tpu.memref_slice %arg3[%mul3A_984] : memref<320000xi32, #tpu.memory_space<hbm>> -> memref<64xi32, #tpu.memory_space<hbm>>
        %dma_start3A_986 = tpu.memref_slice %arg3[%mul3A_984] : memref<320000xi32, #tpu.memory_space<hbm>> -> memref<64xi32, #tpu.memory_space<hbm>>
        tpu.enqueue_dma source(%dma_start3A_986 : memref<64xi32, #tpu.memory_space<hbm>>) target(%arg7 : memref<64xi32, #tpu.memory_space<vmem>>) target_semaphore(%arg24 : memref<!tpu.dma_semaphore, #tpu.memory_space<semaphore_mem>>)
        %dma_start3A_987 = tpu.memref_slice %arg4[%mul3A_984] : memref<320000xi32, #tpu.memory_space<hbm>> -> memref<64xi32, #tpu.memory_space<hbm>>
        %dma_start3A_988 = tpu.memref_slice %arg4[%mul3A_984] : memref<320000xi32, #tpu.memory_space<hbm>> -> memref<64xi32, #tpu.memory_space<hbm>>
        tpu.enqueue_dma source(%dma_start3A_988 : memref<64xi32, #tpu.memory_space<hbm>>) target(%arg17 : memref<64xi32, #tpu.memory_space<vmem>>) target_semaphore(%arg34 : memref<!tpu.dma_semaphore, #tpu.memory_space<semaphore_mem>>)
      } else {
      }
      %add3A_725 = arith.constant 3 : i32
      %add3A_726 = arith.addi %add3A_711, %add3A_725 : i32
      %lt3A_727 = arith.cmpi slt, %add3A_726, %select_n3A : i32
      %convert_element_type3A_728 = arith.extui %lt3A_727 : i1 to i32
      %cond3A_729 = arith.constant 0 : i32
      %cond3A_730 = arith.cmpi ne, %convert_element_type3A_728, %cond3A_729 : i32
      scf.if %cond3A_730 {
        %dma_wait3A_978 = arith.constant 0 : i32
        %dma_wait3A_979 = tpu.memref_slice %arg3[%dma_wait3A_978] : memref<320000xi32, #tpu.memory_space<hbm>> -> memref<64xi32, #tpu.memory_space<hbm>>
        %dma_wait3A_980 = arith.constant 0 : i32
        %dma_wait3A_981 = tpu.memref_slice %arg3[%dma_wait3A_980] : memref<320000xi32, #tpu.memory_space<hbm>> -> memref<64xi32, #tpu.memory_space<hbm>>
        tpu.wait_dma2 semaphore(%arg29 : memref<!tpu.dma_semaphore, #tpu.memory_space<semaphore_mem>>) src(%dma_wait3A_981 : memref<64xi32, #tpu.memory_space<hbm>>) dst(%arg12 : memref<64xi32, #tpu.memory_space<vmem>>)
        %dma_wait3A_982 = arith.constant 0 : i32
        %dma_wait3A_983 = tpu.memref_slice %arg4[%dma_wait3A_982] : memref<320000xi32, #tpu.memory_space<hbm>> -> memref<64xi32, #tpu.memory_space<hbm>>
        %dma_wait3A_984 = arith.constant 0 : i32
        %dma_wait3A_985 = tpu.memref_slice %arg4[%dma_wait3A_984] : memref<320000xi32, #tpu.memory_space<hbm>> -> memref<64xi32, #tpu.memory_space<hbm>>
        tpu.wait_dma2 semaphore(%arg33 : memref<!tpu.dma_semaphore, #tpu.memory_space<semaphore_mem>>) src(%dma_wait3A_985 : memref<64xi32, #tpu.memory_space<hbm>>) dst(%arg16 : memref<64xi32, #tpu.memory_space<vmem>>)
        %dma_start3A_986 = arith.constant 0 : i32
        %dma_start3A_987 = arith.constant 0 : i32
        %dma_start3A_988 = tpu.memref_slice %arg2[%dma_start3A_986, %dma_start3A_987] : memref<10000x128xf32, #tpu.memory_space<hbm>> -> memref<10000x128xf32, #tpu.memory_space<hbm>>
        tpu.enqueue_indirect_dma source(%dma_start3A_988 : memref<10000x128xf32, #tpu.memory_space<hbm>>) target(%arg21 : memref<64x128xf32, #tpu.memory_space<vmem>>) offsets(%arg16 : memref<64xi32, #tpu.memory_space<vmem>>) semaphore(%arg38 : memref<!tpu.dma_semaphore, #tpu.memory_space<semaphore_mem>>)
      } else {
      }
      %lt3A_731 = arith.cmpi slt, %add3A_711, %select_n3A : i32
      %convert_element_type3A_732 = arith.extui %lt3A_731 : i1 to i32
      %cond3A_733 = arith.constant 0 : i32
      %cond3A_734 = arith.cmpi ne, %convert_element_type3A_732, %cond3A_733 : i32
      scf.if %cond3A_734 {
        %dma_wait3A_978 = arith.constant 0 : i32
        %dma_wait3A_979 = arith.constant 0 : i32
        %dma_wait3A_980 = tpu.memref_slice %arg2[%dma_wait3A_978, %dma_wait3A_979] : memref<10000x128xf32, #tpu.memory_space<hbm>> -> memref<10000x128xf32, #tpu.memory_space<hbm>>
        tpu.wait_indirect_dma semaphore(%arg35 : memref<!tpu.dma_semaphore, #tpu.memory_space<semaphore_mem>>) src(%dma_wait3A_980 : memref<10000x128xf32, #tpu.memory_space<hbm>>) dst(%arg18 : memref<64x128xf32, #tpu.memory_space<vmem>>)
        %dma_start3A_981 = arith.constant 0 : i32
        %dma_start3A_982 = arith.constant 0 : i32
        %dma_start3A_983 = tpu.memref_slice %arg23[%dma_start3A_981, %dma_start3A_982] : memref<10112x128xf32, #tpu.memory_space<vmem_shared>> -> memref<10112x128xf32, #tpu.memory_space<vmem_shared>>
        tpu.enqueue_indirect_dma source(%arg18 : memref<64x128xf32, #tpu.memory_space<vmem>>) target(%dma_start3A_983 : memref<10112x128xf32, #tpu.memory_space<vmem_shared>>) offsets(%arg9 : memref<64xi32, #tpu.memory_space<vmem>>) semaphore(%arg40 : memref<!tpu.dma_semaphore, #tpu.memory_space<semaphore_mem>>) {add = true}
      } else {
      }
      %mul3A_735 = arith.constant 30 : i32
      %mul3A_736 = arith.muli %add3A_168, %mul3A_735 : i32
      %add3A_737 = arith.constant 21 : i32
      %add3A_738 = arith.addi %mul3A_736, %add3A_737 : i32
      %ge3A_739 = arith.constant 2 : i32
      %ge3A_740 = arith.cmpi sge, %add3A_738, %ge3A_739 : i32
      %lt3A_741 = arith.cmpi slt, %add3A_738, %select_n3A : i32
      %and3A_742 = arith.andi %ge3A_740, %lt3A_741 : i1
      %convert_element_type3A_743 = arith.extui %and3A_742 : i1 to i32
      %cond3A_744 = arith.constant 0 : i32
      %cond3A_745 = arith.cmpi ne, %convert_element_type3A_743, %cond3A_744 : i32
      scf.if %cond3A_745 {
        %dma_wait3A_978 = arith.constant 0 : i32
        %dma_wait3A_979 = arith.constant 0 : i32
        %dma_wait3A_980 = tpu.memref_slice %arg23[%dma_wait3A_978, %dma_wait3A_979] : memref<10112x128xf32, #tpu.memory_space<vmem_shared>> -> memref<10112x128xf32, #tpu.memory_space<vmem_shared>>
        tpu.wait_indirect_dma semaphore(%arg44 : memref<!tpu.dma_semaphore, #tpu.memory_space<semaphore_mem>>) src(%arg22 : memref<64x128xf32, #tpu.memory_space<vmem>>) dst(%dma_wait3A_980 : memref<10112x128xf32, #tpu.memory_space<vmem_shared>>)
      } else {
      }
      %add3A_746 = arith.constant 4 : i32
      %add3A_747 = arith.addi %add3A_738, %add3A_746 : i32
      %lt3A_748 = arith.cmpi slt, %add3A_747, %select_n3A : i32
      %convert_element_type3A_749 = arith.extui %lt3A_748 : i1 to i32
      %cond3A_750 = arith.constant 0 : i32
      %cond3A_751 = arith.cmpi ne, %convert_element_type3A_749, %cond3A_750 : i32
      scf.if %cond3A_751 {
        %add3A_978 = arith.constant 4 : i32
        %add3A_979 = arith.addi %add3A_738, %add3A_978 : i32
        %mul3A_980 = arith.constant 32 : i32
        %mul3A_981 = arith.muli %add3A_979, %mul3A_980 : i32
        %add3A_982 = arith.addi %add3A, %mul3A_981 : i32
        %mul3A_983 = arith.constant 64 : i32
        %mul3A_984 = arith.muli %add3A_982, %mul3A_983 : i32
        %dma_start3A_985 = tpu.memref_slice %arg3[%mul3A_984] : memref<320000xi32, #tpu.memory_space<hbm>> -> memref<64xi32, #tpu.memory_space<hbm>>
        %dma_start3A_986 = tpu.memref_slice %arg3[%mul3A_984] : memref<320000xi32, #tpu.memory_space<hbm>> -> memref<64xi32, #tpu.memory_space<hbm>>
        tpu.enqueue_dma source(%dma_start3A_986 : memref<64xi32, #tpu.memory_space<hbm>>) target(%arg8 : memref<64xi32, #tpu.memory_space<vmem>>) target_semaphore(%arg25 : memref<!tpu.dma_semaphore, #tpu.memory_space<semaphore_mem>>)
        %dma_start3A_987 = tpu.memref_slice %arg4[%mul3A_984] : memref<320000xi32, #tpu.memory_space<hbm>> -> memref<64xi32, #tpu.memory_space<hbm>>
        %dma_start3A_988 = tpu.memref_slice %arg4[%mul3A_984] : memref<320000xi32, #tpu.memory_space<hbm>> -> memref<64xi32, #tpu.memory_space<hbm>>
        tpu.enqueue_dma source(%dma_start3A_988 : memref<64xi32, #tpu.memory_space<hbm>>) target(%arg13 : memref<64xi32, #tpu.memory_space<vmem>>) target_semaphore(%arg30 : memref<!tpu.dma_semaphore, #tpu.memory_space<semaphore_mem>>)
      } else {
      }
      %add3A_752 = arith.constant 3 : i32
      %add3A_753 = arith.addi %add3A_738, %add3A_752 : i32
      %lt3A_754 = arith.cmpi slt, %add3A_753, %select_n3A : i32
      %convert_element_type3A_755 = arith.extui %lt3A_754 : i1 to i32
      %cond3A_756 = arith.constant 0 : i32
      %cond3A_757 = arith.cmpi ne, %convert_element_type3A_755, %cond3A_756 : i32
      scf.if %cond3A_757 {
        %dma_wait3A_978 = arith.constant 0 : i32
        %dma_wait3A_979 = tpu.memref_slice %arg3[%dma_wait3A_978] : memref<320000xi32, #tpu.memory_space<hbm>> -> memref<64xi32, #tpu.memory_space<hbm>>
        %dma_wait3A_980 = arith.constant 0 : i32
        %dma_wait3A_981 = tpu.memref_slice %arg3[%dma_wait3A_980] : memref<320000xi32, #tpu.memory_space<hbm>> -> memref<64xi32, #tpu.memory_space<hbm>>
        tpu.wait_dma2 semaphore(%arg24 : memref<!tpu.dma_semaphore, #tpu.memory_space<semaphore_mem>>) src(%dma_wait3A_981 : memref<64xi32, #tpu.memory_space<hbm>>) dst(%arg7 : memref<64xi32, #tpu.memory_space<vmem>>)
        %dma_wait3A_982 = arith.constant 0 : i32
        %dma_wait3A_983 = tpu.memref_slice %arg4[%dma_wait3A_982] : memref<320000xi32, #tpu.memory_space<hbm>> -> memref<64xi32, #tpu.memory_space<hbm>>
        %dma_wait3A_984 = arith.constant 0 : i32
        %dma_wait3A_985 = tpu.memref_slice %arg4[%dma_wait3A_984] : memref<320000xi32, #tpu.memory_space<hbm>> -> memref<64xi32, #tpu.memory_space<hbm>>
        tpu.wait_dma2 semaphore(%arg34 : memref<!tpu.dma_semaphore, #tpu.memory_space<semaphore_mem>>) src(%dma_wait3A_985 : memref<64xi32, #tpu.memory_space<hbm>>) dst(%arg17 : memref<64xi32, #tpu.memory_space<vmem>>)
        %dma_start3A_986 = arith.constant 0 : i32
        %dma_start3A_987 = arith.constant 0 : i32
        %dma_start3A_988 = tpu.memref_slice %arg2[%dma_start3A_986, %dma_start3A_987] : memref<10000x128xf32, #tpu.memory_space<hbm>> -> memref<10000x128xf32, #tpu.memory_space<hbm>>
        tpu.enqueue_indirect_dma source(%dma_start3A_988 : memref<10000x128xf32, #tpu.memory_space<hbm>>) target(%arg22 : memref<64x128xf32, #tpu.memory_space<vmem>>) offsets(%arg17 : memref<64xi32, #tpu.memory_space<vmem>>) semaphore(%arg39 : memref<!tpu.dma_semaphore, #tpu.memory_space<semaphore_mem>>)
      } else {
      }
      %lt3A_758 = arith.cmpi slt, %add3A_738, %select_n3A : i32
      %convert_element_type3A_759 = arith.extui %lt3A_758 : i1 to i32
      %cond3A_760 = arith.constant 0 : i32
      %cond3A_761 = arith.cmpi ne, %convert_element_type3A_759, %cond3A_760 : i32
      scf.if %cond3A_761 {
        %dma_wait3A_978 = arith.constant 0 : i32
        %dma_wait3A_979 = arith.constant 0 : i32
        %dma_wait3A_980 = tpu.memref_slice %arg2[%dma_wait3A_978, %dma_wait3A_979] : memref<10000x128xf32, #tpu.memory_space<hbm>> -> memref<10000x128xf32, #tpu.memory_space<hbm>>
        tpu.wait_indirect_dma semaphore(%arg36 : memref<!tpu.dma_semaphore, #tpu.memory_space<semaphore_mem>>) src(%dma_wait3A_980 : memref<10000x128xf32, #tpu.memory_space<hbm>>) dst(%arg19 : memref<64x128xf32, #tpu.memory_space<vmem>>)
        %dma_start3A_981 = arith.constant 0 : i32
        %dma_start3A_982 = arith.constant 0 : i32
        %dma_start3A_983 = tpu.memref_slice %arg23[%dma_start3A_981, %dma_start3A_982] : memref<10112x128xf32, #tpu.memory_space<vmem_shared>> -> memref<10112x128xf32, #tpu.memory_space<vmem_shared>>
        tpu.enqueue_indirect_dma source(%arg19 : memref<64x128xf32, #tpu.memory_space<vmem>>) target(%dma_start3A_983 : memref<10112x128xf32, #tpu.memory_space<vmem_shared>>) offsets(%arg10 : memref<64xi32, #tpu.memory_space<vmem>>) semaphore(%arg41 : memref<!tpu.dma_semaphore, #tpu.memory_space<semaphore_mem>>) {add = true}
      } else {
      }
      %mul3A_762 = arith.constant 30 : i32
      %mul3A_763 = arith.muli %add3A_168, %mul3A_762 : i32
      %add3A_764 = arith.constant 22 : i32
      %add3A_765 = arith.addi %mul3A_763, %add3A_764 : i32
      %ge3A_766 = arith.constant 2 : i32
      %ge3A_767 = arith.cmpi sge, %add3A_765, %ge3A_766 : i32
      %lt3A_768 = arith.cmpi slt, %add3A_765, %select_n3A : i32
      %and3A_769 = arith.andi %ge3A_767, %lt3A_768 : i1
      %convert_element_type3A_770 = arith.extui %and3A_769 : i1 to i32
      %cond3A_771 = arith.constant 0 : i32
      %cond3A_772 = arith.cmpi ne, %convert_element_type3A_770, %cond3A_771 : i32
      scf.if %cond3A_772 {
        %dma_wait3A_978 = arith.constant 0 : i32
        %dma_wait3A_979 = arith.constant 0 : i32
        %dma_wait3A_980 = tpu.memref_slice %arg23[%dma_wait3A_978, %dma_wait3A_979] : memref<10112x128xf32, #tpu.memory_space<vmem_shared>> -> memref<10112x128xf32, #tpu.memory_space<vmem_shared>>
        tpu.wait_indirect_dma semaphore(%arg40 : memref<!tpu.dma_semaphore, #tpu.memory_space<semaphore_mem>>) src(%arg18 : memref<64x128xf32, #tpu.memory_space<vmem>>) dst(%dma_wait3A_980 : memref<10112x128xf32, #tpu.memory_space<vmem_shared>>)
      } else {
      }
      %add3A_773 = arith.constant 4 : i32
      %add3A_774 = arith.addi %add3A_765, %add3A_773 : i32
      %lt3A_775 = arith.cmpi slt, %add3A_774, %select_n3A : i32
      %convert_element_type3A_776 = arith.extui %lt3A_775 : i1 to i32
      %cond3A_777 = arith.constant 0 : i32
      %cond3A_778 = arith.cmpi ne, %convert_element_type3A_776, %cond3A_777 : i32
      scf.if %cond3A_778 {
        %add3A_978 = arith.constant 4 : i32
        %add3A_979 = arith.addi %add3A_765, %add3A_978 : i32
        %mul3A_980 = arith.constant 32 : i32
        %mul3A_981 = arith.muli %add3A_979, %mul3A_980 : i32
        %add3A_982 = arith.addi %add3A, %mul3A_981 : i32
        %mul3A_983 = arith.constant 64 : i32
        %mul3A_984 = arith.muli %add3A_982, %mul3A_983 : i32
        %dma_start3A_985 = tpu.memref_slice %arg3[%mul3A_984] : memref<320000xi32, #tpu.memory_space<hbm>> -> memref<64xi32, #tpu.memory_space<hbm>>
        %dma_start3A_986 = tpu.memref_slice %arg3[%mul3A_984] : memref<320000xi32, #tpu.memory_space<hbm>> -> memref<64xi32, #tpu.memory_space<hbm>>
        tpu.enqueue_dma source(%dma_start3A_986 : memref<64xi32, #tpu.memory_space<hbm>>) target(%arg9 : memref<64xi32, #tpu.memory_space<vmem>>) target_semaphore(%arg26 : memref<!tpu.dma_semaphore, #tpu.memory_space<semaphore_mem>>)
        %dma_start3A_987 = tpu.memref_slice %arg4[%mul3A_984] : memref<320000xi32, #tpu.memory_space<hbm>> -> memref<64xi32, #tpu.memory_space<hbm>>
        %dma_start3A_988 = tpu.memref_slice %arg4[%mul3A_984] : memref<320000xi32, #tpu.memory_space<hbm>> -> memref<64xi32, #tpu.memory_space<hbm>>
        tpu.enqueue_dma source(%dma_start3A_988 : memref<64xi32, #tpu.memory_space<hbm>>) target(%arg14 : memref<64xi32, #tpu.memory_space<vmem>>) target_semaphore(%arg31 : memref<!tpu.dma_semaphore, #tpu.memory_space<semaphore_mem>>)
      } else {
      }
      %add3A_779 = arith.constant 3 : i32
      %add3A_780 = arith.addi %add3A_765, %add3A_779 : i32
      %lt3A_781 = arith.cmpi slt, %add3A_780, %select_n3A : i32
      %convert_element_type3A_782 = arith.extui %lt3A_781 : i1 to i32
      %cond3A_783 = arith.constant 0 : i32
      %cond3A_784 = arith.cmpi ne, %convert_element_type3A_782, %cond3A_783 : i32
      scf.if %cond3A_784 {
        %dma_wait3A_978 = arith.constant 0 : i32
        %dma_wait3A_979 = tpu.memref_slice %arg3[%dma_wait3A_978] : memref<320000xi32, #tpu.memory_space<hbm>> -> memref<64xi32, #tpu.memory_space<hbm>>
        %dma_wait3A_980 = arith.constant 0 : i32
        %dma_wait3A_981 = tpu.memref_slice %arg3[%dma_wait3A_980] : memref<320000xi32, #tpu.memory_space<hbm>> -> memref<64xi32, #tpu.memory_space<hbm>>
        tpu.wait_dma2 semaphore(%arg25 : memref<!tpu.dma_semaphore, #tpu.memory_space<semaphore_mem>>) src(%dma_wait3A_981 : memref<64xi32, #tpu.memory_space<hbm>>) dst(%arg8 : memref<64xi32, #tpu.memory_space<vmem>>)
        %dma_wait3A_982 = arith.constant 0 : i32
        %dma_wait3A_983 = tpu.memref_slice %arg4[%dma_wait3A_982] : memref<320000xi32, #tpu.memory_space<hbm>> -> memref<64xi32, #tpu.memory_space<hbm>>
        %dma_wait3A_984 = arith.constant 0 : i32
        %dma_wait3A_985 = tpu.memref_slice %arg4[%dma_wait3A_984] : memref<320000xi32, #tpu.memory_space<hbm>> -> memref<64xi32, #tpu.memory_space<hbm>>
        tpu.wait_dma2 semaphore(%arg30 : memref<!tpu.dma_semaphore, #tpu.memory_space<semaphore_mem>>) src(%dma_wait3A_985 : memref<64xi32, #tpu.memory_space<hbm>>) dst(%arg13 : memref<64xi32, #tpu.memory_space<vmem>>)
        %dma_start3A_986 = arith.constant 0 : i32
        %dma_start3A_987 = arith.constant 0 : i32
        %dma_start3A_988 = tpu.memref_slice %arg2[%dma_start3A_986, %dma_start3A_987] : memref<10000x128xf32, #tpu.memory_space<hbm>> -> memref<10000x128xf32, #tpu.memory_space<hbm>>
        tpu.enqueue_indirect_dma source(%dma_start3A_988 : memref<10000x128xf32, #tpu.memory_space<hbm>>) target(%arg18 : memref<64x128xf32, #tpu.memory_space<vmem>>) offsets(%arg13 : memref<64xi32, #tpu.memory_space<vmem>>) semaphore(%arg35 : memref<!tpu.dma_semaphore, #tpu.memory_space<semaphore_mem>>)
      } else {
      }
      %lt3A_785 = arith.cmpi slt, %add3A_765, %select_n3A : i32
      %convert_element_type3A_786 = arith.extui %lt3A_785 : i1 to i32
      %cond3A_787 = arith.constant 0 : i32
      %cond3A_788 = arith.cmpi ne, %convert_element_type3A_786, %cond3A_787 : i32
      scf.if %cond3A_788 {
        %dma_wait3A_978 = arith.constant 0 : i32
        %dma_wait3A_979 = arith.constant 0 : i32
        %dma_wait3A_980 = tpu.memref_slice %arg2[%dma_wait3A_978, %dma_wait3A_979] : memref<10000x128xf32, #tpu.memory_space<hbm>> -> memref<10000x128xf32, #tpu.memory_space<hbm>>
        tpu.wait_indirect_dma semaphore(%arg37 : memref<!tpu.dma_semaphore, #tpu.memory_space<semaphore_mem>>) src(%dma_wait3A_980 : memref<10000x128xf32, #tpu.memory_space<hbm>>) dst(%arg20 : memref<64x128xf32, #tpu.memory_space<vmem>>)
        %dma_start3A_981 = arith.constant 0 : i32
        %dma_start3A_982 = arith.constant 0 : i32
        %dma_start3A_983 = tpu.memref_slice %arg23[%dma_start3A_981, %dma_start3A_982] : memref<10112x128xf32, #tpu.memory_space<vmem_shared>> -> memref<10112x128xf32, #tpu.memory_space<vmem_shared>>
        tpu.enqueue_indirect_dma source(%arg20 : memref<64x128xf32, #tpu.memory_space<vmem>>) target(%dma_start3A_983 : memref<10112x128xf32, #tpu.memory_space<vmem_shared>>) offsets(%arg11 : memref<64xi32, #tpu.memory_space<vmem>>) semaphore(%arg42 : memref<!tpu.dma_semaphore, #tpu.memory_space<semaphore_mem>>) {add = true}
      } else {
      }
      %mul3A_789 = arith.constant 30 : i32
      %mul3A_790 = arith.muli %add3A_168, %mul3A_789 : i32
      %add3A_791 = arith.constant 23 : i32
      %add3A_792 = arith.addi %mul3A_790, %add3A_791 : i32
      %ge3A_793 = arith.constant 2 : i32
      %ge3A_794 = arith.cmpi sge, %add3A_792, %ge3A_793 : i32
      %lt3A_795 = arith.cmpi slt, %add3A_792, %select_n3A : i32
      %and3A_796 = arith.andi %ge3A_794, %lt3A_795 : i1
      %convert_element_type3A_797 = arith.extui %and3A_796 : i1 to i32
      %cond3A_798 = arith.constant 0 : i32
      %cond3A_799 = arith.cmpi ne, %convert_element_type3A_797, %cond3A_798 : i32
      scf.if %cond3A_799 {
        %dma_wait3A_978 = arith.constant 0 : i32
        %dma_wait3A_979 = arith.constant 0 : i32
        %dma_wait3A_980 = tpu.memref_slice %arg23[%dma_wait3A_978, %dma_wait3A_979] : memref<10112x128xf32, #tpu.memory_space<vmem_shared>> -> memref<10112x128xf32, #tpu.memory_space<vmem_shared>>
        tpu.wait_indirect_dma semaphore(%arg41 : memref<!tpu.dma_semaphore, #tpu.memory_space<semaphore_mem>>) src(%arg19 : memref<64x128xf32, #tpu.memory_space<vmem>>) dst(%dma_wait3A_980 : memref<10112x128xf32, #tpu.memory_space<vmem_shared>>)
      } else {
      }
      %add3A_800 = arith.constant 4 : i32
      %add3A_801 = arith.addi %add3A_792, %add3A_800 : i32
      %lt3A_802 = arith.cmpi slt, %add3A_801, %select_n3A : i32
      %convert_element_type3A_803 = arith.extui %lt3A_802 : i1 to i32
      %cond3A_804 = arith.constant 0 : i32
      %cond3A_805 = arith.cmpi ne, %convert_element_type3A_803, %cond3A_804 : i32
      scf.if %cond3A_805 {
        %add3A_978 = arith.constant 4 : i32
        %add3A_979 = arith.addi %add3A_792, %add3A_978 : i32
        %mul3A_980 = arith.constant 32 : i32
        %mul3A_981 = arith.muli %add3A_979, %mul3A_980 : i32
        %add3A_982 = arith.addi %add3A, %mul3A_981 : i32
        %mul3A_983 = arith.constant 64 : i32
        %mul3A_984 = arith.muli %add3A_982, %mul3A_983 : i32
        %dma_start3A_985 = tpu.memref_slice %arg3[%mul3A_984] : memref<320000xi32, #tpu.memory_space<hbm>> -> memref<64xi32, #tpu.memory_space<hbm>>
        %dma_start3A_986 = tpu.memref_slice %arg3[%mul3A_984] : memref<320000xi32, #tpu.memory_space<hbm>> -> memref<64xi32, #tpu.memory_space<hbm>>
        tpu.enqueue_dma source(%dma_start3A_986 : memref<64xi32, #tpu.memory_space<hbm>>) target(%arg10 : memref<64xi32, #tpu.memory_space<vmem>>) target_semaphore(%arg27 : memref<!tpu.dma_semaphore, #tpu.memory_space<semaphore_mem>>)
        %dma_start3A_987 = tpu.memref_slice %arg4[%mul3A_984] : memref<320000xi32, #tpu.memory_space<hbm>> -> memref<64xi32, #tpu.memory_space<hbm>>
        %dma_start3A_988 = tpu.memref_slice %arg4[%mul3A_984] : memref<320000xi32, #tpu.memory_space<hbm>> -> memref<64xi32, #tpu.memory_space<hbm>>
        tpu.enqueue_dma source(%dma_start3A_988 : memref<64xi32, #tpu.memory_space<hbm>>) target(%arg15 : memref<64xi32, #tpu.memory_space<vmem>>) target_semaphore(%arg32 : memref<!tpu.dma_semaphore, #tpu.memory_space<semaphore_mem>>)
      } else {
      }
      %add3A_806 = arith.constant 3 : i32
      %add3A_807 = arith.addi %add3A_792, %add3A_806 : i32
      %lt3A_808 = arith.cmpi slt, %add3A_807, %select_n3A : i32
      %convert_element_type3A_809 = arith.extui %lt3A_808 : i1 to i32
      %cond3A_810 = arith.constant 0 : i32
      %cond3A_811 = arith.cmpi ne, %convert_element_type3A_809, %cond3A_810 : i32
      scf.if %cond3A_811 {
        %dma_wait3A_978 = arith.constant 0 : i32
        %dma_wait3A_979 = tpu.memref_slice %arg3[%dma_wait3A_978] : memref<320000xi32, #tpu.memory_space<hbm>> -> memref<64xi32, #tpu.memory_space<hbm>>
        %dma_wait3A_980 = arith.constant 0 : i32
        %dma_wait3A_981 = tpu.memref_slice %arg3[%dma_wait3A_980] : memref<320000xi32, #tpu.memory_space<hbm>> -> memref<64xi32, #tpu.memory_space<hbm>>
        tpu.wait_dma2 semaphore(%arg26 : memref<!tpu.dma_semaphore, #tpu.memory_space<semaphore_mem>>) src(%dma_wait3A_981 : memref<64xi32, #tpu.memory_space<hbm>>) dst(%arg9 : memref<64xi32, #tpu.memory_space<vmem>>)
        %dma_wait3A_982 = arith.constant 0 : i32
        %dma_wait3A_983 = tpu.memref_slice %arg4[%dma_wait3A_982] : memref<320000xi32, #tpu.memory_space<hbm>> -> memref<64xi32, #tpu.memory_space<hbm>>
        %dma_wait3A_984 = arith.constant 0 : i32
        %dma_wait3A_985 = tpu.memref_slice %arg4[%dma_wait3A_984] : memref<320000xi32, #tpu.memory_space<hbm>> -> memref<64xi32, #tpu.memory_space<hbm>>
        tpu.wait_dma2 semaphore(%arg31 : memref<!tpu.dma_semaphore, #tpu.memory_space<semaphore_mem>>) src(%dma_wait3A_985 : memref<64xi32, #tpu.memory_space<hbm>>) dst(%arg14 : memref<64xi32, #tpu.memory_space<vmem>>)
        %dma_start3A_986 = arith.constant 0 : i32
        %dma_start3A_987 = arith.constant 0 : i32
        %dma_start3A_988 = tpu.memref_slice %arg2[%dma_start3A_986, %dma_start3A_987] : memref<10000x128xf32, #tpu.memory_space<hbm>> -> memref<10000x128xf32, #tpu.memory_space<hbm>>
        tpu.enqueue_indirect_dma source(%dma_start3A_988 : memref<10000x128xf32, #tpu.memory_space<hbm>>) target(%arg19 : memref<64x128xf32, #tpu.memory_space<vmem>>) offsets(%arg14 : memref<64xi32, #tpu.memory_space<vmem>>) semaphore(%arg36 : memref<!tpu.dma_semaphore, #tpu.memory_space<semaphore_mem>>)
      } else {
      }
      %lt3A_812 = arith.cmpi slt, %add3A_792, %select_n3A : i32
      %convert_element_type3A_813 = arith.extui %lt3A_812 : i1 to i32
      %cond3A_814 = arith.constant 0 : i32
      %cond3A_815 = arith.cmpi ne, %convert_element_type3A_813, %cond3A_814 : i32
      scf.if %cond3A_815 {
        %dma_wait3A_978 = arith.constant 0 : i32
        %dma_wait3A_979 = arith.constant 0 : i32
        %dma_wait3A_980 = tpu.memref_slice %arg2[%dma_wait3A_978, %dma_wait3A_979] : memref<10000x128xf32, #tpu.memory_space<hbm>> -> memref<10000x128xf32, #tpu.memory_space<hbm>>
        tpu.wait_indirect_dma semaphore(%arg38 : memref<!tpu.dma_semaphore, #tpu.memory_space<semaphore_mem>>) src(%dma_wait3A_980 : memref<10000x128xf32, #tpu.memory_space<hbm>>) dst(%arg21 : memref<64x128xf32, #tpu.memory_space<vmem>>)
        %dma_start3A_981 = arith.constant 0 : i32
        %dma_start3A_982 = arith.constant 0 : i32
        %dma_start3A_983 = tpu.memref_slice %arg23[%dma_start3A_981, %dma_start3A_982] : memref<10112x128xf32, #tpu.memory_space<vmem_shared>> -> memref<10112x128xf32, #tpu.memory_space<vmem_shared>>
        tpu.enqueue_indirect_dma source(%arg21 : memref<64x128xf32, #tpu.memory_space<vmem>>) target(%dma_start3A_983 : memref<10112x128xf32, #tpu.memory_space<vmem_shared>>) offsets(%arg12 : memref<64xi32, #tpu.memory_space<vmem>>) semaphore(%arg43 : memref<!tpu.dma_semaphore, #tpu.memory_space<semaphore_mem>>) {add = true}
      } else {
      }
      %mul3A_816 = arith.constant 30 : i32
      %mul3A_817 = arith.muli %add3A_168, %mul3A_816 : i32
      %add3A_818 = arith.constant 24 : i32
      %add3A_819 = arith.addi %mul3A_817, %add3A_818 : i32
      %ge3A_820 = arith.constant 2 : i32
      %ge3A_821 = arith.cmpi sge, %add3A_819, %ge3A_820 : i32
      %lt3A_822 = arith.cmpi slt, %add3A_819, %select_n3A : i32
      %and3A_823 = arith.andi %ge3A_821, %lt3A_822 : i1
      %convert_element_type3A_824 = arith.extui %and3A_823 : i1 to i32
      %cond3A_825 = arith.constant 0 : i32
      %cond3A_826 = arith.cmpi ne, %convert_element_type3A_824, %cond3A_825 : i32
      scf.if %cond3A_826 {
        %dma_wait3A_978 = arith.constant 0 : i32
        %dma_wait3A_979 = arith.constant 0 : i32
        %dma_wait3A_980 = tpu.memref_slice %arg23[%dma_wait3A_978, %dma_wait3A_979] : memref<10112x128xf32, #tpu.memory_space<vmem_shared>> -> memref<10112x128xf32, #tpu.memory_space<vmem_shared>>
        tpu.wait_indirect_dma semaphore(%arg42 : memref<!tpu.dma_semaphore, #tpu.memory_space<semaphore_mem>>) src(%arg20 : memref<64x128xf32, #tpu.memory_space<vmem>>) dst(%dma_wait3A_980 : memref<10112x128xf32, #tpu.memory_space<vmem_shared>>)
      } else {
      }
      %add3A_827 = arith.constant 4 : i32
      %add3A_828 = arith.addi %add3A_819, %add3A_827 : i32
      %lt3A_829 = arith.cmpi slt, %add3A_828, %select_n3A : i32
      %convert_element_type3A_830 = arith.extui %lt3A_829 : i1 to i32
      %cond3A_831 = arith.constant 0 : i32
      %cond3A_832 = arith.cmpi ne, %convert_element_type3A_830, %cond3A_831 : i32
      scf.if %cond3A_832 {
        %add3A_978 = arith.constant 4 : i32
        %add3A_979 = arith.addi %add3A_819, %add3A_978 : i32
        %mul3A_980 = arith.constant 32 : i32
        %mul3A_981 = arith.muli %add3A_979, %mul3A_980 : i32
        %add3A_982 = arith.addi %add3A, %mul3A_981 : i32
        %mul3A_983 = arith.constant 64 : i32
        %mul3A_984 = arith.muli %add3A_982, %mul3A_983 : i32
        %dma_start3A_985 = tpu.memref_slice %arg3[%mul3A_984] : memref<320000xi32, #tpu.memory_space<hbm>> -> memref<64xi32, #tpu.memory_space<hbm>>
        %dma_start3A_986 = tpu.memref_slice %arg3[%mul3A_984] : memref<320000xi32, #tpu.memory_space<hbm>> -> memref<64xi32, #tpu.memory_space<hbm>>
        tpu.enqueue_dma source(%dma_start3A_986 : memref<64xi32, #tpu.memory_space<hbm>>) target(%arg11 : memref<64xi32, #tpu.memory_space<vmem>>) target_semaphore(%arg28 : memref<!tpu.dma_semaphore, #tpu.memory_space<semaphore_mem>>)
        %dma_start3A_987 = tpu.memref_slice %arg4[%mul3A_984] : memref<320000xi32, #tpu.memory_space<hbm>> -> memref<64xi32, #tpu.memory_space<hbm>>
        %dma_start3A_988 = tpu.memref_slice %arg4[%mul3A_984] : memref<320000xi32, #tpu.memory_space<hbm>> -> memref<64xi32, #tpu.memory_space<hbm>>
        tpu.enqueue_dma source(%dma_start3A_988 : memref<64xi32, #tpu.memory_space<hbm>>) target(%arg16 : memref<64xi32, #tpu.memory_space<vmem>>) target_semaphore(%arg33 : memref<!tpu.dma_semaphore, #tpu.memory_space<semaphore_mem>>)
      } else {
      }
      %add3A_833 = arith.constant 3 : i32
      %add3A_834 = arith.addi %add3A_819, %add3A_833 : i32
      %lt3A_835 = arith.cmpi slt, %add3A_834, %select_n3A : i32
      %convert_element_type3A_836 = arith.extui %lt3A_835 : i1 to i32
      %cond3A_837 = arith.constant 0 : i32
      %cond3A_838 = arith.cmpi ne, %convert_element_type3A_836, %cond3A_837 : i32
      scf.if %cond3A_838 {
        %dma_wait3A_978 = arith.constant 0 : i32
        %dma_wait3A_979 = tpu.memref_slice %arg3[%dma_wait3A_978] : memref<320000xi32, #tpu.memory_space<hbm>> -> memref<64xi32, #tpu.memory_space<hbm>>
        %dma_wait3A_980 = arith.constant 0 : i32
        %dma_wait3A_981 = tpu.memref_slice %arg3[%dma_wait3A_980] : memref<320000xi32, #tpu.memory_space<hbm>> -> memref<64xi32, #tpu.memory_space<hbm>>
        tpu.wait_dma2 semaphore(%arg27 : memref<!tpu.dma_semaphore, #tpu.memory_space<semaphore_mem>>) src(%dma_wait3A_981 : memref<64xi32, #tpu.memory_space<hbm>>) dst(%arg10 : memref<64xi32, #tpu.memory_space<vmem>>)
        %dma_wait3A_982 = arith.constant 0 : i32
        %dma_wait3A_983 = tpu.memref_slice %arg4[%dma_wait3A_982] : memref<320000xi32, #tpu.memory_space<hbm>> -> memref<64xi32, #tpu.memory_space<hbm>>
        %dma_wait3A_984 = arith.constant 0 : i32
        %dma_wait3A_985 = tpu.memref_slice %arg4[%dma_wait3A_984] : memref<320000xi32, #tpu.memory_space<hbm>> -> memref<64xi32, #tpu.memory_space<hbm>>
        tpu.wait_dma2 semaphore(%arg32 : memref<!tpu.dma_semaphore, #tpu.memory_space<semaphore_mem>>) src(%dma_wait3A_985 : memref<64xi32, #tpu.memory_space<hbm>>) dst(%arg15 : memref<64xi32, #tpu.memory_space<vmem>>)
        %dma_start3A_986 = arith.constant 0 : i32
        %dma_start3A_987 = arith.constant 0 : i32
        %dma_start3A_988 = tpu.memref_slice %arg2[%dma_start3A_986, %dma_start3A_987] : memref<10000x128xf32, #tpu.memory_space<hbm>> -> memref<10000x128xf32, #tpu.memory_space<hbm>>
        tpu.enqueue_indirect_dma source(%dma_start3A_988 : memref<10000x128xf32, #tpu.memory_space<hbm>>) target(%arg20 : memref<64x128xf32, #tpu.memory_space<vmem>>) offsets(%arg15 : memref<64xi32, #tpu.memory_space<vmem>>) semaphore(%arg37 : memref<!tpu.dma_semaphore, #tpu.memory_space<semaphore_mem>>)
      } else {
      }
      %lt3A_839 = arith.cmpi slt, %add3A_819, %select_n3A : i32
      %convert_element_type3A_840 = arith.extui %lt3A_839 : i1 to i32
      %cond3A_841 = arith.constant 0 : i32
      %cond3A_842 = arith.cmpi ne, %convert_element_type3A_840, %cond3A_841 : i32
      scf.if %cond3A_842 {
        %dma_wait3A_978 = arith.constant 0 : i32
        %dma_wait3A_979 = arith.constant 0 : i32
        %dma_wait3A_980 = tpu.memref_slice %arg2[%dma_wait3A_978, %dma_wait3A_979] : memref<10000x128xf32, #tpu.memory_space<hbm>> -> memref<10000x128xf32, #tpu.memory_space<hbm>>
        tpu.wait_indirect_dma semaphore(%arg39 : memref<!tpu.dma_semaphore, #tpu.memory_space<semaphore_mem>>) src(%dma_wait3A_980 : memref<10000x128xf32, #tpu.memory_space<hbm>>) dst(%arg22 : memref<64x128xf32, #tpu.memory_space<vmem>>)
        %dma_start3A_981 = arith.constant 0 : i32
        %dma_start3A_982 = arith.constant 0 : i32
        %dma_start3A_983 = tpu.memref_slice %arg23[%dma_start3A_981, %dma_start3A_982] : memref<10112x128xf32, #tpu.memory_space<vmem_shared>> -> memref<10112x128xf32, #tpu.memory_space<vmem_shared>>
        tpu.enqueue_indirect_dma source(%arg22 : memref<64x128xf32, #tpu.memory_space<vmem>>) target(%dma_start3A_983 : memref<10112x128xf32, #tpu.memory_space<vmem_shared>>) offsets(%arg7 : memref<64xi32, #tpu.memory_space<vmem>>) semaphore(%arg44 : memref<!tpu.dma_semaphore, #tpu.memory_space<semaphore_mem>>) {add = true}
      } else {
      }
      %mul3A_843 = arith.constant 30 : i32
      %mul3A_844 = arith.muli %add3A_168, %mul3A_843 : i32
      %add3A_845 = arith.constant 25 : i32
      %add3A_846 = arith.addi %mul3A_844, %add3A_845 : i32
      %ge3A_847 = arith.constant 2 : i32
      %ge3A_848 = arith.cmpi sge, %add3A_846, %ge3A_847 : i32
      %lt3A_849 = arith.cmpi slt, %add3A_846, %select_n3A : i32
      %and3A_850 = arith.andi %ge3A_848, %lt3A_849 : i1
      %convert_element_type3A_851 = arith.extui %and3A_850 : i1 to i32
      %cond3A_852 = arith.constant 0 : i32
      %cond3A_853 = arith.cmpi ne, %convert_element_type3A_851, %cond3A_852 : i32
      scf.if %cond3A_853 {
        %dma_wait3A_978 = arith.constant 0 : i32
        %dma_wait3A_979 = arith.constant 0 : i32
        %dma_wait3A_980 = tpu.memref_slice %arg23[%dma_wait3A_978, %dma_wait3A_979] : memref<10112x128xf32, #tpu.memory_space<vmem_shared>> -> memref<10112x128xf32, #tpu.memory_space<vmem_shared>>
        tpu.wait_indirect_dma semaphore(%arg43 : memref<!tpu.dma_semaphore, #tpu.memory_space<semaphore_mem>>) src(%arg21 : memref<64x128xf32, #tpu.memory_space<vmem>>) dst(%dma_wait3A_980 : memref<10112x128xf32, #tpu.memory_space<vmem_shared>>)
      } else {
      }
      %add3A_854 = arith.constant 4 : i32
      %add3A_855 = arith.addi %add3A_846, %add3A_854 : i32
      %lt3A_856 = arith.cmpi slt, %add3A_855, %select_n3A : i32
      %convert_element_type3A_857 = arith.extui %lt3A_856 : i1 to i32
      %cond3A_858 = arith.constant 0 : i32
      %cond3A_859 = arith.cmpi ne, %convert_element_type3A_857, %cond3A_858 : i32
      scf.if %cond3A_859 {
        %add3A_978 = arith.constant 4 : i32
        %add3A_979 = arith.addi %add3A_846, %add3A_978 : i32
        %mul3A_980 = arith.constant 32 : i32
        %mul3A_981 = arith.muli %add3A_979, %mul3A_980 : i32
        %add3A_982 = arith.addi %add3A, %mul3A_981 : i32
        %mul3A_983 = arith.constant 64 : i32
        %mul3A_984 = arith.muli %add3A_982, %mul3A_983 : i32
        %dma_start3A_985 = tpu.memref_slice %arg3[%mul3A_984] : memref<320000xi32, #tpu.memory_space<hbm>> -> memref<64xi32, #tpu.memory_space<hbm>>
        %dma_start3A_986 = tpu.memref_slice %arg3[%mul3A_984] : memref<320000xi32, #tpu.memory_space<hbm>> -> memref<64xi32, #tpu.memory_space<hbm>>
        tpu.enqueue_dma source(%dma_start3A_986 : memref<64xi32, #tpu.memory_space<hbm>>) target(%arg12 : memref<64xi32, #tpu.memory_space<vmem>>) target_semaphore(%arg29 : memref<!tpu.dma_semaphore, #tpu.memory_space<semaphore_mem>>)
        %dma_start3A_987 = tpu.memref_slice %arg4[%mul3A_984] : memref<320000xi32, #tpu.memory_space<hbm>> -> memref<64xi32, #tpu.memory_space<hbm>>
        %dma_start3A_988 = tpu.memref_slice %arg4[%mul3A_984] : memref<320000xi32, #tpu.memory_space<hbm>> -> memref<64xi32, #tpu.memory_space<hbm>>
        tpu.enqueue_dma source(%dma_start3A_988 : memref<64xi32, #tpu.memory_space<hbm>>) target(%arg17 : memref<64xi32, #tpu.memory_space<vmem>>) target_semaphore(%arg34 : memref<!tpu.dma_semaphore, #tpu.memory_space<semaphore_mem>>)
      } else {
      }
      %add3A_860 = arith.constant 3 : i32
      %add3A_861 = arith.addi %add3A_846, %add3A_860 : i32
      %lt3A_862 = arith.cmpi slt, %add3A_861, %select_n3A : i32
      %convert_element_type3A_863 = arith.extui %lt3A_862 : i1 to i32
      %cond3A_864 = arith.constant 0 : i32
      %cond3A_865 = arith.cmpi ne, %convert_element_type3A_863, %cond3A_864 : i32
      scf.if %cond3A_865 {
        %dma_wait3A_978 = arith.constant 0 : i32
        %dma_wait3A_979 = tpu.memref_slice %arg3[%dma_wait3A_978] : memref<320000xi32, #tpu.memory_space<hbm>> -> memref<64xi32, #tpu.memory_space<hbm>>
        %dma_wait3A_980 = arith.constant 0 : i32
        %dma_wait3A_981 = tpu.memref_slice %arg3[%dma_wait3A_980] : memref<320000xi32, #tpu.memory_space<hbm>> -> memref<64xi32, #tpu.memory_space<hbm>>
        tpu.wait_dma2 semaphore(%arg28 : memref<!tpu.dma_semaphore, #tpu.memory_space<semaphore_mem>>) src(%dma_wait3A_981 : memref<64xi32, #tpu.memory_space<hbm>>) dst(%arg11 : memref<64xi32, #tpu.memory_space<vmem>>)
        %dma_wait3A_982 = arith.constant 0 : i32
        %dma_wait3A_983 = tpu.memref_slice %arg4[%dma_wait3A_982] : memref<320000xi32, #tpu.memory_space<hbm>> -> memref<64xi32, #tpu.memory_space<hbm>>
        %dma_wait3A_984 = arith.constant 0 : i32
        %dma_wait3A_985 = tpu.memref_slice %arg4[%dma_wait3A_984] : memref<320000xi32, #tpu.memory_space<hbm>> -> memref<64xi32, #tpu.memory_space<hbm>>
        tpu.wait_dma2 semaphore(%arg33 : memref<!tpu.dma_semaphore, #tpu.memory_space<semaphore_mem>>) src(%dma_wait3A_985 : memref<64xi32, #tpu.memory_space<hbm>>) dst(%arg16 : memref<64xi32, #tpu.memory_space<vmem>>)
        %dma_start3A_986 = arith.constant 0 : i32
        %dma_start3A_987 = arith.constant 0 : i32
        %dma_start3A_988 = tpu.memref_slice %arg2[%dma_start3A_986, %dma_start3A_987] : memref<10000x128xf32, #tpu.memory_space<hbm>> -> memref<10000x128xf32, #tpu.memory_space<hbm>>
        tpu.enqueue_indirect_dma source(%dma_start3A_988 : memref<10000x128xf32, #tpu.memory_space<hbm>>) target(%arg21 : memref<64x128xf32, #tpu.memory_space<vmem>>) offsets(%arg16 : memref<64xi32, #tpu.memory_space<vmem>>) semaphore(%arg38 : memref<!tpu.dma_semaphore, #tpu.memory_space<semaphore_mem>>)
      } else {
      }
      %lt3A_866 = arith.cmpi slt, %add3A_846, %select_n3A : i32
      %convert_element_type3A_867 = arith.extui %lt3A_866 : i1 to i32
      %cond3A_868 = arith.constant 0 : i32
      %cond3A_869 = arith.cmpi ne, %convert_element_type3A_867, %cond3A_868 : i32
      scf.if %cond3A_869 {
        %dma_wait3A_978 = arith.constant 0 : i32
        %dma_wait3A_979 = arith.constant 0 : i32
        %dma_wait3A_980 = tpu.memref_slice %arg2[%dma_wait3A_978, %dma_wait3A_979] : memref<10000x128xf32, #tpu.memory_space<hbm>> -> memref<10000x128xf32, #tpu.memory_space<hbm>>
        tpu.wait_indirect_dma semaphore(%arg35 : memref<!tpu.dma_semaphore, #tpu.memory_space<semaphore_mem>>) src(%dma_wait3A_980 : memref<10000x128xf32, #tpu.memory_space<hbm>>) dst(%arg18 : memref<64x128xf32, #tpu.memory_space<vmem>>)
        %dma_start3A_981 = arith.constant 0 : i32
        %dma_start3A_982 = arith.constant 0 : i32
        %dma_start3A_983 = tpu.memref_slice %arg23[%dma_start3A_981, %dma_start3A_982] : memref<10112x128xf32, #tpu.memory_space<vmem_shared>> -> memref<10112x128xf32, #tpu.memory_space<vmem_shared>>
        tpu.enqueue_indirect_dma source(%arg18 : memref<64x128xf32, #tpu.memory_space<vmem>>) target(%dma_start3A_983 : memref<10112x128xf32, #tpu.memory_space<vmem_shared>>) offsets(%arg8 : memref<64xi32, #tpu.memory_space<vmem>>) semaphore(%arg40 : memref<!tpu.dma_semaphore, #tpu.memory_space<semaphore_mem>>) {add = true}
      } else {
      }
      %mul3A_870 = arith.constant 30 : i32
      %mul3A_871 = arith.muli %add3A_168, %mul3A_870 : i32
      %add3A_872 = arith.constant 26 : i32
      %add3A_873 = arith.addi %mul3A_871, %add3A_872 : i32
      %ge3A_874 = arith.constant 2 : i32
      %ge3A_875 = arith.cmpi sge, %add3A_873, %ge3A_874 : i32
      %lt3A_876 = arith.cmpi slt, %add3A_873, %select_n3A : i32
      %and3A_877 = arith.andi %ge3A_875, %lt3A_876 : i1
      %convert_element_type3A_878 = arith.extui %and3A_877 : i1 to i32
      %cond3A_879 = arith.constant 0 : i32
      %cond3A_880 = arith.cmpi ne, %convert_element_type3A_878, %cond3A_879 : i32
      scf.if %cond3A_880 {
        %dma_wait3A_978 = arith.constant 0 : i32
        %dma_wait3A_979 = arith.constant 0 : i32
        %dma_wait3A_980 = tpu.memref_slice %arg23[%dma_wait3A_978, %dma_wait3A_979] : memref<10112x128xf32, #tpu.memory_space<vmem_shared>> -> memref<10112x128xf32, #tpu.memory_space<vmem_shared>>
        tpu.wait_indirect_dma semaphore(%arg44 : memref<!tpu.dma_semaphore, #tpu.memory_space<semaphore_mem>>) src(%arg22 : memref<64x128xf32, #tpu.memory_space<vmem>>) dst(%dma_wait3A_980 : memref<10112x128xf32, #tpu.memory_space<vmem_shared>>)
      } else {
      }
      %add3A_881 = arith.constant 4 : i32
      %add3A_882 = arith.addi %add3A_873, %add3A_881 : i32
      %lt3A_883 = arith.cmpi slt, %add3A_882, %select_n3A : i32
      %convert_element_type3A_884 = arith.extui %lt3A_883 : i1 to i32
      %cond3A_885 = arith.constant 0 : i32
      %cond3A_886 = arith.cmpi ne, %convert_element_type3A_884, %cond3A_885 : i32
      scf.if %cond3A_886 {
        %add3A_978 = arith.constant 4 : i32
        %add3A_979 = arith.addi %add3A_873, %add3A_978 : i32
        %mul3A_980 = arith.constant 32 : i32
        %mul3A_981 = arith.muli %add3A_979, %mul3A_980 : i32
        %add3A_982 = arith.addi %add3A, %mul3A_981 : i32
        %mul3A_983 = arith.constant 64 : i32
        %mul3A_984 = arith.muli %add3A_982, %mul3A_983 : i32
        %dma_start3A_985 = tpu.memref_slice %arg3[%mul3A_984] : memref<320000xi32, #tpu.memory_space<hbm>> -> memref<64xi32, #tpu.memory_space<hbm>>
        %dma_start3A_986 = tpu.memref_slice %arg3[%mul3A_984] : memref<320000xi32, #tpu.memory_space<hbm>> -> memref<64xi32, #tpu.memory_space<hbm>>
        tpu.enqueue_dma source(%dma_start3A_986 : memref<64xi32, #tpu.memory_space<hbm>>) target(%arg7 : memref<64xi32, #tpu.memory_space<vmem>>) target_semaphore(%arg24 : memref<!tpu.dma_semaphore, #tpu.memory_space<semaphore_mem>>)
        %dma_start3A_987 = tpu.memref_slice %arg4[%mul3A_984] : memref<320000xi32, #tpu.memory_space<hbm>> -> memref<64xi32, #tpu.memory_space<hbm>>
        %dma_start3A_988 = tpu.memref_slice %arg4[%mul3A_984] : memref<320000xi32, #tpu.memory_space<hbm>> -> memref<64xi32, #tpu.memory_space<hbm>>
        tpu.enqueue_dma source(%dma_start3A_988 : memref<64xi32, #tpu.memory_space<hbm>>) target(%arg13 : memref<64xi32, #tpu.memory_space<vmem>>) target_semaphore(%arg30 : memref<!tpu.dma_semaphore, #tpu.memory_space<semaphore_mem>>)
      } else {
      }
      %add3A_887 = arith.constant 3 : i32
      %add3A_888 = arith.addi %add3A_873, %add3A_887 : i32
      %lt3A_889 = arith.cmpi slt, %add3A_888, %select_n3A : i32
      %convert_element_type3A_890 = arith.extui %lt3A_889 : i1 to i32
      %cond3A_891 = arith.constant 0 : i32
      %cond3A_892 = arith.cmpi ne, %convert_element_type3A_890, %cond3A_891 : i32
      scf.if %cond3A_892 {
        %dma_wait3A_978 = arith.constant 0 : i32
        %dma_wait3A_979 = tpu.memref_slice %arg3[%dma_wait3A_978] : memref<320000xi32, #tpu.memory_space<hbm>> -> memref<64xi32, #tpu.memory_space<hbm>>
        %dma_wait3A_980 = arith.constant 0 : i32
        %dma_wait3A_981 = tpu.memref_slice %arg3[%dma_wait3A_980] : memref<320000xi32, #tpu.memory_space<hbm>> -> memref<64xi32, #tpu.memory_space<hbm>>
        tpu.wait_dma2 semaphore(%arg29 : memref<!tpu.dma_semaphore, #tpu.memory_space<semaphore_mem>>) src(%dma_wait3A_981 : memref<64xi32, #tpu.memory_space<hbm>>) dst(%arg12 : memref<64xi32, #tpu.memory_space<vmem>>)
        %dma_wait3A_982 = arith.constant 0 : i32
        %dma_wait3A_983 = tpu.memref_slice %arg4[%dma_wait3A_982] : memref<320000xi32, #tpu.memory_space<hbm>> -> memref<64xi32, #tpu.memory_space<hbm>>
        %dma_wait3A_984 = arith.constant 0 : i32
        %dma_wait3A_985 = tpu.memref_slice %arg4[%dma_wait3A_984] : memref<320000xi32, #tpu.memory_space<hbm>> -> memref<64xi32, #tpu.memory_space<hbm>>
        tpu.wait_dma2 semaphore(%arg34 : memref<!tpu.dma_semaphore, #tpu.memory_space<semaphore_mem>>) src(%dma_wait3A_985 : memref<64xi32, #tpu.memory_space<hbm>>) dst(%arg17 : memref<64xi32, #tpu.memory_space<vmem>>)
        %dma_start3A_986 = arith.constant 0 : i32
        %dma_start3A_987 = arith.constant 0 : i32
        %dma_start3A_988 = tpu.memref_slice %arg2[%dma_start3A_986, %dma_start3A_987] : memref<10000x128xf32, #tpu.memory_space<hbm>> -> memref<10000x128xf32, #tpu.memory_space<hbm>>
        tpu.enqueue_indirect_dma source(%dma_start3A_988 : memref<10000x128xf32, #tpu.memory_space<hbm>>) target(%arg22 : memref<64x128xf32, #tpu.memory_space<vmem>>) offsets(%arg17 : memref<64xi32, #tpu.memory_space<vmem>>) semaphore(%arg39 : memref<!tpu.dma_semaphore, #tpu.memory_space<semaphore_mem>>)
      } else {
      }
      %lt3A_893 = arith.cmpi slt, %add3A_873, %select_n3A : i32
      %convert_element_type3A_894 = arith.extui %lt3A_893 : i1 to i32
      %cond3A_895 = arith.constant 0 : i32
      %cond3A_896 = arith.cmpi ne, %convert_element_type3A_894, %cond3A_895 : i32
      scf.if %cond3A_896 {
        %dma_wait3A_978 = arith.constant 0 : i32
        %dma_wait3A_979 = arith.constant 0 : i32
        %dma_wait3A_980 = tpu.memref_slice %arg2[%dma_wait3A_978, %dma_wait3A_979] : memref<10000x128xf32, #tpu.memory_space<hbm>> -> memref<10000x128xf32, #tpu.memory_space<hbm>>
        tpu.wait_indirect_dma semaphore(%arg36 : memref<!tpu.dma_semaphore, #tpu.memory_space<semaphore_mem>>) src(%dma_wait3A_980 : memref<10000x128xf32, #tpu.memory_space<hbm>>) dst(%arg19 : memref<64x128xf32, #tpu.memory_space<vmem>>)
        %dma_start3A_981 = arith.constant 0 : i32
        %dma_start3A_982 = arith.constant 0 : i32
        %dma_start3A_983 = tpu.memref_slice %arg23[%dma_start3A_981, %dma_start3A_982] : memref<10112x128xf32, #tpu.memory_space<vmem_shared>> -> memref<10112x128xf32, #tpu.memory_space<vmem_shared>>
        tpu.enqueue_indirect_dma source(%arg19 : memref<64x128xf32, #tpu.memory_space<vmem>>) target(%dma_start3A_983 : memref<10112x128xf32, #tpu.memory_space<vmem_shared>>) offsets(%arg9 : memref<64xi32, #tpu.memory_space<vmem>>) semaphore(%arg41 : memref<!tpu.dma_semaphore, #tpu.memory_space<semaphore_mem>>) {add = true}
      } else {
      }
      %mul3A_897 = arith.constant 30 : i32
      %mul3A_898 = arith.muli %add3A_168, %mul3A_897 : i32
      %add3A_899 = arith.constant 27 : i32
      %add3A_900 = arith.addi %mul3A_898, %add3A_899 : i32
      %ge3A_901 = arith.constant 2 : i32
      %ge3A_902 = arith.cmpi sge, %add3A_900, %ge3A_901 : i32
      %lt3A_903 = arith.cmpi slt, %add3A_900, %select_n3A : i32
      %and3A_904 = arith.andi %ge3A_902, %lt3A_903 : i1
      %convert_element_type3A_905 = arith.extui %and3A_904 : i1 to i32
      %cond3A_906 = arith.constant 0 : i32
      %cond3A_907 = arith.cmpi ne, %convert_element_type3A_905, %cond3A_906 : i32
      scf.if %cond3A_907 {
        %dma_wait3A_978 = arith.constant 0 : i32
        %dma_wait3A_979 = arith.constant 0 : i32
        %dma_wait3A_980 = tpu.memref_slice %arg23[%dma_wait3A_978, %dma_wait3A_979] : memref<10112x128xf32, #tpu.memory_space<vmem_shared>> -> memref<10112x128xf32, #tpu.memory_space<vmem_shared>>
        tpu.wait_indirect_dma semaphore(%arg40 : memref<!tpu.dma_semaphore, #tpu.memory_space<semaphore_mem>>) src(%arg18 : memref<64x128xf32, #tpu.memory_space<vmem>>) dst(%dma_wait3A_980 : memref<10112x128xf32, #tpu.memory_space<vmem_shared>>)
      } else {
      }
      %add3A_908 = arith.constant 4 : i32
      %add3A_909 = arith.addi %add3A_900, %add3A_908 : i32
      %lt3A_910 = arith.cmpi slt, %add3A_909, %select_n3A : i32
      %convert_element_type3A_911 = arith.extui %lt3A_910 : i1 to i32
      %cond3A_912 = arith.constant 0 : i32
      %cond3A_913 = arith.cmpi ne, %convert_element_type3A_911, %cond3A_912 : i32
      scf.if %cond3A_913 {
        %add3A_978 = arith.constant 4 : i32
        %add3A_979 = arith.addi %add3A_900, %add3A_978 : i32
        %mul3A_980 = arith.constant 32 : i32
        %mul3A_981 = arith.muli %add3A_979, %mul3A_980 : i32
        %add3A_982 = arith.addi %add3A, %mul3A_981 : i32
        %mul3A_983 = arith.constant 64 : i32
        %mul3A_984 = arith.muli %add3A_982, %mul3A_983 : i32
        %dma_start3A_985 = tpu.memref_slice %arg3[%mul3A_984] : memref<320000xi32, #tpu.memory_space<hbm>> -> memref<64xi32, #tpu.memory_space<hbm>>
        %dma_start3A_986 = tpu.memref_slice %arg3[%mul3A_984] : memref<320000xi32, #tpu.memory_space<hbm>> -> memref<64xi32, #tpu.memory_space<hbm>>
        tpu.enqueue_dma source(%dma_start3A_986 : memref<64xi32, #tpu.memory_space<hbm>>) target(%arg8 : memref<64xi32, #tpu.memory_space<vmem>>) target_semaphore(%arg25 : memref<!tpu.dma_semaphore, #tpu.memory_space<semaphore_mem>>)
        %dma_start3A_987 = tpu.memref_slice %arg4[%mul3A_984] : memref<320000xi32, #tpu.memory_space<hbm>> -> memref<64xi32, #tpu.memory_space<hbm>>
        %dma_start3A_988 = tpu.memref_slice %arg4[%mul3A_984] : memref<320000xi32, #tpu.memory_space<hbm>> -> memref<64xi32, #tpu.memory_space<hbm>>
        tpu.enqueue_dma source(%dma_start3A_988 : memref<64xi32, #tpu.memory_space<hbm>>) target(%arg14 : memref<64xi32, #tpu.memory_space<vmem>>) target_semaphore(%arg31 : memref<!tpu.dma_semaphore, #tpu.memory_space<semaphore_mem>>)
      } else {
      }
      %add3A_914 = arith.constant 3 : i32
      %add3A_915 = arith.addi %add3A_900, %add3A_914 : i32
      %lt3A_916 = arith.cmpi slt, %add3A_915, %select_n3A : i32
      %convert_element_type3A_917 = arith.extui %lt3A_916 : i1 to i32
      %cond3A_918 = arith.constant 0 : i32
      %cond3A_919 = arith.cmpi ne, %convert_element_type3A_917, %cond3A_918 : i32
      scf.if %cond3A_919 {
        %dma_wait3A_978 = arith.constant 0 : i32
        %dma_wait3A_979 = tpu.memref_slice %arg3[%dma_wait3A_978] : memref<320000xi32, #tpu.memory_space<hbm>> -> memref<64xi32, #tpu.memory_space<hbm>>
        %dma_wait3A_980 = arith.constant 0 : i32
        %dma_wait3A_981 = tpu.memref_slice %arg3[%dma_wait3A_980] : memref<320000xi32, #tpu.memory_space<hbm>> -> memref<64xi32, #tpu.memory_space<hbm>>
        tpu.wait_dma2 semaphore(%arg24 : memref<!tpu.dma_semaphore, #tpu.memory_space<semaphore_mem>>) src(%dma_wait3A_981 : memref<64xi32, #tpu.memory_space<hbm>>) dst(%arg7 : memref<64xi32, #tpu.memory_space<vmem>>)
        %dma_wait3A_982 = arith.constant 0 : i32
        %dma_wait3A_983 = tpu.memref_slice %arg4[%dma_wait3A_982] : memref<320000xi32, #tpu.memory_space<hbm>> -> memref<64xi32, #tpu.memory_space<hbm>>
        %dma_wait3A_984 = arith.constant 0 : i32
        %dma_wait3A_985 = tpu.memref_slice %arg4[%dma_wait3A_984] : memref<320000xi32, #tpu.memory_space<hbm>> -> memref<64xi32, #tpu.memory_space<hbm>>
        tpu.wait_dma2 semaphore(%arg30 : memref<!tpu.dma_semaphore, #tpu.memory_space<semaphore_mem>>) src(%dma_wait3A_985 : memref<64xi32, #tpu.memory_space<hbm>>) dst(%arg13 : memref<64xi32, #tpu.memory_space<vmem>>)
        %dma_start3A_986 = arith.constant 0 : i32
        %dma_start3A_987 = arith.constant 0 : i32
        %dma_start3A_988 = tpu.memref_slice %arg2[%dma_start3A_986, %dma_start3A_987] : memref<10000x128xf32, #tpu.memory_space<hbm>> -> memref<10000x128xf32, #tpu.memory_space<hbm>>
        tpu.enqueue_indirect_dma source(%dma_start3A_988 : memref<10000x128xf32, #tpu.memory_space<hbm>>) target(%arg18 : memref<64x128xf32, #tpu.memory_space<vmem>>) offsets(%arg13 : memref<64xi32, #tpu.memory_space<vmem>>) semaphore(%arg35 : memref<!tpu.dma_semaphore, #tpu.memory_space<semaphore_mem>>)
      } else {
      }
      %lt3A_920 = arith.cmpi slt, %add3A_900, %select_n3A : i32
      %convert_element_type3A_921 = arith.extui %lt3A_920 : i1 to i32
      %cond3A_922 = arith.constant 0 : i32
      %cond3A_923 = arith.cmpi ne, %convert_element_type3A_921, %cond3A_922 : i32
      scf.if %cond3A_923 {
        %dma_wait3A_978 = arith.constant 0 : i32
        %dma_wait3A_979 = arith.constant 0 : i32
        %dma_wait3A_980 = tpu.memref_slice %arg2[%dma_wait3A_978, %dma_wait3A_979] : memref<10000x128xf32, #tpu.memory_space<hbm>> -> memref<10000x128xf32, #tpu.memory_space<hbm>>
        tpu.wait_indirect_dma semaphore(%arg37 : memref<!tpu.dma_semaphore, #tpu.memory_space<semaphore_mem>>) src(%dma_wait3A_980 : memref<10000x128xf32, #tpu.memory_space<hbm>>) dst(%arg20 : memref<64x128xf32, #tpu.memory_space<vmem>>)
        %dma_start3A_981 = arith.constant 0 : i32
        %dma_start3A_982 = arith.constant 0 : i32
        %dma_start3A_983 = tpu.memref_slice %arg23[%dma_start3A_981, %dma_start3A_982] : memref<10112x128xf32, #tpu.memory_space<vmem_shared>> -> memref<10112x128xf32, #tpu.memory_space<vmem_shared>>
        tpu.enqueue_indirect_dma source(%arg20 : memref<64x128xf32, #tpu.memory_space<vmem>>) target(%dma_start3A_983 : memref<10112x128xf32, #tpu.memory_space<vmem_shared>>) offsets(%arg10 : memref<64xi32, #tpu.memory_space<vmem>>) semaphore(%arg42 : memref<!tpu.dma_semaphore, #tpu.memory_space<semaphore_mem>>) {add = true}
      } else {
      }
      %mul3A_924 = arith.constant 30 : i32
      %mul3A_925 = arith.muli %add3A_168, %mul3A_924 : i32
      %add3A_926 = arith.constant 28 : i32
      %add3A_927 = arith.addi %mul3A_925, %add3A_926 : i32
      %ge3A_928 = arith.constant 2 : i32
      %ge3A_929 = arith.cmpi sge, %add3A_927, %ge3A_928 : i32
      %lt3A_930 = arith.cmpi slt, %add3A_927, %select_n3A : i32
      %and3A_931 = arith.andi %ge3A_929, %lt3A_930 : i1
      %convert_element_type3A_932 = arith.extui %and3A_931 : i1 to i32
      %cond3A_933 = arith.constant 0 : i32
      %cond3A_934 = arith.cmpi ne, %convert_element_type3A_932, %cond3A_933 : i32
      scf.if %cond3A_934 {
        %dma_wait3A_978 = arith.constant 0 : i32
        %dma_wait3A_979 = arith.constant 0 : i32
        %dma_wait3A_980 = tpu.memref_slice %arg23[%dma_wait3A_978, %dma_wait3A_979] : memref<10112x128xf32, #tpu.memory_space<vmem_shared>> -> memref<10112x128xf32, #tpu.memory_space<vmem_shared>>
        tpu.wait_indirect_dma semaphore(%arg41 : memref<!tpu.dma_semaphore, #tpu.memory_space<semaphore_mem>>) src(%arg19 : memref<64x128xf32, #tpu.memory_space<vmem>>) dst(%dma_wait3A_980 : memref<10112x128xf32, #tpu.memory_space<vmem_shared>>)
      } else {
      }
      %add3A_935 = arith.constant 4 : i32
      %add3A_936 = arith.addi %add3A_927, %add3A_935 : i32
      %lt3A_937 = arith.cmpi slt, %add3A_936, %select_n3A : i32
      %convert_element_type3A_938 = arith.extui %lt3A_937 : i1 to i32
      %cond3A_939 = arith.constant 0 : i32
      %cond3A_940 = arith.cmpi ne, %convert_element_type3A_938, %cond3A_939 : i32
      scf.if %cond3A_940 {
        %add3A_978 = arith.constant 4 : i32
        %add3A_979 = arith.addi %add3A_927, %add3A_978 : i32
        %mul3A_980 = arith.constant 32 : i32
        %mul3A_981 = arith.muli %add3A_979, %mul3A_980 : i32
        %add3A_982 = arith.addi %add3A, %mul3A_981 : i32
        %mul3A_983 = arith.constant 64 : i32
        %mul3A_984 = arith.muli %add3A_982, %mul3A_983 : i32
        %dma_start3A_985 = tpu.memref_slice %arg3[%mul3A_984] : memref<320000xi32, #tpu.memory_space<hbm>> -> memref<64xi32, #tpu.memory_space<hbm>>
        %dma_start3A_986 = tpu.memref_slice %arg3[%mul3A_984] : memref<320000xi32, #tpu.memory_space<hbm>> -> memref<64xi32, #tpu.memory_space<hbm>>
        tpu.enqueue_dma source(%dma_start3A_986 : memref<64xi32, #tpu.memory_space<hbm>>) target(%arg9 : memref<64xi32, #tpu.memory_space<vmem>>) target_semaphore(%arg26 : memref<!tpu.dma_semaphore, #tpu.memory_space<semaphore_mem>>)
        %dma_start3A_987 = tpu.memref_slice %arg4[%mul3A_984] : memref<320000xi32, #tpu.memory_space<hbm>> -> memref<64xi32, #tpu.memory_space<hbm>>
        %dma_start3A_988 = tpu.memref_slice %arg4[%mul3A_984] : memref<320000xi32, #tpu.memory_space<hbm>> -> memref<64xi32, #tpu.memory_space<hbm>>
        tpu.enqueue_dma source(%dma_start3A_988 : memref<64xi32, #tpu.memory_space<hbm>>) target(%arg15 : memref<64xi32, #tpu.memory_space<vmem>>) target_semaphore(%arg32 : memref<!tpu.dma_semaphore, #tpu.memory_space<semaphore_mem>>)
      } else {
      }
      %add3A_941 = arith.constant 3 : i32
      %add3A_942 = arith.addi %add3A_927, %add3A_941 : i32
      %lt3A_943 = arith.cmpi slt, %add3A_942, %select_n3A : i32
      %convert_element_type3A_944 = arith.extui %lt3A_943 : i1 to i32
      %cond3A_945 = arith.constant 0 : i32
      %cond3A_946 = arith.cmpi ne, %convert_element_type3A_944, %cond3A_945 : i32
      scf.if %cond3A_946 {
        %dma_wait3A_978 = arith.constant 0 : i32
        %dma_wait3A_979 = tpu.memref_slice %arg3[%dma_wait3A_978] : memref<320000xi32, #tpu.memory_space<hbm>> -> memref<64xi32, #tpu.memory_space<hbm>>
        %dma_wait3A_980 = arith.constant 0 : i32
        %dma_wait3A_981 = tpu.memref_slice %arg3[%dma_wait3A_980] : memref<320000xi32, #tpu.memory_space<hbm>> -> memref<64xi32, #tpu.memory_space<hbm>>
        tpu.wait_dma2 semaphore(%arg25 : memref<!tpu.dma_semaphore, #tpu.memory_space<semaphore_mem>>) src(%dma_wait3A_981 : memref<64xi32, #tpu.memory_space<hbm>>) dst(%arg8 : memref<64xi32, #tpu.memory_space<vmem>>)
        %dma_wait3A_982 = arith.constant 0 : i32
        %dma_wait3A_983 = tpu.memref_slice %arg4[%dma_wait3A_982] : memref<320000xi32, #tpu.memory_space<hbm>> -> memref<64xi32, #tpu.memory_space<hbm>>
        %dma_wait3A_984 = arith.constant 0 : i32
        %dma_wait3A_985 = tpu.memref_slice %arg4[%dma_wait3A_984] : memref<320000xi32, #tpu.memory_space<hbm>> -> memref<64xi32, #tpu.memory_space<hbm>>
        tpu.wait_dma2 semaphore(%arg31 : memref<!tpu.dma_semaphore, #tpu.memory_space<semaphore_mem>>) src(%dma_wait3A_985 : memref<64xi32, #tpu.memory_space<hbm>>) dst(%arg14 : memref<64xi32, #tpu.memory_space<vmem>>)
        %dma_start3A_986 = arith.constant 0 : i32
        %dma_start3A_987 = arith.constant 0 : i32
        %dma_start3A_988 = tpu.memref_slice %arg2[%dma_start3A_986, %dma_start3A_987] : memref<10000x128xf32, #tpu.memory_space<hbm>> -> memref<10000x128xf32, #tpu.memory_space<hbm>>
        tpu.enqueue_indirect_dma source(%dma_start3A_988 : memref<10000x128xf32, #tpu.memory_space<hbm>>) target(%arg19 : memref<64x128xf32, #tpu.memory_space<vmem>>) offsets(%arg14 : memref<64xi32, #tpu.memory_space<vmem>>) semaphore(%arg36 : memref<!tpu.dma_semaphore, #tpu.memory_space<semaphore_mem>>)
      } else {
      }
      %lt3A_947 = arith.cmpi slt, %add3A_927, %select_n3A : i32
      %convert_element_type3A_948 = arith.extui %lt3A_947 : i1 to i32
      %cond3A_949 = arith.constant 0 : i32
      %cond3A_950 = arith.cmpi ne, %convert_element_type3A_948, %cond3A_949 : i32
      scf.if %cond3A_950 {
        %dma_wait3A_978 = arith.constant 0 : i32
        %dma_wait3A_979 = arith.constant 0 : i32
        %dma_wait3A_980 = tpu.memref_slice %arg2[%dma_wait3A_978, %dma_wait3A_979] : memref<10000x128xf32, #tpu.memory_space<hbm>> -> memref<10000x128xf32, #tpu.memory_space<hbm>>
        tpu.wait_indirect_dma semaphore(%arg38 : memref<!tpu.dma_semaphore, #tpu.memory_space<semaphore_mem>>) src(%dma_wait3A_980 : memref<10000x128xf32, #tpu.memory_space<hbm>>) dst(%arg21 : memref<64x128xf32, #tpu.memory_space<vmem>>)
        %dma_start3A_981 = arith.constant 0 : i32
        %dma_start3A_982 = arith.constant 0 : i32
        %dma_start3A_983 = tpu.memref_slice %arg23[%dma_start3A_981, %dma_start3A_982] : memref<10112x128xf32, #tpu.memory_space<vmem_shared>> -> memref<10112x128xf32, #tpu.memory_space<vmem_shared>>
        tpu.enqueue_indirect_dma source(%arg21 : memref<64x128xf32, #tpu.memory_space<vmem>>) target(%dma_start3A_983 : memref<10112x128xf32, #tpu.memory_space<vmem_shared>>) offsets(%arg11 : memref<64xi32, #tpu.memory_space<vmem>>) semaphore(%arg43 : memref<!tpu.dma_semaphore, #tpu.memory_space<semaphore_mem>>) {add = true}
      } else {
      }
      %mul3A_951 = arith.constant 30 : i32
      %mul3A_952 = arith.muli %add3A_168, %mul3A_951 : i32
      %add3A_953 = arith.constant 29 : i32
      %add3A_954 = arith.addi %mul3A_952, %add3A_953 : i32
      %ge3A_955 = arith.constant 2 : i32
      %ge3A_956 = arith.cmpi sge, %add3A_954, %ge3A_955 : i32
      %lt3A_957 = arith.cmpi slt, %add3A_954, %select_n3A : i32
      %and3A_958 = arith.andi %ge3A_956, %lt3A_957 : i1
      %convert_element_type3A_959 = arith.extui %and3A_958 : i1 to i32
      %cond3A_960 = arith.constant 0 : i32
      %cond3A_961 = arith.cmpi ne, %convert_element_type3A_959, %cond3A_960 : i32
      scf.if %cond3A_961 {
        %dma_wait3A_978 = arith.constant 0 : i32
        %dma_wait3A_979 = arith.constant 0 : i32
        %dma_wait3A_980 = tpu.memref_slice %arg23[%dma_wait3A_978, %dma_wait3A_979] : memref<10112x128xf32, #tpu.memory_space<vmem_shared>> -> memref<10112x128xf32, #tpu.memory_space<vmem_shared>>
        tpu.wait_indirect_dma semaphore(%arg42 : memref<!tpu.dma_semaphore, #tpu.memory_space<semaphore_mem>>) src(%arg20 : memref<64x128xf32, #tpu.memory_space<vmem>>) dst(%dma_wait3A_980 : memref<10112x128xf32, #tpu.memory_space<vmem_shared>>)
      } else {
      }
      %add3A_962 = arith.constant 4 : i32
      %add3A_963 = arith.addi %add3A_954, %add3A_962 : i32
      %lt3A_964 = arith.cmpi slt, %add3A_963, %select_n3A : i32
      %convert_element_type3A_965 = arith.extui %lt3A_964 : i1 to i32
      %cond3A_966 = arith.constant 0 : i32
      %cond3A_967 = arith.cmpi ne, %convert_element_type3A_965, %cond3A_966 : i32
      scf.if %cond3A_967 {
        %add3A_978 = arith.constant 4 : i32
        %add3A_979 = arith.addi %add3A_954, %add3A_978 : i32
        %mul3A_980 = arith.constant 32 : i32
        %mul3A_981 = arith.muli %add3A_979, %mul3A_980 : i32
        %add3A_982 = arith.addi %add3A, %mul3A_981 : i32
        %mul3A_983 = arith.constant 64 : i32
        %mul3A_984 = arith.muli %add3A_982, %mul3A_983 : i32
        %dma_start3A_985 = tpu.memref_slice %arg3[%mul3A_984] : memref<320000xi32, #tpu.memory_space<hbm>> -> memref<64xi32, #tpu.memory_space<hbm>>
        %dma_start3A_986 = tpu.memref_slice %arg3[%mul3A_984] : memref<320000xi32, #tpu.memory_space<hbm>> -> memref<64xi32, #tpu.memory_space<hbm>>
        tpu.enqueue_dma source(%dma_start3A_986 : memref<64xi32, #tpu.memory_space<hbm>>) target(%arg10 : memref<64xi32, #tpu.memory_space<vmem>>) target_semaphore(%arg27 : memref<!tpu.dma_semaphore, #tpu.memory_space<semaphore_mem>>)
        %dma_start3A_987 = tpu.memref_slice %arg4[%mul3A_984] : memref<320000xi32, #tpu.memory_space<hbm>> -> memref<64xi32, #tpu.memory_space<hbm>>
        %dma_start3A_988 = tpu.memref_slice %arg4[%mul3A_984] : memref<320000xi32, #tpu.memory_space<hbm>> -> memref<64xi32, #tpu.memory_space<hbm>>
        tpu.enqueue_dma source(%dma_start3A_988 : memref<64xi32, #tpu.memory_space<hbm>>) target(%arg16 : memref<64xi32, #tpu.memory_space<vmem>>) target_semaphore(%arg33 : memref<!tpu.dma_semaphore, #tpu.memory_space<semaphore_mem>>)
      } else {
      }
      %add3A_968 = arith.constant 3 : i32
      %add3A_969 = arith.addi %add3A_954, %add3A_968 : i32
      %lt3A_970 = arith.cmpi slt, %add3A_969, %select_n3A : i32
      %convert_element_type3A_971 = arith.extui %lt3A_970 : i1 to i32
      %cond3A_972 = arith.constant 0 : i32
      %cond3A_973 = arith.cmpi ne, %convert_element_type3A_971, %cond3A_972 : i32
      scf.if %cond3A_973 {
        %dma_wait3A_978 = arith.constant 0 : i32
        %dma_wait3A_979 = tpu.memref_slice %arg3[%dma_wait3A_978] : memref<320000xi32, #tpu.memory_space<hbm>> -> memref<64xi32, #tpu.memory_space<hbm>>
        %dma_wait3A_980 = arith.constant 0 : i32
        %dma_wait3A_981 = tpu.memref_slice %arg3[%dma_wait3A_980] : memref<320000xi32, #tpu.memory_space<hbm>> -> memref<64xi32, #tpu.memory_space<hbm>>
        tpu.wait_dma2 semaphore(%arg26 : memref<!tpu.dma_semaphore, #tpu.memory_space<semaphore_mem>>) src(%dma_wait3A_981 : memref<64xi32, #tpu.memory_space<hbm>>) dst(%arg9 : memref<64xi32, #tpu.memory_space<vmem>>)
        %dma_wait3A_982 = arith.constant 0 : i32
        %dma_wait3A_983 = tpu.memref_slice %arg4[%dma_wait3A_982] : memref<320000xi32, #tpu.memory_space<hbm>> -> memref<64xi32, #tpu.memory_space<hbm>>
        %dma_wait3A_984 = arith.constant 0 : i32
        %dma_wait3A_985 = tpu.memref_slice %arg4[%dma_wait3A_984] : memref<320000xi32, #tpu.memory_space<hbm>> -> memref<64xi32, #tpu.memory_space<hbm>>
        tpu.wait_dma2 semaphore(%arg32 : memref<!tpu.dma_semaphore, #tpu.memory_space<semaphore_mem>>) src(%dma_wait3A_985 : memref<64xi32, #tpu.memory_space<hbm>>) dst(%arg15 : memref<64xi32, #tpu.memory_space<vmem>>)
        %dma_start3A_986 = arith.constant 0 : i32
        %dma_start3A_987 = arith.constant 0 : i32
        %dma_start3A_988 = tpu.memref_slice %arg2[%dma_start3A_986, %dma_start3A_987] : memref<10000x128xf32, #tpu.memory_space<hbm>> -> memref<10000x128xf32, #tpu.memory_space<hbm>>
        tpu.enqueue_indirect_dma source(%dma_start3A_988 : memref<10000x128xf32, #tpu.memory_space<hbm>>) target(%arg20 : memref<64x128xf32, #tpu.memory_space<vmem>>) offsets(%arg15 : memref<64xi32, #tpu.memory_space<vmem>>) semaphore(%arg37 : memref<!tpu.dma_semaphore, #tpu.memory_space<semaphore_mem>>)
      } else {
      }
      %lt3A_974 = arith.cmpi slt, %add3A_954, %select_n3A : i32
      %convert_element_type3A_975 = arith.extui %lt3A_974 : i1 to i32
      %cond3A_976 = arith.constant 0 : i32
      %cond3A_977 = arith.cmpi ne, %convert_element_type3A_975, %cond3A_976 : i32
      scf.if %cond3A_977 {
        %dma_wait3A_978 = arith.constant 0 : i32
        %dma_wait3A_979 = arith.constant 0 : i32
        %dma_wait3A_980 = tpu.memref_slice %arg2[%dma_wait3A_978, %dma_wait3A_979] : memref<10000x128xf32, #tpu.memory_space<hbm>> -> memref<10000x128xf32, #tpu.memory_space<hbm>>
        tpu.wait_indirect_dma semaphore(%arg39 : memref<!tpu.dma_semaphore, #tpu.memory_space<semaphore_mem>>) src(%dma_wait3A_980 : memref<10000x128xf32, #tpu.memory_space<hbm>>) dst(%arg22 : memref<64x128xf32, #tpu.memory_space<vmem>>)
        %dma_start3A_981 = arith.constant 0 : i32
        %dma_start3A_982 = arith.constant 0 : i32
        %dma_start3A_983 = tpu.memref_slice %arg23[%dma_start3A_981, %dma_start3A_982] : memref<10112x128xf32, #tpu.memory_space<vmem_shared>> -> memref<10112x128xf32, #tpu.memory_space<vmem_shared>>
        tpu.enqueue_indirect_dma source(%arg22 : memref<64x128xf32, #tpu.memory_space<vmem>>) target(%dma_start3A_983 : memref<10112x128xf32, #tpu.memory_space<vmem_shared>>) offsets(%arg12 : memref<64xi32, #tpu.memory_space<vmem>>) semaphore(%arg44 : memref<!tpu.dma_semaphore, #tpu.memory_space<semaphore_mem>>) {add = true}
      } else {
      }
    }
    %scan3A_91 = arith.constant 6 : i32
    %sub3A_92 = arith.constant 2 : i32
    %sub3A_93 = arith.subi %select_n3A, %sub3A_92 : i32
    %jit3A_94 = arith.constant 5 : i32
    %eq3A = arith.constant 0 : i32
    %eq3A_95 = arith.cmpi eq, %jit3A_94, %eq3A : i32
    %jit3A_96 = arith.constant 1 : i32
    %select_n3A_97 = arith.select %eq3A_95, %jit3A_96, %jit3A_94 : i32
    %rem3A_98 = arith.remsi %sub3A_93, %select_n3A_97 : i32
    %ne3A_99 = arith.constant 0 : i32
    %ne3A_100 = arith.cmpi ne, %rem3A_98, %ne3A_99 : i32
    %lt3A = arith.constant 0 : i32
    %lt3A_101 = arith.cmpi slt, %rem3A_98, %lt3A : i32
    %lt3A_102 = arith.constant 0 : i32
    %lt3A_103 = arith.cmpi slt, %select_n3A_97, %lt3A_102 : i32
    %ne3A_104 = arith.xori %lt3A_101, %lt3A_103 : i1
    %and3A_105 = arith.andi %ne3A_104, %ne3A_100 : i1
    %add3A_106 = arith.addi %rem3A_98, %select_n3A_97 : i32
    %select_n3A_107 = arith.select %and3A_105, %add3A_106, %rem3A_98 : i32
    %sub3A_108 = arith.constant 1 : i32
    %sub3A_109 = arith.subi %select_n3A, %sub3A_108 : i32
    %jit3A_110 = arith.constant 5 : i32
    %eq3A_111 = arith.constant 0 : i32
    %eq3A_112 = arith.cmpi eq, %jit3A_110, %eq3A_111 : i32
    %jit3A_113 = arith.constant 1 : i32
    %select_n3A_114 = arith.select %eq3A_112, %jit3A_113, %jit3A_110 : i32
    %rem3A_115 = arith.remsi %sub3A_109, %select_n3A_114 : i32
    %ne3A_116 = arith.constant 0 : i32
    %ne3A_117 = arith.cmpi ne, %rem3A_115, %ne3A_116 : i32
    %lt3A_118 = arith.constant 0 : i32
    %lt3A_119 = arith.cmpi slt, %rem3A_115, %lt3A_118 : i32
    %lt3A_120 = arith.constant 0 : i32
    %lt3A_121 = arith.cmpi slt, %select_n3A_114, %lt3A_120 : i32
    %ne3A_122 = arith.xori %lt3A_119, %lt3A_121 : i1
    %and3A_123 = arith.andi %ne3A_122, %ne3A_117 : i1
    %add3A_124 = arith.addi %rem3A_115, %select_n3A_114 : i32
    %select_n3A_125 = arith.select %and3A_123, %add3A_124, %rem3A_115 : i32
    %eq3A_126 = arith.constant 0 : i32
    %eq3A_127 = arith.cmpi eq, %select_n3A_107, %eq3A_126 : i32
    %eq3A_128 = arith.constant 0 : i32
    %eq3A_129 = arith.cmpi eq, %select_n3A_125, %eq3A_128 : i32
    %or3A = arith.ori %eq3A_127, %eq3A_129 : i1
    %convert_element_type3A = arith.extui %or3A : i1 to i32
    %cond3A = arith.constant 0 : i32
    %cond3A_130 = arith.cmpi ne, %convert_element_type3A, %cond3A : i32
    scf.if %cond3A_130 {
      %dma_wait3A_164 = arith.constant 0 : i32
      %dma_wait3A_165 = arith.constant 0 : i32
      %dma_wait3A_166 = tpu.memref_slice %arg23[%dma_wait3A_164, %dma_wait3A_165] : memref<10112x128xf32, #tpu.memory_space<vmem_shared>> -> memref<10112x128xf32, #tpu.memory_space<vmem_shared>>
      tpu.wait_indirect_dma semaphore(%arg40 : memref<!tpu.dma_semaphore, #tpu.memory_space<semaphore_mem>>) src(%arg18 : memref<64x128xf32, #tpu.memory_space<vmem>>) dst(%dma_wait3A_166 : memref<10112x128xf32, #tpu.memory_space<vmem_shared>>)
    } else {
    }
    %eq3A_131 = arith.constant 1 : i32
    %eq3A_132 = arith.cmpi eq, %select_n3A_107, %eq3A_131 : i32
    %eq3A_133 = arith.constant 1 : i32
    %eq3A_134 = arith.cmpi eq, %select_n3A_125, %eq3A_133 : i32
    %or3A_135 = arith.ori %eq3A_132, %eq3A_134 : i1
    %convert_element_type3A_136 = arith.extui %or3A_135 : i1 to i32
    %cond3A_137 = arith.constant 0 : i32
    %cond3A_138 = arith.cmpi ne, %convert_element_type3A_136, %cond3A_137 : i32
    scf.if %cond3A_138 {
      %dma_wait3A_164 = arith.constant 0 : i32
      %dma_wait3A_165 = arith.constant 0 : i32
      %dma_wait3A_166 = tpu.memref_slice %arg23[%dma_wait3A_164, %dma_wait3A_165] : memref<10112x128xf32, #tpu.memory_space<vmem_shared>> -> memref<10112x128xf32, #tpu.memory_space<vmem_shared>>
      tpu.wait_indirect_dma semaphore(%arg41 : memref<!tpu.dma_semaphore, #tpu.memory_space<semaphore_mem>>) src(%arg19 : memref<64x128xf32, #tpu.memory_space<vmem>>) dst(%dma_wait3A_166 : memref<10112x128xf32, #tpu.memory_space<vmem_shared>>)
    } else {
    }
    %eq3A_139 = arith.constant 2 : i32
    %eq3A_140 = arith.cmpi eq, %select_n3A_107, %eq3A_139 : i32
    %eq3A_141 = arith.constant 2 : i32
    %eq3A_142 = arith.cmpi eq, %select_n3A_125, %eq3A_141 : i32
    %or3A_143 = arith.ori %eq3A_140, %eq3A_142 : i1
    %convert_element_type3A_144 = arith.extui %or3A_143 : i1 to i32
    %cond3A_145 = arith.constant 0 : i32
    %cond3A_146 = arith.cmpi ne, %convert_element_type3A_144, %cond3A_145 : i32
    scf.if %cond3A_146 {
      %dma_wait3A_164 = arith.constant 0 : i32
      %dma_wait3A_165 = arith.constant 0 : i32
      %dma_wait3A_166 = tpu.memref_slice %arg23[%dma_wait3A_164, %dma_wait3A_165] : memref<10112x128xf32, #tpu.memory_space<vmem_shared>> -> memref<10112x128xf32, #tpu.memory_space<vmem_shared>>
      tpu.wait_indirect_dma semaphore(%arg42 : memref<!tpu.dma_semaphore, #tpu.memory_space<semaphore_mem>>) src(%arg20 : memref<64x128xf32, #tpu.memory_space<vmem>>) dst(%dma_wait3A_166 : memref<10112x128xf32, #tpu.memory_space<vmem_shared>>)
    } else {
    }
    %eq3A_147 = arith.constant 3 : i32
    %eq3A_148 = arith.cmpi eq, %select_n3A_107, %eq3A_147 : i32
    %eq3A_149 = arith.constant 3 : i32
    %eq3A_150 = arith.cmpi eq, %select_n3A_125, %eq3A_149 : i32
    %or3A_151 = arith.ori %eq3A_148, %eq3A_150 : i1
    %convert_element_type3A_152 = arith.extui %or3A_151 : i1 to i32
    %cond3A_153 = arith.constant 0 : i32
    %cond3A_154 = arith.cmpi ne, %convert_element_type3A_152, %cond3A_153 : i32
    scf.if %cond3A_154 {
      %dma_wait3A_164 = arith.constant 0 : i32
      %dma_wait3A_165 = arith.constant 0 : i32
      %dma_wait3A_166 = tpu.memref_slice %arg23[%dma_wait3A_164, %dma_wait3A_165] : memref<10112x128xf32, #tpu.memory_space<vmem_shared>> -> memref<10112x128xf32, #tpu.memory_space<vmem_shared>>
      tpu.wait_indirect_dma semaphore(%arg43 : memref<!tpu.dma_semaphore, #tpu.memory_space<semaphore_mem>>) src(%arg21 : memref<64x128xf32, #tpu.memory_space<vmem>>) dst(%dma_wait3A_166 : memref<10112x128xf32, #tpu.memory_space<vmem_shared>>)
    } else {
    }
    %eq3A_155 = arith.constant 4 : i32
    %eq3A_156 = arith.cmpi eq, %select_n3A_107, %eq3A_155 : i32
    %eq3A_157 = arith.constant 4 : i32
    %eq3A_158 = arith.cmpi eq, %select_n3A_125, %eq3A_157 : i32
    %or3A_159 = arith.ori %eq3A_156, %eq3A_158 : i1
    %convert_element_type3A_160 = arith.extui %or3A_159 : i1 to i32
    %cond3A_161 = arith.constant 0 : i32
    %cond3A_162 = arith.cmpi ne, %convert_element_type3A_160, %cond3A_161 : i32
    scf.if %cond3A_162 {
      %dma_wait3A_164 = arith.constant 0 : i32
      %dma_wait3A_165 = arith.constant 0 : i32
      %dma_wait3A_166 = tpu.memref_slice %arg23[%dma_wait3A_164, %dma_wait3A_165] : memref<10112x128xf32, #tpu.memory_space<vmem_shared>> -> memref<10112x128xf32, #tpu.memory_space<vmem_shared>>
      tpu.wait_indirect_dma semaphore(%arg44 : memref<!tpu.dma_semaphore, #tpu.memory_space<semaphore_mem>>) src(%arg22 : memref<64x128xf32, #tpu.memory_space<vmem>>) dst(%dma_wait3A_166 : memref<10112x128xf32, #tpu.memory_space<vmem_shared>>)
    } else {
    }
    %barrier3A_163 = arith.constant 0 : index
    tpu.barrier barrier_id(%barrier3A_163)
    "tpu.region"() ({
      %run_scoped3A = tpu.sem_alloc : memref<!tpu.dma_semaphore, #tpu.memory_space<semaphore_mem>>
      %dma_start3A_164 = arith.constant 0 : i32
      %dma_start3A_165 = tpu.memref_slice %arg6[%arg0, %mul3A_55, %dma_start3A_164] : memref<2x10112x128xf32, #tpu.memory_space<hbm>> -> memref<1x632x128xf32, #tpu.memory_space<hbm>>
      %dma_start3A_166 = tpu.memref_squeeze %dma_start3A_165 : memref<1x632x128xf32, #tpu.memory_space<hbm>> -> memref<632x128xf32, #tpu.memory_space<hbm>>
      %dma_start3A_167 = arith.constant 0 : i32
      %dma_start3A_168 = tpu.memref_slice %arg23[%mul3A_55, %dma_start3A_167] : memref<10112x128xf32, #tpu.memory_space<vmem_shared>> -> memref<632x128xf32, #tpu.memory_space<vmem_shared>>
      tpu.enqueue_dma source(%dma_start3A_168 : memref<632x128xf32, #tpu.memory_space<vmem_shared>>) target(%dma_start3A_166 : memref<632x128xf32, #tpu.memory_space<hbm>>) target_semaphore(%run_scoped3A : memref<!tpu.dma_semaphore, #tpu.memory_space<semaphore_mem>>)
      %dma_wait3A_169 = arith.constant 0 : i32
      %dma_wait3A_170 = tpu.memref_slice %arg6[%arg0, %mul3A_55, %dma_wait3A_169] : memref<2x10112x128xf32, #tpu.memory_space<hbm>> -> memref<1x632x128xf32, #tpu.memory_space<hbm>>
      %dma_wait3A_171 = tpu.memref_squeeze %dma_wait3A_170 : memref<1x632x128xf32, #tpu.memory_space<hbm>> -> memref<632x128xf32, #tpu.memory_space<hbm>>
      %dma_wait3A_172 = arith.constant 0 : i32
      %dma_wait3A_173 = tpu.memref_slice %arg23[%mul3A_55, %dma_wait3A_172] : memref<10112x128xf32, #tpu.memory_space<vmem_shared>> -> memref<632x128xf32, #tpu.memory_space<vmem_shared>>
      tpu.wait_dma2 semaphore(%run_scoped3A : memref<!tpu.dma_semaphore, #tpu.memory_space<semaphore_mem>>) src(%dma_wait3A_173 : memref<632x128xf32, #tpu.memory_space<vmem_shared>>) dst(%dma_wait3A_171 : memref<632x128xf32, #tpu.memory_space<hbm>>)
      tpu.yield
    }) : () -> ()
    return
  }
}

</mosaic_0001>

<sc_bundles>
// kernel: _sc_scatter.3.cloned.1.call-start
scs
__scs_entry_jumppad:
0x0: {  	(pc) =	sbr.rel $0x88, $3  }
0x1: {  	(tag) =	ssettag $0x0;
	lr =	simm.s32 $0x1  }
0x2: {  	[smem:$0x3F9D] =	sst lr;
	_ =	strace $0xD0000000  }
0x3: {  	_ = 	snop  }
0x4: {  	_ = 	snop  }
0x5: {  	_ = 	snop  }
0x6: {  	_ = 	snop  }
0x7: {  	_ = 	snop  }
__scs_overlays_trampoline_lowered:
0x8: {  	[smem:$0x3FAC] =	sst s0  }
0x9: {  	[smem:$0x3FAD] =	sst s1  }
0xa: {  	[smem:$0x3FAE] =	sst s2  }
0xb: {  	[smem:$0x3FAF] =	sst s3  }
0xc: {  	[smem:$0x3FB0] =	sst s4  }
0xd: {  	[smem:$0x3FB1] =	sst s5  }
0xe: {  	[smem:$0x3FB2] =	sst s6  }
0xf: {  	[smem:$0x3FB3] =	sst s7  }
0x10: {  	[smem:$0x3FB4] =	sst s8  }
0x11: {  	[smem:$0x3FB5] =	sst s9;
	s0 =	simm.s32 @!p0 $0x0  }
0x12: {  	s1 =	sld [smem:$0x3F9B];
	s0 =	simm.s32 @p0 $0x1  }
0x13: {  	[smem:$0x3FB6] =	sst s0;
	s0 =	simm.s32 @!p1 $0x0  }
0x14: {  	s2 =	sld [smem:$0x3F9A];
	s0 =	simm.s32 @p1 $0x1  }
0x15: {  	[smem:$0x3FB7] =	sst s0;
	s0 =	simm.s32 @!p2 $0x0  }
0x16: {  	s3 =	sld [smem:$0x3FDB];
	s0 =	simm.s32 @p2 $0x1  }
0x17: {  	s4 =	simm.s32 $0x1BF5;
	[smem:$0x3FB9] =	sst s0  }
0x18: {  	s0 =	sld [smem:$0x3F9C];
	_ =	swait.ge [sflag:s4], $0x0  }
0x19: {  	s7 =	sld [smem:$0x3F9D]  }
0x1a: {  	s8 =	sadd.s32 $0xFFFFE003, lr  }
0x1b: {  	s9 =	sadd.s32 $0xFFFFFEF7, lr;
	s5 =	simm.s32 $0xFFFFFFFF;
	p2 =	slt.u32 s8, $0xFFFFF086  }
0x1c: {  	p1 =	slt.u32 s9, $0xF7A;
	s5 =	simm.s32 @!p2 $0x0  }
0x1d: {  	s5 =	simm.s32 @p1 $0x1;
	p0 =	seq.s32 s7, s2  }
0x1e: {  	s7 =	smul.u32 @!p0 $0xF7A, s2;
	p2 =	seq.s32 @!p0 s5, $0x0  }
0x1f: {  	s9 =	smul.u32 $0xF7A, s1;
	s8 =	simm.s32 @!p0 $0x1BF5;
	p2 =	por !p2, p0  }
0x20: {  	[sflag:s8] =	ssyncset.s32 @!p0 $0xFFFFF086;
	s6 =	sadd.s32 @!p0 s3, s7;
	s7 =	simm.s32 @!p0 $0x108  }
0x21: {  	s3 =	sadd.s32 s3, s9;
	s6 =	sadd.s32 @!p0 $0x88, s6;
	s7 =	simm.s32 @p2 $0x1082  }
0x22: {  	[simem:s7], [sflag:s8] =	dma.local @!p0 [hbm:s6], $0xF7A  }
0x23: {  	s9 =	sor.u32 $0xD0000000, s2;
	s6 =	simm.s32 $0x108;
	_ =	swait.ge @!p0 [sflag:s8], $0x0  }
0x24: {  	s3 =	sadd.s32 $0x88, s3;
	s6 =	simm.s32 @!p1 $0x1082;
	[sflag:s4] =	ssyncset.s32 $0xFFFFF086  }
0x25: {  	[simem:s6], [sflag:s4] =	dma.local [hbm:s3], $0xF7A  }
0x26: {  	[smem:$0x3F9D] =	sst s1;
	(tag) =	ssettag s2;
	_ =	strace s9  }
0x27: {  	s1 =	sld [smem:$0x3FAD]  }
0x28: {  	s2 =	sld [smem:$0x3FAE]  }
0x29: {  	s4 =	sld [smem:$0x3FB0]  }
0x2a: {  	p0 =	seq.s32 s5, $0x0;
	s5 =	sld [smem:$0x3FB1]  }
0x2b: {  	s6 =	sld [smem:$0x3FB2]  }
0x2c: {  	s7 =	sld [smem:$0x3FB3]  }
0x2d: {  	s3 =	simm.s32 $0x108;
	s8 =	sld [smem:$0x3FB4]  }
0x2e: {  	s3 =	simm.s32 @!p0 $0x1082;
	s9 =	sld [smem:$0x3FB5]  }
0x2f: {  	lr =	sadd.s32 s0, s3;
	s0 =	sld [smem:$0x3FAC]  }
0x30: {  	s3 =	sld [smem:$0x3FAF]  }
0x31: {  	[smem:$0x3FB8] =	sst s10  }
0x32: {  	s10 =	sld [smem:$0x3FB6];
	_ =	sdelay $0x3  }
0x33: {  	p0 =	seq.s32 s10, $0x1;
	s10 =	sld [smem:$0x3FB8];
	_ =	sdelay $0x3  }
0x34: {  	[smem:$0x3FB8] =	sst s10  }
0x35: {  	s10 =	sld [smem:$0x3FB7];
	_ =	sdelay $0x3  }
0x36: {  	p1 =	seq.s32 s10, $0x1;
	s10 =	sld [smem:$0x3FB8];
	_ =	sdelay $0x3  }
0x37: {  	[smem:$0x3FB8] =	sst s10  }
0x38: {  	s10 =	sld [smem:$0x3FB9]  }
0x39: {  	_ = 	snop;
	(pc) =	sbr.ind lr, $3  }
0x3a: {  	_ = 	snop  }
0x3b: {  	_ = 	snop  }
0x3c: {  	p2 =	seq.s32 s10, $0x1;
	s10 =	sld [smem:$0x3FB8]  }
0x3d: {  	_ =	shalt  }
0x3e: {  	_ =	shalt  }
0x3f: {  	_ =	shalt  }
0x40: {  	_ =	shalt  }
0x41: {  	_ =	shalt  }
0x42: {  	_ =	shalt  }
0x43: {  	_ =	shalt  }
0x44: {  	_ =	shalt  }
0x45: {  	_ =	shalt  }
0x46: {  	_ =	shalt  }
0x47: {  	_ =	shalt  }
0x48: {  	_ =	shalt  }
0x49: {  	_ =	shalt  }
0x4a: {  	_ =	shalt  }
0x4b: {  	_ =	shalt  }
0x4c: {  	_ =	shalt  }
0x4d: {  	_ =	shalt  }
0x4e: {  	_ =	shalt  }
0x4f: {  	_ =	shalt  }
0x50: {  	_ =	shalt  }
0x51: {  	_ =	shalt  }
0x52: {  	_ =	shalt  }
0x53: {  	_ =	shalt  }
0x54: {  	_ =	shalt  }
0x55: {  	_ =	shalt  }
0x56: {  	_ =	shalt  }
0x57: {  	_ =	shalt  }
0x58: {  	_ =	shalt  }
0x59: {  	_ =	shalt  }
0x5a: {  	_ =	shalt  }
0x5b: {  	_ =	shalt  }
0x5c: {  	_ =	shalt  }
0x5d: {  	_ =	shalt  }
0x5e: {  	_ =	shalt  }
0x5f: {  	_ =	shalt  }
0x60: {  	_ =	shalt  }
0x61: {  	_ =	shalt  }
0x62: {  	_ =	shalt  }
0x63: {  	_ =	shalt  }
0x64: {  	_ =	shalt  }
0x65: {  	_ =	shalt  }
0x66: {  	_ =	shalt  }
0x67: {  	_ =	shalt  }
0x68: {  	_ =	shalt  }
0x69: {  	_ =	shalt  }
0x6a: {  	_ =	shalt  }
0x6b: {  	_ =	shalt  }
0x6c: {  	_ =	shalt  }
0x6d: {  	_ =	shalt  }
0x6e: {  	_ =	shalt  }
0x6f: {  	_ =	shalt  }
0x70: {  	_ =	shalt  }
0x71: {  	_ =	shalt  }
0x72: {  	_ =	shalt  }
0x73: {  	_ =	shalt  }
0x74: {  	_ =	shalt  }
0x75: {  	_ =	shalt  }
0x76: {  	_ =	shalt  }
0x77: {  	_ =	shalt  }
0x78: {  	_ =	shalt  }
0x79: {  	_ =	shalt  }
0x7a: {  	_ =	shalt  }
0x7b: {  	_ =	shalt  }
0x7c: {  	_ =	shalt  }
0x7d: {  	_ =	shalt  }
0x7e: {  	_ =	shalt  }
0x7f: {  	_ =	shalt  }
0x80: {  	_ =	shalt  }
0x81: {  	_ =	shalt  }
0x82: {  	_ =	shalt  }
0x83: {  	_ =	shalt  }
0x84: {  	_ =	shalt  }
0x85: {  	_ =	shalt  }
0x86: {  	_ =	shalt  }
0x87: {  	_ =	shalt  }
.Lfunc_end0:
.L_simem_size_0:
called_computation_lowered:
.L_overlay_start_0:
0x88: {  	s2 =	sld [smem:$0x3FD9]  }
0x89: {  	s3 =	sld [smem:$0x3FFE];
	_ =	sdelay $0x1  }
0x8a: {  	s1 =	srdreg.scid  }
0x8b: {  	s0 =	sand.u32 $0x1, s1  }
0x8c: {  	s18 =	sshll.u32 s0, $0xA;
	s2 =	sadd.s32 s3, s2  }
0x8d: {  	s2 =	sadd.s32 s2, s18  }
0x8e: {  	[smem:$0x3FC4] =	sst s2  }
0x8f: {  	_ = 	snop  }
0x90: {  	s2 =	sld [smem:$0x3FC9]  }
0x91: {  	s19 =	sld [smem:$0x3FC8]  }
0x92: {  	s4 =	sld [smem:$0x3FC7]  }
0x93: {  	s5 =	sld [smem:$0x3FC6]  }
0x94: {  	s6 =	sld [smem:$0x3FD0];
	(tm) =	ssettm $0x1  }
0x95: {  	s7 =	sld [smem:$0x3FFB];
	_ =	sdelay $0x3  }
0x96: {  	_ =	strace s7  }
0x97: {  	s7 =	sld [smem:$0x3FFC];
	_ =	sdelay $0x3  }
0x98: {  	_ =	strace s7  }
0x99: {  	s7 =	sld [smem:$0x3FFD];
	_ =	sdelay $0x3  }
0x9a: {  	_ =	strace s7  }
0x9b: {  	_ =	strace $0x8FFFFFFF  }
0x9c: {  	s20 =	sld [smem:$0x3FDB];
	_ =	sdelay $0x1  }
0x9d: {  	s8 =	simm.s32 $_scs_section_size  }
0x9e: {  	s9 =	simm.s32 $_size__tile_overlayer_lowered;
	s10 =	simm.s32 $_tile_overlayer_lowered  }
0x9f: {  	s23 =	simm.s32 $0x1BFF;
	s22 =	sshll.u32 s10, $0x1;
	s7 =	sadd.s32 s8, s20  }
0xa0: {  	s11 =	simm.s32 $0x0;
	s21 =	sshll.u32 s9, $0x1;
	s9 =	sadd.s32 s22, s7  }
0xa1: {  	[timem:s11], [sflag:s23] =	dma.local [hbm:s9], s21  }
0xa2: {  	_ =	swait.ge [sflag:s23], s21  }
0xa3: {  	s8 =	ssub.s32 $0x0, s21;
	[sflag:s23] =	ssyncset.done $0x0  }
0xa4: {  	[sflag:s23] =	ssyncadd.s32 s8;
	_ =	sdelay $0x1  }
0xa5: {  	s24 =	simm.s32 $0x1B8B  }
0xa6: {  	_ =	swait.ge [sflag:s24], $0x1  }
0xa7: {  	[sflag:s24] =	ssyncset.done $0x0  }
0xa8: {  	s25 =	simm.s32 $0x1B8E;
	[sflag:s24] =	ssyncadd.s32 $0xFFFFFFFF  }
0xa9: {  	s26 =	simm.s32 $execute0_lowered;
	[smem:$0x3FD2] =	sst s25  }
0xaa: {  	s8 =	sshll.u32 s26, $0x1;
	_ =	strace $0x80000046;
	[dreg:$0x1] =	wrdreg $0xFFFFFFFF  }
0xab: {  	s28 =	simm.s32 $_size_execute0_lowered;
	s7 =	sadd.s32 s7, s8;
	[dreg:$0x0] =	wrdreg $0x0  }
0xac: {  	s8 =	sshll.u32 s28, $0x1;
	[dreg:$0x2] =	wrdreg s7  }
0xad: {  	[dreg:$0x3] =	wrdreg s8  }
0xae: {  	[dreg:$0x4] =	wrdreg $0xC0  }
0xaf: {  	_ =	task [dreg:s11], $0x5FFFF  }
0xb0: {  	[dreg:$0x1] =	wrdreg $0xFFFFFFFF  }
0xb1: {  	[dreg:$0x0] =	wrdreg $0x60  }
0xb2: {  	[dreg:$0x2] =	wrdreg s2  }
0xb3: {  	[dreg:$0x3] =	wrdreg s19  }
0xb4: {  	[dreg:$0x4] =	wrdreg s4  }
0xb5: {  	[dreg:$0x5] =	wrdreg s5  }
0xb6: {  	[dreg:$0x6] =	wrdreg s6  }
0xb7: {  	[dreg:$0x7] =	wrdreg $0xA5800  }
0xb8: {  	[dreg:$0x8] =	wrdreg $0x9  }
0xb9: {  	_ =	task.clear_ibuf [dreg:s11], $0x9FFFF;
	_ =	strace $0x90000046  }
0xba: {  	s29 =	simm.s32 $0x9;
	_ =	strace $0x80000048  }
0xbb: {  	_ =	swait.ge [sflag:s29], $0x1  }
0xbc: {  	[sflag:s29] =	ssyncadd.s32 $0xFFFFFFFF  }
0xbd: {  	_ =	strace $0x90000048  }
0xbe: {  	_ =	sfence  }
0xbf: {  	s30 =	sld [smem:$0x0];
	_ =	sdelay $0x2  }
0xc0: {  	s31 =	sshll.u32 s1, $0xD;
	s1 =	sshrl.u32 s1, $0x2  }
0xc1: {  	s3 =	sand.u32 $0x4000, s31;
	s1 =	sadd.s32 s1, s30  }
0xc2: {  	s0 =	sor.u32 s3, s0;
	s1 =	sshll.u32 s1, $0x11  }
0xc3: {  	s0 =	sor.u32 s1, s0  }
0xc4: {  	s0 =	sadd.s32 $0x8F2B, s0  }
0xc5: {  	[sflag:s0] =	ssyncadd.remote.s32 $0x1  }
0xc6: {  	_ =	sfence.sel $0xFFFF  }
0xc7: {  	[dreg:$0x0] =	wrdreg $0xFFFFFFFF;
	(pc) =	sbr.abs _section_cstart, $3  }
0xc8: {  	[dreg:$0x1] =	wrdreg $0xFFFFFFFF  }
0xc9: {  	_ =	task.clear_ibuf [dreg:s11], $0x2FFFF;
	_ =	strace $0x9FFFFFFF  }
0xca: {  	(tm) =	ssettm $0x7FFFFFFF  }
0xcb: {  	_ =	shalt  }
tec
execute0_lowered:
.L_overlay_start_1:
0x0: {  	(tag) =	ssettag $0x1  }
0x1: {  	s0 =	rddreg [dreg:$0x0]  }
0x2: {  	s2 =	rddreg [dreg:$0x1]  }
0x3: {  	s1 =	rddreg [dreg:$0x2]  }
0x4: {  	s3 =	rddreg [dreg:$0x4]  }
0x5: {  	s5 =	srdreg.scid;
	s14 =	stileid.u32  }
0x6: {  	s4 =	rddreg [dreg:$0x5];
	s30 =	simm.s32 $0x280;
	s29 =	simm.s32 $0x5  }
0x7: {  	s31 =	simm.s32 $0x10;
	s7 =	sand.u32 $0x1, s5;
	s6 =	sshll.u32 s14, $0x1  }
0x8: {  	s5 =	simm.s32 $0x0;
	s18 =	smul.u32 $0x4F000, s14;
	s21 =	sshll.u32 s14, $0x6  }
0x9: {  	s23 =	smul.u32 $0x13C00, s14;
	s25 =	sshll.u32 s14, $0x4;
	s14 =	simm.s32 $0x480  }
0xa: {  	s8 =	sor.u32 s7, s6;
	[smem:$0x7FF] =	sst s5;
	s9 =	ssub.s32 $0x2, s7  }
0xb: {  	s22 =	smul.u32 $0x13C000, s7;
	s26 =	sshll.u32 s7, $0x3;
	s6 =	ssub.s32 $0x13A7, s8  }
0xc: {  	_ =	strace $0x80000047;
	s10 =	sshrl.u32 s9, $0x1;
	s8 =	sshll.u32 s8, $0x3  }
0xd: {  	s20 =	sshrl.u32 s18, $0x2;
	s18 =	simm.s32 $0x4;
	s6 =	sshrl.u32 s6, $0x5  }
0xe: {  	s9 =	ssub.s32 s9, s10;
	s11 =	sadd.s32 s2, s8;
	s12 =	sadd.s32 s1, s8  }
0xf: {  	s13 =	sor.u32 $0x100, s8;
	s16 =	sor.u32 $0x200, s8;
	[dreg:$0x7] =	wrdreg s11  }
0x10: {  	s8 =	sor.u32 $0x300, s8;
	[dreg:$0x8] =	wrdreg s12;
	s12 =	sadd.s32 s2, s13  }
0x11: {  	s24 =	sadd.s32 s23, s22;
	s11 =	sadd.s32 s1, s13;
	[dreg:$0x9] =	wrdreg s12  }
0x12: {  	s22 =	simm.s32 $0x580;
	s13 =	sadd.s32 s2, s16;
	[dreg:$0xa] =	wrdreg s11  }
0x13: {  	s23 =	simm.s32 $0x200;
	s17 =	sadd.s32 s2, s8;
	[dreg:$0xb] =	wrdreg s13  }
0x14: {  	s28 =	smul.u32 $0xCD, s6;
	s8 =	sadd.s32 s1, s8;
	[dreg:$0xd] =	wrdreg s17  }
0x15: {  	s2 =	sadd.s32 s25, s2;
	s12 =	sadd.s32 s1, s16;
	[dreg:$0xe] =	wrdreg s8  }
0x16: {  	s1 =	sadd.s32 s25, s1;
	s13 =	simm.s32 $0x180;
	s15 =	sadd.s32 $0xFFFFFE66, s28  }
0x17: {  	s16 =	simm.s32 $0x4580;
	s10 =	sadd.s32 $0xFFFFFF33, s28;
	s11 =	sshrl.u32 s15, $0xA  }
0x18: {  	s17 =	simm.s32 $0x500;
	s10 =	sshrl.u32 s10, $0xA;
	s11 =	smul.u32 $0x5, s11  }
0x19: {  	s25 =	simm.s32 $0xC;
	[dreg:$0xc] =	wrdreg s12;
	s10 =	smul.u32 $0x5, s10  }
0x1a: {  	s28 =	smax.u32 s9, $0x1;
	s9 =	simm.s32 $0x300;
	s11 =	ssub.s32 s6, s11  }
0x1b: {  	[dreg:$0x12] =	wrdreg s28;
	s10 =	sxor.u32 $0xFFFFFFFF, s10;
	s19 =	sadd.s32 $0xFFFFFFFE, s11  }
0x1c: {  	s10 =	sadd.s32 s6, s10;
	s11 =	sadd.s32 s20, s4;
	s20 =	sadd.s32 s26, s1  }
0x1d: {  	s8 =	sand.u32 $0xFF, s19;
	[dreg:$0xf] =	wrdreg s11;
	s10 =	sand.u32 $0xFF, s10  }
0x1e: {  	s11 =	sor.u32 $0x1C16, s21;
	s19 =	sadd.s32 s26, s2;
	s26 =	simm.s32 $0x7  }
0x1f: {  	s21 =	simm.s32 $0xA;
	s2 =	simm.s32 $0x0;
	p0 =	seq.s32 s8, $0x0  }
0x20: {  	p1 =	seq.s32 s10, $0x0;
	p2 =	seq.s32 s8, $0x1;
	p3 =	seq.s32 s10, $0x1  }
0x21: {  	p4 =	seq.s32 s10, $0x3;
	p5 =	seq.s32 s8, $0x4;
	p0 =	por p0, p1  }
0x22: {  	p6 =	seq.s32 s10, $0x4;
	[dreg:$0x10] =	wrdreg s11;
	s12 =	simm.s32 @!p0 $0x0  }
0x23: {  	p1 =	seq.s32 s8, $0x2;
	s12 =	simm.s32 @p0 $0x1;
	p0 =	por p2, p3  }
0x24: {  	p2 =	seq.s32 s10, $0x2;
	p3 =	seq.s32 s8, $0x3;
	s8 =	sshrl.u32 s24, $0x3  }
0x25: {  	s10 =	simm.s32 $0x80;
	[smem:$0x7FA] =	sst s12;
	s12 =	simm.s32 @!p0 $0x0  }
0x26: {  	s24 =	simm.s32 $0x6580;
	s12 =	simm.s32 @p0 $0x1;
	p0 =	por p1, p2  }
0x27: {  	s3 =	sadd.s32 s3, s8;
	s8 =	simm.s32 $0x16;
	s15 =	simm.s32 @!p0 $0x0  }
0x28: {  	[dreg:$0x11] =	wrdreg s3;
	s15 =	simm.s32 @p0 $0x1;
	p0 =	por p3, p4  }
0x29: {  	s3 =	simm.s32 $0x40;
	[smem:$0x7FC] =	sst s15;
	s15 =	simm.s32 @!p0 $0x0  }
0x2a: {  	[smem:$0x7FB] =	sst s12;
	s12 =	simm.s32 $0x100;
	s15 =	simm.s32 @p0 $0x1  }
0x2b: {  	p4 =	por p5, p6;
	[smem:$0x7FD] =	sst s15;
	s15 =	simm.s32 $0x2580  }
.LBB2_1:
0x2c: {  	[dreg:$0x13] =	wrdreg s2  }
0x2d: {  	s1 =	rddreg [dreg:$0x7]  }
0x2e: {  	[tilespmem:s5], [sflag:$0x1] =	stream.linear.gather [hbm4b:s1+s5], $0x40, $0x38;
	[tilespmem:$0x1E180] =	vst v63  }
0x2f: {  	s7 =	rddreg [dreg:$0x8]  }
0x30: {  	[tilespmem:s9], [sflag:$0x7] =	stream.linear.gather [hbm4b:s7+s5], $0x40, $0x38;
	[tilespmem:$0x1E180] =	vst v63  }
0x31: {  	s2 =	rddreg [dreg:$0x9]  }
0x32: {  	[tilespmem:s10], [sflag:$0x2] =	stream.linear.gather [hbm4b:s2+s5], $0x40, $0x38;
	[tilespmem:$0x1E180] =	vst v63  }
0x33: {  	s7 =	rddreg [dreg:$0xa];
	s2 =	simm.s32 $0x380  }
0x34: {  	[tilespmem:s2], [sflag:$0x8] =	stream.linear.gather [hbm4b:s7+s5], $0x40, $0x38;
	[tilespmem:$0x1E180] =	vst v63  }
0x35: {  	s7 =	rddreg [dreg:$0xb]  }
0x36: {  	[tilespmem:s12], [sflag:$0x3] =	stream.linear.gather [hbm4b:s7+s5], $0x40, $0x38;
	[tilespmem:$0x1E180] =	vst v63  }
0x37: {  	s1 =	rddreg [dreg:$0xc];
	s7 =	simm.s32 $0x400  }
0x38: {  	[tilespmem:s7], [sflag:$0x9] =	stream.linear.gather [hbm4b:s1+s5], $0x40, $0x38;
	[tilespmem:$0x1E180] =	vst v63  }
0x39: {  	s1 =	rddreg [dreg:$0xd]  }
0x3a: {  	[tilespmem:s13], [sflag:$0x4] =	stream.linear.gather [hbm4b:s1+s5], $0x40, $0x38;
	[tilespmem:$0x1E180] =	vst v63  }
0x3b: {  	s1 =	rddreg [dreg:$0xe]  }
0x3c: {  	[tilespmem:s14], [sflag:$0xA] =	stream.linear.gather [hbm4b:s1+s5], $0x40, $0x38;
	[tilespmem:$0x1E180] =	vst v63  }
0x3d: {  	s1 =	rddreg [dreg:$0xf]  }
0x3e: {  	s28 =	sshrl.u32 s1, $0x3;
	s1 =	rddreg [dreg:$0x3]  }
0x3f: {  	[dreg:$0x14] =	wrdreg s28  }
0x40: {  	[spmem:s28], [sflag:s11] =	dma.local [hbm:s1], $0x2780  }
0x41: {  	_ =	swait.ge [sflag:s8], $0x2780  }
0x42: {  	[sflag:s8] =	ssyncset.done $0x0  }
0x43: {  	[sflag:s8] =	ssyncadd.s32 $0xFFFFD880  }
0x44: {  	s11 =	simm.s32 $0x1;
	[bflag:$0x0] =	sbarrier.arrive $0xFFFF  }
0x45: {  	_ =	swait.ge [sflag:s11], $0x40  }
0x46: {  	[sflag:s11] =	ssyncset.done $0x0  }
0x47: {  	[sflag:s11] =	ssyncadd.s32 $0xFFFFFFC0  }
0x48: {  	_ =	swait.ge [sflag:s26], $0x40  }
0x49: {  	[sflag:s26] =	ssyncset.done $0x0  }
0x4a: {  	[sflag:s26] =	ssyncadd.s32 $0xFFFFFFC0;
	s26 =	simm.s32 $0x2  }
0x4b: {  	[tilespmem:s22], [sflag:$0xC] =	stream.indirect.gather [hbm4b:s0+s3], $0x80, s9, s3, $0xb8;
	[tilespmem:$0x1E180] =	vst v63  }
0x4c: {  	_ =	swait.ge [sflag:s26], $0x40  }
0x4d: {  	[sflag:s26] =	ssyncset.done $0x0  }
0x4e: {  	s8 =	simm.s32 $0x8;
	[sflag:s26] =	ssyncadd.s32 $0xFFFFFFC0  }
0x4f: {  	_ =	swait.ge [sflag:s8], $0x40  }
0x50: {  	[sflag:s8] =	ssyncset.done $0x0  }
0x51: {  	s11 =	simm.s32 $0x3;
	[sflag:s8] =	ssyncadd.s32 $0xFFFFFFC0  }
0x52: {  	[tilespmem:s15], [sflag:$0xD] =	stream.indirect.gather [hbm4b:s0+s3], $0x80, s2, s3, $0xb8;
	[tilespmem:$0x1E180] =	vst v63  }
0x53: {  	_ =	swait.ge [sflag:s11], $0x40  }
0x54: {  	[sflag:s11] =	ssyncset.done $0x0  }
0x55: {  	s26 =	simm.s32 $0x9;
	[sflag:s11] =	ssyncadd.s32 $0xFFFFFFC0  }
0x56: {  	_ =	swait.ge [sflag:s26], $0x40  }
0x57: {  	s28 =	simm.s32 $0x13;
	s8 =	simm.s32 $0x21;
	[sflag:s26] =	ssyncset.done $0x0  }
0x58: {  	s11 =	simm.s32 $0x0;
	[sflag:s26] =	ssyncadd.s32 $0xFFFFFFC0;
	s26 =	simm.s32 $0x14  }
0x59: {  	[tilespmem:s16], [sflag:$0xE] =	stream.indirect.gather [hbm4b:s0+s3], $0x80, s7, s3, $0xb8;
	[tilespmem:$0x1E180] =	vst v63  }
.LBB2_2:
0x5a: {  	p0 =	seq.s32 s11, $0x0  }
0x5b: {  	s1 =	simm.s32 @!p0 $0x14  }
0x5c: {  	_ =	swait.ge @!p0 [sflag:s1], $0x2000  }
0x5d: {  	s2 =	sadd.s32 s11, s19;
	[sflag:s1] =	ssyncset.done @!p0 $0x0  }
0x5e: {  	s7 =	sadd.s32 $0x400, s2;
	[sflag:s1] =	ssyncadd.s32 @!p0 $0xFFFFE000;
	s1 =	sadd.s32 s11, s20  }
0x5f: {  	[tilespmem:s23], [sflag:$0x5] =	stream.linear.gather [hbm4b:s7+s5], $0x40, $0x38;
	[tilespmem:$0x1E180] =	vst v63  }
0x60: {  	s7 =	sadd.s32 $0x400, s1  }
0x61: {  	[tilespmem:s17], [sflag:$0xB] =	stream.linear.gather [hbm4b:s7+s5], $0x40, $0x38;
	[tilespmem:$0x1E180] =	vst v63  }
0x62: {  	_ =	swait.ge [sflag:s18], $0x40  }
0x63: {  	[sflag:s18] =	ssyncset.done $0x0  }
0x64: {  	[sflag:s18] =	ssyncadd.s32 $0xFFFFFFC0  }
0x65: {  	_ =	swait.ge [sflag:s21], $0x40  }
0x66: {  	[sflag:s21] =	ssyncset.done $0x0  }
0x67: {  	[sflag:s21] =	ssyncadd.s32 $0xFFFFFFC0  }
0x68: {  	[tilespmem:s24], [sflag:$0xF] =	stream.indirect.gather [hbm4b:s0+s3], $0x80, s14, s3, $0xb8;
	[tilespmem:$0x1E180] =	vst v63  }
0x69: {  	_ =	swait.ge [sflag:s25], $0x2000  }
0x6a: {  	[sflag:s25] =	ssyncset.done $0x0  }
0x6b: {  	s7 =	simm.s32 @!p0 $0x15;
	[sflag:s25] =	ssyncadd.s32 $0xFFFFE000  }
0x6c: {  	[spmem:s4] =	stream.indirect.scatter.add.f32 [tilespmem:s22], [sflag:$0x11], $0x80, s5, s3, $0xb8;
	[tilespmem:$0x1E180] =	vst v63  }
0x6d: {  	_ =	swait.ge @!p0 [sflag:s7], $0x2000  }
0x6e: {  	[sflag:s7] =	ssyncset.done @!p0 $0x0  }
0x6f: {  	s2 =	sadd.s32 $0x500, s2;
	[sflag:s7] =	ssyncadd.s32 @!p0 $0xFFFFE000  }
0x70: {  	[tilespmem:s30], [sflag:$0x6] =	stream.linear.gather [hbm4b:s2+s5], $0x40, $0x38;
	[tilespmem:$0x1E180] =	vst v63  }
0x71: {  	s1 =	sadd.s32 $0x500, s1  }
0x72: {  	[tilespmem:s9], [sflag:$0x7] =	stream.linear.gather [hbm4b:s1+s5], $0x40, $0x38;
	[tilespmem:$0x1E180] =	vst v63  }
0x73: {  	_ =	swait.ge [sflag:s29], $0x40  }
0x74: {  	[sflag:s29] =	ssyncset.done $0x0  }
0x75: {  	s18 =	simm.s32 $0xB;
	[sflag:s29] =	ssyncadd.s32 $0xFFFFFFC0  }
0x76: {  	_ =	swait.ge [sflag:s18], $0x40  }
0x77: {  	[sflag:s18] =	ssyncset.done $0x0  }
0x78: {  	s21 =	simm.s32 $0xD;
	s29 =	simm.s32 $0x8580;
	[sflag:s18] =	ssyncadd.s32 $0xFFFFFFC0  }
0x79: {  	[tilespmem:s29], [sflag:$0x10] =	stream.indirect.gather [hbm4b:s0+s3], $0x80, s17, s3, $0xb8;
	[tilespmem:$0x1E180] =	vst v63  }
0x7a: {  	_ =	swait.ge [sflag:s21], $0x2000  }
0x7b: {  	[sflag:s21] =	ssyncset.done $0x0  }
0x7c: {  	s7 =	simm.s32 $0x11;
	s2 =	sadd.s32 $0xFFFFFFE5, s8;
	[sflag:s21] =	ssyncadd.s32 $0xFFFFE000  }
0x7d: {  	[spmem:s4] =	stream.indirect.scatter.add.f32 [tilespmem:s15], [sflag:$0x12], $0x80, s10, s3, $0xb8;
	[tilespmem:$0x1E180] =	vst v63  }
0x7e: {  	p1 =	sge.u32 s2, s6;
	_ =	swait.ge [sflag:s7], $0x2000  }
0x7f: {  	s1 =	sadd.s32 @!p1 s11, s19;
	[sflag:s7] =	ssyncset.done $0x0  }
0x80: {  	s1 =	sadd.s32 @!p1 $0x600, s1;
	s17 =	simm.s32 @!p1 $0x0;
	[sflag:s7] =	ssyncadd.s32 $0xFFFFE000  }
0x81: {  	[tilespmem:s17], [sflag:$0x1] =	stream.linear.gather @!p1 [hbm4b:s1+s17], $0x40, $0x38;
	[tilespmem:$0x1E180] =	vst v63  }
0x82: {  	s1 =	sadd.s32 @!p1 s11, s20  }
0x83: {  	s2 =	simm.s32 @!p1 $0x380;
	s10 =	simm.s32 $0x6;
	s1 =	sadd.s32 @!p1 $0x600, s1  }
0x84: {  	[tilespmem:s2], [sflag:$0x8] =	stream.linear.gather @!p1 [hbm4b:s1+s17], $0x40, $0x38;
	[tilespmem:$0x1E180] =	vst v63  }
0x85: {  	_ =	swait.ge [sflag:s10], $0x40  }
0x86: {  	[sflag:s10] =	ssyncset.done $0x0  }
0x87: {  	s14 =	simm.s32 $0x7;
	[sflag:s10] =	ssyncadd.s32 $0xFFFFFFC0  }
0x88: {  	_ =	swait.ge [sflag:s14], $0x40  }
0x89: {  	[sflag:s14] =	ssyncset.done $0x0  }
0x8a: {  	s15 =	simm.s32 $0xE;
	[sflag:s14] =	ssyncadd.s32 $0xFFFFFFC0  }
0x8b: {  	[tilespmem:s22], [sflag:$0xC] =	stream.indirect.gather [hbm4b:s0+s3], $0x80, s9, s3, $0xb8;
	[tilespmem:$0x1E180] =	vst v63  }
0x8c: {  	_ =	swait.ge [sflag:s15], $0x2000  }
0x8d: {  	[sflag:s15] =	ssyncset.done $0x0  }
0x8e: {  	s18 =	simm.s32 $0x12;
	s21 =	sadd.s32 $0xFFFFFFE6, s8;
	[sflag:s15] =	ssyncadd.s32 $0xFFFFE000  }
0x8f: {  	[spmem:s4] =	stream.indirect.scatter.add.f32 [tilespmem:s16], [sflag:$0x13], $0x80, s12, s3, $0xb8;
	[tilespmem:$0x1E180] =	vst v63  }
0x90: {  	p5 =	sge.u32 s21, s6;
	_ =	swait.ge [sflag:s18], $0x2000  }
0x91: {  	s7 =	simm.s32 @!p5 $0x0;
	s1 =	sadd.s32 @!p5 s11, s19;
	[sflag:s18] =	ssyncset.done $0x0  }
0x92: {  	s1 =	sadd.s32 @!p5 $0x700, s1;
	s12 =	simm.s32 @!p5 $0x80;
	[sflag:s18] =	ssyncadd.s32 $0xFFFFE000  }
0x93: {  	[tilespmem:s12], [sflag:$0x2] =	stream.linear.gather @!p5 [hbm4b:s1+s7], $0x40, $0x38;
	[tilespmem:$0x1E180] =	vst v63  }
0x94: {  	s1 =	sadd.s32 @!p5 s11, s20  }
0x95: {  	s9 =	simm.s32 @!p5 $0x400;
	s1 =	sadd.s32 @!p5 $0x700, s1  }
0x96: {  	[tilespmem:s9], [sflag:$0x9] =	stream.linear.gather @!p5 [hbm4b:s1+s7], $0x40, $0x38;
	[tilespmem:$0x1E180] =	vst v63  }
0x97: {  	s1 =	simm.s32 @!p1 $0x1  }
0x98: {  	_ =	swait.ge @!p1 [sflag:s1], $0x40  }
0x99: {  	[sflag:s1] =	ssyncset.done @!p1 $0x0  }
0x9a: {  	[sflag:s1] =	ssyncadd.s32 @!p1 $0xFFFFFFC0;
	s1 =	simm.s32 @!p1 $0x8  }
0x9b: {  	_ =	swait.ge @!p1 [sflag:s1], $0x40  }
0x9c: {  	s10 =	simm.s32 @!p1 $0x40;
	[sflag:s1] =	ssyncset.done @!p1 $0x0  }
0x9d: {  	s18 =	simm.s32 @!p1 $0x2580;
	s7 =	simm.s32 $0xF;
	[sflag:s1] =	ssyncadd.s32 @!p1 $0xFFFFFFC0  }
0x9e: {  	[tilespmem:s18], [sflag:$0xD] =	stream.indirect.gather @!p1 [hbm4b:s0+s10], $0x80, s2, s10, $0xb8;
	[tilespmem:$0x1E180] =	vst v63  }
0x9f: {  	_ =	swait.ge [sflag:s7], $0x2000  }
0xa0: {  	s14 =	sadd.s32 $0xFFFFFFE7, s8;
	[sflag:s7] =	ssyncset.done $0x0  }
0xa1: {  	p3 =	sge.u32 s14, s6;
	[sflag:s7] =	ssyncadd.s32 $0xFFFFE000  }
0xa2: {  	[spmem:s4] =	stream.indirect.scatter.add.f32 [tilespmem:s24], [sflag:$0x14], $0x80, s13, s3, $0xb8;
	[tilespmem:$0x1E180] =	vst v63  }
0xa3: {  	s1 =	sadd.s32 @!p3 s11, s19;
	_ =	swait.ge [sflag:s28], $0x2000  }
0xa4: {  	s1 =	sadd.s32 @!p3 $0x800, s1;
	[sflag:s28] =	ssyncset.done $0x0  }
0xa5: {  	s2 =	simm.s32 @!p3 $0x0;
	s13 =	simm.s32 @!p3 $0x100;
	[sflag:s28] =	ssyncadd.s32 $0xFFFFE000  }
0xa6: {  	[tilespmem:s13], [sflag:$0x3] =	stream.linear.gather @!p3 [hbm4b:s1+s2], $0x40, $0x38;
	[tilespmem:$0x1E180] =	vst v63  }
0xa7: {  	s1 =	sadd.s32 @!p3 s11, s20  }
0xa8: {  	s21 =	simm.s32 @!p3 $0x480;
	s1 =	sadd.s32 @!p3 $0x800, s1  }
0xa9: {  	[tilespmem:s21], [sflag:$0xA] =	stream.linear.gather @!p3 [hbm4b:s1+s2], $0x40, $0x38;
	[tilespmem:$0x1E180] =	vst v63  }
0xaa: {  	s1 =	simm.s32 @!p5 $0x2  }
0xab: {  	_ =	swait.ge @!p5 [sflag:s1], $0x40  }
0xac: {  	[sflag:s1] =	ssyncset.done @!p5 $0x0  }
0xad: {  	[sflag:s1] =	ssyncadd.s32 @!p5 $0xFFFFFFC0;
	s1 =	simm.s32 @!p5 $0x9  }
0xae: {  	_ =	swait.ge @!p5 [sflag:s1], $0x40  }
0xaf: {  	[sflag:s1] =	ssyncset.done @!p5 $0x0  }
0xb0: {  	s14 =	simm.s32 @!p5 $0x40;
	s16 =	simm.s32 @!p5 $0x4580;
	[sflag:s1] =	ssyncadd.s32 @!p5 $0xFFFFFFC0  }
0xb1: {  	[tilespmem:s16], [sflag:$0xE] =	stream.indirect.gather @!p5 [hbm4b:s0+s14], $0x80, s9, s14, $0xb8;
	[tilespmem:$0x1E180] =	vst v63  }
0xb2: {  	_ =	swait.ge [sflag:s31], $0x2000  }
0xb3: {  	[sflag:s31] =	ssyncset.done $0x0  }
0xb4: {  	s15 =	sadd.s32 $0xFFFFFFE8, s8;
	[sflag:s31] =	ssyncadd.s32 $0xFFFFE000  }
0xb5: {  	[spmem:s4] =	stream.indirect.scatter.add.f32 [tilespmem:s29], [sflag:$0x15], $0x80, s23, s3, $0xb8;
	[tilespmem:$0x1E180] =	vst v63  }
0xb6: {  	p2 =	sge.u32 s15, s6;
	_ =	swait.ge [sflag:s26], $0x2000  }
0xb7: {  	s7 =	simm.s32 @!p2 $0x0;
	s1 =	sadd.s32 @!p2 s11, s19;
	[sflag:s26] =	ssyncset.done $0x0  }
0xb8: {  	s2 =	simm.s32 @!p2 $0x180;
	s1 =	sadd.s32 @!p2 $0x900, s1;
	[sflag:s26] =	ssyncadd.s32 $0xFFFFE000  }
0xb9: {  	[tilespmem:s2], [sflag:$0x4] =	stream.linear.gather @!p2 [hbm4b:s1+s7], $0x40, $0x38;
	[tilespmem:$0x1E180] =	vst v63  }
0xba: {  	s1 =	sadd.s32 @!p2 s11, s20  }
0xbb: {  	s29 =	simm.s32 @!p2 $0x500;
	s1 =	sadd.s32 @!p2 $0x900, s1  }
0xbc: {  	[tilespmem:s29], [sflag:$0xB] =	stream.linear.gather @!p2 [hbm4b:s1+s7], $0x40, $0x38;
	[tilespmem:$0x1E180] =	vst v63  }
0xbd: {  	s1 =	simm.s32 @!p3 $0x3  }
0xbe: {  	_ =	swait.ge @!p3 [sflag:s1], $0x40  }
0xbf: {  	[sflag:s1] =	ssyncset.done @!p3 $0x0  }
0xc0: {  	[sflag:s1] =	ssyncadd.s32 @!p3 $0xFFFFFFC0;
	s1 =	simm.s32 @!p3 $0xA  }
0xc1: {  	_ =	swait.ge @!p3 [sflag:s1], $0x40  }
0xc2: {  	[sflag:s1] =	ssyncset.done @!p3 $0x0  }
0xc3: {  	s15 =	simm.s32 @!p3 $0x6580;
	s7 =	simm.s32 @!p3 $0x40;
	[sflag:s1] =	ssyncadd.s32 @!p3 $0xFFFFFFC0  }
0xc4: {  	[tilespmem:s15], [sflag:$0xF] =	stream.indirect.gather @!p3 [hbm4b:s0+s7], $0x80, s21, s7, $0xb8;
	[tilespmem:$0x1E180] =	vst v63  }
0xc5: {  	_ =	swait.ge [sflag:s25], $0x2000  }
0xc6: {  	[sflag:s25] =	ssyncset.done $0x0  }
0xc7: {  	s1 =	simm.s32 @!p1 $0x15;
	[sflag:s25] =	ssyncadd.s32 $0xFFFFE000  }
0xc8: {  	[spmem:s4] =	stream.indirect.scatter.add.f32 [tilespmem:s22], [sflag:$0x11], $0x80, s30, s3, $0xb8;
	[tilespmem:$0x1E180] =	vst v63  }
0xc9: {  	s21 =	sadd.s32 $0xFFFFFFE9, s8;
	_ =	swait.ge @!p1 [sflag:s1], $0x2000  }
0xca: {  	p0 =	sge.u32 s21, s6;
	[sflag:s1] =	ssyncset.done @!p1 $0x0  }
0xcb: {  	[sflag:s1] =	ssyncadd.s32 @!p1 $0xFFFFE000;
	s1 =	sadd.s32 @!p0 s11, s19  }
0xcc: {  	s9 =	simm.s32 @!p0 $0x0;
	s23 =	simm.s32 @!p0 $0x200;
	s1 =	sadd.s32 @!p0 $0xA00, s1  }
0xcd: {  	[tilespmem:s23], [sflag:$0x5] =	stream.linear.gather @!p0 [hbm4b:s1+s9], $0x40, $0x38;
	[tilespmem:$0x1E180] =	vst v63  }
0xce: {  	s1 =	sadd.s32 @!p0 s11, s20  }
0xcf: {  	s21 =	simm.s32 @!p0 $0x300;
	s1 =	sadd.s32 @!p0 $0xA00, s1  }
0xd0: {  	[tilespmem:s21], [sflag:$0x7] =	stream.linear.gather @!p0 [hbm4b:s1+s9], $0x40, $0x38;
	[tilespmem:$0x1E180] =	vst v63  }
0xd1: {  	s1 =	simm.s32 @!p2 $0x4  }
0xd2: {  	_ =	swait.ge @!p2 [sflag:s1], $0x40  }
0xd3: {  	[sflag:s1] =	ssyncset.done @!p2 $0x0  }
0xd4: {  	[sflag:s1] =	ssyncadd.s32 @!p2 $0xFFFFFFC0;
	s1 =	simm.s32 @!p2 $0xB  }
0xd5: {  	_ =	swait.ge @!p2 [sflag:s1], $0x40  }
0xd6: {  	[sflag:s1] =	ssyncset.done @!p2 $0x0  }
0xd7: {  	s9 =	simm.s32 @!p2 $0x8580;
	[sflag:s1] =	ssyncadd.s32 @!p2 $0xFFFFFFC0;
	s1 =	simm.s32 @!p2 $0x40  }
0xd8: {  	[tilespmem:s9], [sflag:$0x10] =	stream.indirect.gather @!p2 [hbm4b:s0+s1], $0x80, s29, s1, $0xb8;
	[tilespmem:$0x1E180] =	vst v63  }
0xd9: {  	s29 =	simm.s32 @!p1 $0xD  }
0xda: {  	_ =	swait.ge @!p1 [sflag:s29], $0x2000  }
0xdb: {  	[sflag:s29] =	ssyncset.done @!p1 $0x0  }
0xdc: {  	[sflag:s29] =	ssyncadd.s32 @!p1 $0xFFFFE000  }
0xdd: {  	[spmem:s4] =	stream.indirect.scatter.add.f32 @!p1 [tilespmem:s18], [sflag:$0x12], $0x80, s17, s10, $0xb8;
	[tilespmem:$0x1E180] =	vst v63  }
0xde: {  	s10 =	simm.s32 @!p5 $0x11  }
0xdf: {  	s22 =	sadd.s32 $0xFFFFFFEA, s8;
	_ =	swait.ge @!p5 [sflag:s10], $0x2000  }
0xe0: {  	p1 =	sge.u32 s22, s6;
	[sflag:s10] =	ssyncset.done @!p5 $0x0  }
0xe1: {  	[sflag:s10] =	ssyncadd.s32 @!p5 $0xFFFFE000;
	s10 =	sadd.s32 @!p1 s11, s19  }
0xe2: {  	s18 =	simm.s32 @!p1 $0x0;
	s17 =	simm.s32 @!p1 $0x280;
	s10 =	sadd.s32 @!p1 $0xB00, s10  }
0xe3: {  	[tilespmem:s17], [sflag:$0x6] =	stream.linear.gather @!p1 [hbm4b:s10+s18], $0x40, $0x38;
	[tilespmem:$0x1E180] =	vst v63  }
0xe4: {  	s10 =	sadd.s32 @!p1 s11, s20  }
0xe5: {  	s29 =	simm.s32 @!p1 $0x380;
	s10 =	sadd.s32 @!p1 $0xB00, s10  }
0xe6: {  	[tilespmem:s29], [sflag:$0x8] =	stream.linear.gather @!p1 [hbm4b:s10+s18], $0x40, $0x38;
	[tilespmem:$0x1E180] =	vst v63  }
0xe7: {  	s10 =	simm.s32 @!p0 $0x5  }
0xe8: {  	_ =	swait.ge @!p0 [sflag:s10], $0x40  }
0xe9: {  	[sflag:s10] =	ssyncset.done @!p0 $0x0  }
0xea: {  	[sflag:s10] =	ssyncadd.s32 @!p0 $0xFFFFFFC0;
	s10 =	simm.s32 @!p0 $0x7  }
0xeb: {  	_ =	swait.ge @!p0 [sflag:s10], $0x40  }
0xec: {  	[sflag:s10] =	ssyncset.done @!p0 $0x0  }
0xed: {  	s18 =	simm.s32 @!p0 $0x40;
	[sflag:s10] =	ssyncadd.s32 @!p0 $0xFFFFFFC0;
	s10 =	simm.s32 @!p0 $0x580  }
0xee: {  	[tilespmem:s10], [sflag:$0xC] =	stream.indirect.gather @!p0 [hbm4b:s0+s18], $0x80, s21, s18, $0xb8;
	[tilespmem:$0x1E180] =	vst v63  }
0xef: {  	s21 =	simm.s32 @!p5 $0xE  }
0xf0: {  	_ =	swait.ge @!p5 [sflag:s21], $0x2000  }
0xf1: {  	[sflag:s21] =	ssyncset.done @!p5 $0x0  }
0xf2: {  	[sflag:s21] =	ssyncadd.s32 @!p5 $0xFFFFE000  }
0xf3: {  	[spmem:s4] =	stream.indirect.scatter.add.f32 @!p5 [tilespmem:s16], [sflag:$0x13], $0x80, s12, s14, $0xb8;
	[tilespmem:$0x1E180] =	vst v63  }
0xf4: {  	s24 =	sadd.s32 $0xFFFFFFEB, s8;
	s12 =	simm.s32 @!p3 $0x12  }
0xf5: {  	p5 =	sge.u32 s24, s6;
	_ =	swait.ge @!p3 [sflag:s12], $0x2000  }
0xf6: {  	s14 =	sadd.s32 @!p5 s11, s19;
	[sflag:s12] =	ssyncset.done @!p3 $0x0  }
0xf7: {  	s14 =	sadd.s32 @!p5 $0xC00, s14;
	[sflag:s12] =	ssyncadd.s32 @!p3 $0xFFFFE000;
	s12 =	simm.s32 @!p5 $0x0  }
0xf8: {  	[tilespmem:s12], [sflag:$0x1] =	stream.linear.gather @!p5 [hbm4b:s14+s12], $0x40, $0x38;
	[tilespmem:$0x1E180] =	vst v63  }
0xf9: {  	s14 =	sadd.s32 @!p5 s11, s20  }
0xfa: {  	s16 =	simm.s32 @!p5 $0x400;
	s14 =	sadd.s32 @!p5 $0xC00, s14  }
0xfb: {  	[tilespmem:s16], [sflag:$0x9] =	stream.linear.gather @!p5 [hbm4b:s14+s12], $0x40, $0x38;
	[tilespmem:$0x1E180] =	vst v63  }
0xfc: {  	s14 =	simm.s32 @!p1 $0x6  }
0xfd: {  	_ =	swait.ge @!p1 [sflag:s14], $0x40  }
0xfe: {  	[sflag:s14] =	ssyncset.done @!p1 $0x0  }
0xff: {  	[sflag:s14] =	ssyncadd.s32 @!p1 $0xFFFFFFC0;
	s14 =	simm.s32 @!p1 $0x8  }
0x100: {  	_ =	swait.ge @!p1 [sflag:s14], $0x40  }
0x101: {  	s30 =	simm.s32 @!p1 $0x2580;
	[sflag:s14] =	ssyncset.done @!p1 $0x0  }
0x102: {  	s21 =	simm.s32 @!p1 $0x40;
	[sflag:s14] =	ssyncadd.s32 @!p1 $0xFFFFFFC0;
	s14 =	simm.s32 @!p3 $0xF  }
0x103: {  	[tilespmem:s30], [sflag:$0xD] =	stream.indirect.gather @!p1 [hbm4b:s0+s21], $0x80, s29, s21, $0xb8;
	[tilespmem:$0x1E180] =	vst v63  }
0x104: {  	_ =	swait.ge @!p3 [sflag:s14], $0x2000  }
0x105: {  	[sflag:s14] =	ssyncset.done @!p3 $0x0  }
0x106: {  	[sflag:s14] =	ssyncadd.s32 @!p3 $0xFFFFE000  }
0x107: {  	[spmem:s4] =	stream.indirect.scatter.add.f32 @!p3 [tilespmem:s15], [sflag:$0x14], $0x80, s13, s7, $0xb8;
	[tilespmem:$0x1E180] =	vst v63  }
0x108: {  	s7 =	simm.s32 @!p2 $0x13  }
0x109: {  	s15 =	sadd.s32 $0xFFFFFFEC, s8;
	_ =	swait.ge @!p2 [sflag:s7], $0x2000  }
0x10a: {  	p6 =	sge.u32 s15, s6;
	[sflag:s7] =	ssyncset.done @!p2 $0x0  }
0x10b: {  	[sflag:s7] =	ssyncadd.s32 @!p2 $0xFFFFE000;
	s7 =	sadd.s32 @!p6 s11, s19  }
0x10c: {  	s14 =	simm.s32 @!p6 $0x0;
	s13 =	simm.s32 @!p6 $0x80;
	s7 =	sadd.s32 @!p6 $0xD00, s7  }
0x10d: {  	[tilespmem:s13], [sflag:$0x2] =	stream.linear.gather @!p6 [hbm4b:s7+s14], $0x40, $0x38;
	[tilespmem:$0x1E180] =	vst v63  }
0x10e: {  	s7 =	sadd.s32 @!p6 s11, s20  }
0x10f: {  	s29 =	simm.s32 @!p6 $0x480;
	s7 =	sadd.s32 @!p6 $0xD00, s7  }
0x110: {  	[tilespmem:s29], [sflag:$0xA] =	stream.linear.gather @!p6 [hbm4b:s7+s14], $0x40, $0x38;
	[tilespmem:$0x1E180] =	vst v63  }
0x111: {  	s7 =	simm.s32 @!p5 $0x1  }
0x112: {  	_ =	swait.ge @!p5 [sflag:s7], $0x40  }
0x113: {  	[sflag:s7] =	ssyncset.done @!p5 $0x0  }
0x114: {  	[sflag:s7] =	ssyncadd.s32 @!p5 $0xFFFFFFC0;
	s7 =	simm.s32 @!p5 $0x9  }
0x115: {  	_ =	swait.ge @!p5 [sflag:s7], $0x40  }
0x116: {  	s15 =	simm.s32 @!p2 $0x10;
	[sflag:s7] =	ssyncset.done @!p5 $0x0  }
0x117: {  	s14 =	simm.s32 @!p5 $0x40;
	[sflag:s7] =	ssyncadd.s32 @!p5 $0xFFFFFFC0;
	s7 =	simm.s32 @!p5 $0x4580  }
0x118: {  	[tilespmem:s7], [sflag:$0xE] =	stream.indirect.gather @!p5 [hbm4b:s0+s14], $0x80, s16, s14, $0xb8;
	[tilespmem:$0x1E180] =	vst v63  }
0x119: {  	_ =	swait.ge @!p2 [sflag:s15], $0x2000  }
0x11a: {  	[sflag:s15] =	ssyncset.done @!p2 $0x0  }
0x11b: {  	[sflag:s15] =	ssyncadd.s32 @!p2 $0xFFFFE000  }
0x11c: {  	[spmem:s4] =	stream.indirect.scatter.add.f32 @!p2 [tilespmem:s9], [sflag:$0x15], $0x80, s2, s1, $0xb8;
	[tilespmem:$0x1E180] =	vst v63  }
0x11d: {  	s1 =	simm.s32 @!p0 $0x14  }
0x11e: {  	s22 =	sadd.s32 $0xFFFFFFED, s8;
	_ =	swait.ge @!p0 [sflag:s1], $0x2000  }
0x11f: {  	p2 =	sge.u32 s22, s6;
	[sflag:s1] =	ssyncset.done @!p0 $0x0  }
0x120: {  	[sflag:s1] =	ssyncadd.s32 @!p0 $0xFFFFE000;
	s1 =	sadd.s32 @!p2 s11, s19  }
0x121: {  	s9 =	simm.s32 @!p2 $0x0;
	s2 =	simm.s32 @!p2 $0x100;
	s1 =	sadd.s32 @!p2 $0xE00, s1  }
0x122: {  	[tilespmem:s2], [sflag:$0x3] =	stream.linear.gather @!p2 [hbm4b:s1+s9], $0x40, $0x38;
	[tilespmem:$0x1E180] =	vst v63  }
0x123: {  	s1 =	sadd.s32 @!p2 s11, s20  }
0x124: {  	s16 =	simm.s32 @!p2 $0x500;
	s1 =	sadd.s32 @!p2 $0xE00, s1  }
0x125: {  	[tilespmem:s16], [sflag:$0xB] =	stream.linear.gather @!p2 [hbm4b:s1+s9], $0x40, $0x38;
	[tilespmem:$0x1E180] =	vst v63  }
0x126: {  	s1 =	simm.s32 @!p6 $0x2  }
0x127: {  	_ =	swait.ge @!p6 [sflag:s1], $0x40  }
0x128: {  	[sflag:s1] =	ssyncset.done @!p6 $0x0  }
0x129: {  	[sflag:s1] =	ssyncadd.s32 @!p6 $0xFFFFFFC0;
	s1 =	simm.s32 @!p6 $0xA  }
0x12a: {  	_ =	swait.ge @!p6 [sflag:s1], $0x40  }
0x12b: {  	s15 =	simm.s32 @!p6 $0x40;
	[sflag:s1] =	ssyncset.done @!p6 $0x0  }
0x12c: {  	s9 =	simm.s32 @!p0 $0xC;
	[sflag:s1] =	ssyncadd.s32 @!p6 $0xFFFFFFC0;
	s1 =	simm.s32 @!p6 $0x6580  }
0x12d: {  	[tilespmem:s1], [sflag:$0xF] =	stream.indirect.gather @!p6 [hbm4b:s0+s15], $0x80, s29, s15, $0xb8;
	[tilespmem:$0x1E180] =	vst v63  }
0x12e: {  	_ =	swait.ge @!p0 [sflag:s9], $0x2000  }
0x12f: {  	[sflag:s9] =	ssyncset.done @!p0 $0x0  }
0x130: {  	[sflag:s9] =	ssyncadd.s32 @!p0 $0xFFFFE000;
	s9 =	simm.s32 @!p1 $0x15  }
0x131: {  	[spmem:s4] =	stream.indirect.scatter.add.f32 @!p0 [tilespmem:s10], [sflag:$0x11], $0x80, s23, s18, $0xb8;
	[tilespmem:$0x1E180] =	vst v63  }
0x132: {  	s23 =	sadd.s32 $0xFFFFFFEE, s8;
	_ =	swait.ge @!p1 [sflag:s9], $0x2000  }
0x133: {  	p0 =	sge.u32 s23, s6;
	[sflag:s9] =	ssyncset.done @!p1 $0x0  }
0x134: {  	[sflag:s9] =	ssyncadd.s32 @!p1 $0xFFFFE000;
	s9 =	sadd.s32 @!p0 s11, s19  }
0x135: {  	s10 =	simm.s32 @!p0 $0x0;
	s23 =	simm.s32 @!p0 $0x180;
	s9 =	sadd.s32 @!p0 $0xF00, s9  }
0x136: {  	[tilespmem:s23], [sflag:$0x4] =	stream.linear.gather @!p0 [hbm4b:s9+s10], $0x40, $0x38;
	[tilespmem:$0x1E180] =	vst v63  }
0x137: {  	s9 =	sadd.s32 @!p0 s11, s20  }
0x138: {  	s29 =	simm.s32 @!p0 $0x300;
	s9 =	sadd.s32 @!p0 $0xF00, s9  }
0x139: {  	[tilespmem:s29], [sflag:$0x7] =	stream.linear.gather @!p0 [hbm4b:s9+s10], $0x40, $0x38;
	[tilespmem:$0x1E180] =	vst v63  }
0x13a: {  	s9 =	simm.s32 @!p2 $0x3  }
0x13b: {  	_ =	swait.ge @!p2 [sflag:s9], $0x40  }
0x13c: {  	[sflag:s9] =	ssyncset.done @!p2 $0x0  }
0x13d: {  	[sflag:s9] =	ssyncadd.s32 @!p2 $0xFFFFFFC0;
	s9 =	simm.s32 @!p2 $0xB  }
0x13e: {  	_ =	swait.ge @!p2 [sflag:s9], $0x40  }
0x13f: {  	s18 =	simm.s32 @!p2 $0x40;
	[sflag:s9] =	ssyncset.done @!p2 $0x0  }
0x140: {  	s10 =	simm.s32 @!p2 $0x8580;
	[sflag:s9] =	ssyncadd.s32 @!p2 $0xFFFFFFC0;
	s9 =	simm.s32 @!p1 $0xD  }
0x141: {  	[tilespmem:s10], [sflag:$0x10] =	stream.indirect.gather @!p2 [hbm4b:s0+s18], $0x80, s16, s18, $0xb8;
	[tilespmem:$0x1E180] =	vst v63  }
0x142: {  	_ =	swait.ge @!p1 [sflag:s9], $0x2000  }
0x143: {  	[sflag:s9] =	ssyncset.done @!p1 $0x0  }
0x144: {  	[sflag:s9] =	ssyncadd.s32 @!p1 $0xFFFFE000;
	s9 =	simm.s32 @!p5 $0x11  }
0x145: {  	[spmem:s4] =	stream.indirect.scatter.add.f32 @!p1 [tilespmem:s30], [sflag:$0x12], $0x80, s17, s21, $0xb8;
	[tilespmem:$0x1E180] =	vst v63  }
0x146: {  	s24 =	sadd.s32 $0xFFFFFFEF, s8;
	_ =	swait.ge @!p5 [sflag:s9], $0x2000  }
0x147: {  	p1 =	sge.u32 s24, s6;
	[sflag:s9] =	ssyncset.done @!p5 $0x0  }
0x148: {  	[sflag:s9] =	ssyncadd.s32 @!p5 $0xFFFFE000;
	s9 =	sadd.s32 @!p1 s11, s19  }
0x149: {  	s16 =	simm.s32 @!p1 $0x0;
	s17 =	simm.s32 @!p1 $0x200;
	s9 =	sadd.s32 @!p1 $0x1000, s9  }
0x14a: {  	[tilespmem:s17], [sflag:$0x5] =	stream.linear.gather @!p1 [hbm4b:s9+s16], $0x40, $0x38;
	[tilespmem:$0x1E180] =	vst v63  }
0x14b: {  	s9 =	sadd.s32 @!p1 s11, s20  }
0x14c: {  	s22 =	simm.s32 @!p1 $0x380;
	s9 =	sadd.s32 @!p1 $0x1000, s9  }
0x14d: {  	[tilespmem:s22], [sflag:$0x8] =	stream.linear.gather @!p1 [hbm4b:s9+s16], $0x40, $0x38;
	[tilespmem:$0x1E180] =	vst v63  }
0x14e: {  	s9 =	simm.s32 @!p0 $0x4  }
0x14f: {  	_ =	swait.ge @!p0 [sflag:s9], $0x40  }
0x150: {  	[sflag:s9] =	ssyncset.done @!p0 $0x0  }
0x151: {  	[sflag:s9] =	ssyncadd.s32 @!p0 $0xFFFFFFC0;
	s9 =	simm.s32 @!p0 $0x7  }
0x152: {  	_ =	swait.ge @!p0 [sflag:s9], $0x40  }
0x153: {  	s30 =	simm.s32 @!p0 $0x40;
	[sflag:s9] =	ssyncset.done @!p0 $0x0  }
0x154: {  	s16 =	simm.s32 @!p0 $0x580;
	[sflag:s9] =	ssyncadd.s32 @!p0 $0xFFFFFFC0;
	s9 =	simm.s32 @!p5 $0xE  }
0x155: {  	[tilespmem:s16], [sflag:$0xC] =	stream.indirect.gather @!p0 [hbm4b:s0+s30], $0x80, s29, s30, $0xb8;
	[tilespmem:$0x1E180] =	vst v63  }
0x156: {  	_ =	swait.ge @!p5 [sflag:s9], $0x2000  }
0x157: {  	[sflag:s9] =	ssyncset.done @!p5 $0x0  }
0x158: {  	[sflag:s9] =	ssyncadd.s32 @!p5 $0xFFFFE000  }
0x159: {  	[spmem:s4] =	stream.indirect.scatter.add.f32 @!p5 [tilespmem:s7], [sflag:$0x13], $0x80, s12, s14, $0xb8;
	[tilespmem:$0x1E180] =	vst v63  }
0x15a: {  	s7 =	simm.s32 @!p6 $0x12  }
0x15b: {  	s12 =	sadd.s32 $0xFFFFFFF0, s8;
	_ =	swait.ge @!p6 [sflag:s7], $0x2000  }
0x15c: {  	p3 =	sge.u32 s12, s6;
	[sflag:s7] =	ssyncset.done @!p6 $0x0  }
0x15d: {  	[sflag:s7] =	ssyncadd.s32 @!p6 $0xFFFFE000;
	s7 =	sadd.s32 @!p3 s11, s19  }
0x15e: {  	s9 =	simm.s32 @!p3 $0x0;
	s21 =	simm.s32 @!p3 $0x280;
	s7 =	sadd.s32 @!p3 $0x1100, s7  }
0x15f: {  	[tilespmem:s21], [sflag:$0x6] =	stream.linear.gather @!p3 [hbm4b:s7+s9], $0x40, $0x38;
	[tilespmem:$0x1E180] =	vst v63  }
0x160: {  	s7 =	sadd.s32 @!p3 s11, s20  }
0x161: {  	s24 =	simm.s32 @!p3 $0x400;
	s7 =	sadd.s32 @!p3 $0x1100, s7  }
0x162: {  	[tilespmem:s24], [sflag:$0x9] =	stream.linear.gather @!p3 [hbm4b:s7+s9], $0x40, $0x38;
	[tilespmem:$0x1E180] =	vst v63  }
0x163: {  	s7 =	simm.s32 @!p1 $0x5  }
0x164: {  	_ =	swait.ge @!p1 [sflag:s7], $0x40  }
0x165: {  	[sflag:s7] =	ssyncset.done @!p1 $0x0  }
0x166: {  	[sflag:s7] =	ssyncadd.s32 @!p1 $0xFFFFFFC0;
	s7 =	simm.s32 @!p1 $0x8  }
0x167: {  	_ =	swait.ge @!p1 [sflag:s7], $0x40  }
0x168: {  	s29 =	simm.s32 @!p1 $0x2580;
	[sflag:s7] =	ssyncset.done @!p1 $0x0  }
0x169: {  	s9 =	simm.s32 @!p6 $0xF;
	[sflag:s7] =	ssyncadd.s32 @!p1 $0xFFFFFFC0;
	s7 =	simm.s32 @!p1 $0x40  }
0x16a: {  	[tilespmem:s29], [sflag:$0xD] =	stream.indirect.gather @!p1 [hbm4b:s0+s7], $0x80, s22, s7, $0xb8;
	[tilespmem:$0x1E180] =	vst v63  }
0x16b: {  	_ =	swait.ge @!p6 [sflag:s9], $0x2000  }
0x16c: {  	[sflag:s9] =	ssyncset.done @!p6 $0x0  }
0x16d: {  	[sflag:s9] =	ssyncadd.s32 @!p6 $0xFFFFE000  }
0x16e: {  	[spmem:s4] =	stream.indirect.scatter.add.f32 @!p6 [tilespmem:s1], [sflag:$0x14], $0x80, s13, s15, $0xb8;
	[tilespmem:$0x1E180] =	vst v63  }
0x16f: {  	s14 =	sadd.s32 $0xFFFFFFF1, s8;
	s1 =	simm.s32 @!p2 $0x13  }
0x170: {  	p5 =	sge.u32 s14, s6;
	_ =	swait.ge @!p2 [sflag:s1], $0x2000  }
0x171: {  	s9 =	sadd.s32 @!p5 s11, s19;
	[sflag:s1] =	ssyncset.done @!p2 $0x0  }
0x172: {  	s12 =	simm.s32 @!p5 $0x0;
	[sflag:s1] =	ssyncadd.s32 @!p2 $0xFFFFE000;
	s1 =	sadd.s32 @!p5 $0x1200, s9  }
0x173: {  	[tilespmem:s12], [sflag:$0x1] =	stream.linear.gather @!p5 [hbm4b:s1+s12], $0x40, $0x38;
	[tilespmem:$0x1E180] =	vst v63  }
0x174: {  	s1 =	sadd.s32 @!p5 s11, s20  }
0x175: {  	s22 =	simm.s32 @!p5 $0x480;
	s1 =	sadd.s32 @!p5 $0x1200, s1  }
0x176: {  	[tilespmem:s22], [sflag:$0xA] =	stream.linear.gather @!p5 [hbm4b:s1+s12], $0x40, $0x38;
	[tilespmem:$0x1E180] =	vst v63  }
0x177: {  	s1 =	simm.s32 @!p3 $0x6  }
0x178: {  	_ =	swait.ge @!p3 [sflag:s1], $0x40  }
0x179: {  	[sflag:s1] =	ssyncset.done @!p3 $0x0  }
0x17a: {  	[sflag:s1] =	ssyncadd.s32 @!p3 $0xFFFFFFC0;
	s1 =	simm.s32 @!p3 $0x9  }
0x17b: {  	_ =	swait.ge @!p3 [sflag:s1], $0x40  }
0x17c: {  	s14 =	simm.s32 @!p3 $0x40;
	[sflag:s1] =	ssyncset.done @!p3 $0x0  }
0x17d: {  	s9 =	simm.s32 @!p3 $0x4580;
	[sflag:s1] =	ssyncadd.s32 @!p3 $0xFFFFFFC0;
	s1 =	simm.s32 @!p2 $0x10  }
0x17e: {  	[tilespmem:s9], [sflag:$0xE] =	stream.indirect.gather @!p3 [hbm4b:s0+s14], $0x80, s24, s14, $0xb8;
	[tilespmem:$0x1E180] =	vst v63  }
0x17f: {  	_ =	swait.ge @!p2 [sflag:s1], $0x2000  }
0x180: {  	[sflag:s1] =	ssyncset.done @!p2 $0x0  }
0x181: {  	[sflag:s1] =	ssyncadd.s32 @!p2 $0xFFFFE000;
	s1 =	simm.s32 @!p0 $0x14  }
0x182: {  	[spmem:s4] =	stream.indirect.scatter.add.f32 @!p2 [tilespmem:s10], [sflag:$0x15], $0x80, s2, s18, $0xb8;
	[tilespmem:$0x1E180] =	vst v63  }
0x183: {  	s15 =	sadd.s32 $0xFFFFFFF2, s8;
	_ =	swait.ge @!p0 [sflag:s1], $0x2000  }
0x184: {  	p6 =	sge.u32 s15, s6;
	[sflag:s1] =	ssyncset.done @!p0 $0x0  }
0x185: {  	[sflag:s1] =	ssyncadd.s32 @!p0 $0xFFFFE000;
	s1 =	sadd.s32 @!p6 s11, s19  }
0x186: {  	s13 =	simm.s32 @!p6 $0x80;
	s2 =	simm.s32 @!p6 $0x0;
	s1 =	sadd.s32 @!p6 $0x1300, s1  }
0x187: {  	[tilespmem:s13], [sflag:$0x2] =	stream.linear.gather @!p6 [hbm4b:s1+s2], $0x40, $0x38;
	[tilespmem:$0x1E180] =	vst v63  }
0x188: {  	s1 =	sadd.s32 @!p6 s11, s20  }
0x189: {  	s10 =	simm.s32 @!p6 $0x500;
	s1 =	sadd.s32 @!p6 $0x1300, s1  }
0x18a: {  	[tilespmem:s10], [sflag:$0xB] =	stream.linear.gather @!p6 [hbm4b:s1+s2], $0x40, $0x38;
	[tilespmem:$0x1E180] =	vst v63  }
0x18b: {  	s1 =	simm.s32 @!p5 $0x1  }
0x18c: {  	_ =	swait.ge @!p5 [sflag:s1], $0x40  }
0x18d: {  	[sflag:s1] =	ssyncset.done @!p5 $0x0  }
0x18e: {  	[sflag:s1] =	ssyncadd.s32 @!p5 $0xFFFFFFC0;
	s1 =	simm.s32 @!p5 $0xA  }
0x18f: {  	_ =	swait.ge @!p5 [sflag:s1], $0x40  }
0x190: {  	s15 =	simm.s32 @!p5 $0x40;
	[sflag:s1] =	ssyncset.done @!p5 $0x0  }
0x191: {  	s18 =	simm.s32 @!p5 $0x6580;
	[sflag:s1] =	ssyncadd.s32 @!p5 $0xFFFFFFC0;
	s1 =	simm.s32 @!p0 $0xC  }
0x192: {  	[tilespmem:s18], [sflag:$0xF] =	stream.indirect.gather @!p5 [hbm4b:s0+s15], $0x80, s22, s15, $0xb8;
	[tilespmem:$0x1E180] =	vst v63  }
0x193: {  	_ =	swait.ge @!p0 [sflag:s1], $0x2000  }
0x194: {  	[sflag:s1] =	ssyncset.done @!p0 $0x0  }
0x195: {  	[sflag:s1] =	ssyncadd.s32 @!p0 $0xFFFFE000;
	s1 =	simm.s32 @!p1 $0x15  }
0x196: {  	[spmem:s4] =	stream.indirect.scatter.add.f32 @!p0 [tilespmem:s16], [sflag:$0x11], $0x80, s23, s30, $0xb8;
	[tilespmem:$0x1E180] =	vst v63  }
0x197: {  	s16 =	sadd.s32 $0xFFFFFFF3, s8;
	_ =	swait.ge @!p1 [sflag:s1], $0x2000  }
0x198: {  	p0 =	sge.u32 s16, s6;
	[sflag:s1] =	ssyncset.done @!p1 $0x0  }
0x199: {  	[sflag:s1] =	ssyncadd.s32 @!p1 $0xFFFFE000;
	s1 =	sadd.s32 @!p0 s11, s19  }
0x19a: {  	s16 =	simm.s32 @!p0 $0x0;
	s2 =	simm.s32 @!p0 $0x100;
	s1 =	sadd.s32 @!p0 $0x1400, s1  }
0x19b: {  	[tilespmem:s2], [sflag:$0x3] =	stream.linear.gather @!p0 [hbm4b:s1+s16], $0x40, $0x38;
	[tilespmem:$0x1E180] =	vst v63  }
0x19c: {  	s1 =	sadd.s32 @!p0 s11, s20  }
0x19d: {  	s22 =	simm.s32 @!p0 $0x300;
	s1 =	sadd.s32 @!p0 $0x1400, s1  }
0x19e: {  	[tilespmem:s22], [sflag:$0x7] =	stream.linear.gather @!p0 [hbm4b:s1+s16], $0x40, $0x38;
	[tilespmem:$0x1E180] =	vst v63  }
0x19f: {  	s1 =	simm.s32 @!p6 $0x2  }
0x1a0: {  	_ =	swait.ge @!p6 [sflag:s1], $0x40  }
0x1a1: {  	[sflag:s1] =	ssyncset.done @!p6 $0x0  }
0x1a2: {  	[sflag:s1] =	ssyncadd.s32 @!p6 $0xFFFFFFC0;
	s1 =	simm.s32 @!p6 $0xB  }
0x1a3: {  	_ =	swait.ge @!p6 [sflag:s1], $0x40  }
0x1a4: {  	[sflag:s1] =	ssyncset.done @!p6 $0x0  }
0x1a5: {  	s30 =	simm.s32 @!p6 $0x8580;
	[sflag:s1] =	ssyncadd.s32 @!p6 $0xFFFFFFC0;
	s1 =	simm.s32 @!p6 $0x40  }
0x1a6: {  	[tilespmem:s30], [sflag:$0x10] =	stream.indirect.gather @!p6 [hbm4b:s0+s1], $0x80, s10, s1, $0xb8;
	[tilespmem:$0x1E180] =	vst v63  }
0x1a7: {  	s10 =	simm.s32 @!p1 $0xD  }
0x1a8: {  	_ =	swait.ge @!p1 [sflag:s10], $0x2000  }
0x1a9: {  	[sflag:s10] =	ssyncset.done @!p1 $0x0  }
0x1aa: {  	[sflag:s10] =	ssyncadd.s32 @!p1 $0xFFFFE000  }
0x1ab: {  	[spmem:s4] =	stream.indirect.scatter.add.f32 @!p1 [tilespmem:s29], [sflag:$0x12], $0x80, s17, s7, $0xb8;
	[tilespmem:$0x1E180] =	vst v63  }
0x1ac: {  	s7 =	simm.s32 @!p3 $0x11  }
0x1ad: {  	s17 =	sadd.s32 $0xFFFFFFF4, s8;
	_ =	swait.ge @!p3 [sflag:s7], $0x2000  }
0x1ae: {  	p1 =	sge.u32 s17, s6;
	[sflag:s7] =	ssyncset.done @!p3 $0x0  }
0x1af: {  	[sflag:s7] =	ssyncadd.s32 @!p3 $0xFFFFE000;
	s7 =	sadd.s32 @!p1 s11, s19  }
0x1b0: {  	s10 =	simm.s32 @!p1 $0x0;
	s17 =	simm.s32 @!p1 $0x180;
	s7 =	sadd.s32 @!p1 $0x1500, s7  }
0x1b1: {  	[tilespmem:s17], [sflag:$0x4] =	stream.linear.gather @!p1 [hbm4b:s7+s10], $0x40, $0x38;
	[tilespmem:$0x1E180] =	vst v63  }
0x1b2: {  	s7 =	sadd.s32 @!p1 s11, s20  }
0x1b3: {  	s23 =	simm.s32 @!p1 $0x380;
	s7 =	sadd.s32 @!p1 $0x1500, s7  }
0x1b4: {  	[tilespmem:s23], [sflag:$0x8] =	stream.linear.gather @!p1 [hbm4b:s7+s10], $0x40, $0x38;
	[tilespmem:$0x1E180] =	vst v63  }
0x1b5: {  	s7 =	simm.s32 @!p0 $0x3  }
0x1b6: {  	_ =	swait.ge @!p0 [sflag:s7], $0x40  }
0x1b7: {  	[sflag:s7] =	ssyncset.done @!p0 $0x0  }
0x1b8: {  	[sflag:s7] =	ssyncadd.s32 @!p0 $0xFFFFFFC0;
	s7 =	simm.s32 @!p0 $0x7  }
0x1b9: {  	_ =	swait.ge @!p0 [sflag:s7], $0x40  }
0x1ba: {  	s16 =	simm.s32 @!p3 $0xE;
	[sflag:s7] =	ssyncset.done @!p0 $0x0  }
0x1bb: {  	s10 =	simm.s32 @!p0 $0x580;
	[sflag:s7] =	ssyncadd.s32 @!p0 $0xFFFFFFC0;
	s7 =	simm.s32 @!p0 $0x40  }
0x1bc: {  	[tilespmem:s10], [sflag:$0xC] =	stream.indirect.gather @!p0 [hbm4b:s0+s7], $0x80, s22, s7, $0xb8;
	[tilespmem:$0x1E180] =	vst v63  }
0x1bd: {  	_ =	swait.ge @!p3 [sflag:s16], $0x2000  }
0x1be: {  	[sflag:s16] =	ssyncset.done @!p3 $0x0  }
0x1bf: {  	[sflag:s16] =	ssyncadd.s32 @!p3 $0xFFFFE000  }
0x1c0: {  	[spmem:s4] =	stream.indirect.scatter.add.f32 @!p3 [tilespmem:s9], [sflag:$0x13], $0x80, s21, s14, $0xb8;
	[tilespmem:$0x1E180] =	vst v63  }
0x1c1: {  	s9 =	simm.s32 @!p5 $0x12  }
0x1c2: {  	s22 =	sadd.s32 $0xFFFFFFF5, s8;
	_ =	swait.ge @!p5 [sflag:s9], $0x2000  }
0x1c3: {  	p2 =	sge.u32 s22, s6;
	[sflag:s9] =	ssyncset.done @!p5 $0x0  }
0x1c4: {  	[sflag:s9] =	ssyncadd.s32 @!p5 $0xFFFFE000;
	s9 =	sadd.s32 @!p2 s11, s19  }
0x1c5: {  	s14 =	simm.s32 @!p2 $0x0;
	s21 =	simm.s32 @!p2 $0x200;
	s9 =	sadd.s32 @!p2 $0x1600, s9  }
0x1c6: {  	[tilespmem:s21], [sflag:$0x5] =	stream.linear.gather @!p2 [hbm4b:s9+s14], $0x40, $0x38;
	[tilespmem:$0x1E180] =	vst v63  }
0x1c7: {  	s9 =	sadd.s32 @!p2 s11, s20  }
0x1c8: {  	s22 =	simm.s32 @!p2 $0x400;
	s9 =	sadd.s32 @!p2 $0x1600, s9  }
0x1c9: {  	[tilespmem:s22], [sflag:$0x9] =	stream.linear.gather @!p2 [hbm4b:s9+s14], $0x40, $0x38;
	[tilespmem:$0x1E180] =	vst v63  }
0x1ca: {  	s9 =	simm.s32 @!p1 $0x4  }
0x1cb: {  	_ =	swait.ge @!p1 [sflag:s9], $0x40  }
0x1cc: {  	[sflag:s9] =	ssyncset.done @!p1 $0x0  }
0x1cd: {  	[sflag:s9] =	ssyncadd.s32 @!p1 $0xFFFFFFC0;
	s9 =	simm.s32 @!p1 $0x8  }
0x1ce: {  	_ =	swait.ge @!p1 [sflag:s9], $0x40  }
0x1cf: {  	s16 =	simm.s32 @!p1 $0x2580;
	[sflag:s9] =	ssyncset.done @!p1 $0x0  }
0x1d0: {  	s14 =	simm.s32 @!p5 $0xF;
	[sflag:s9] =	ssyncadd.s32 @!p1 $0xFFFFFFC0;
	s9 =	simm.s32 @!p1 $0x40  }
0x1d1: {  	[tilespmem:s16], [sflag:$0xD] =	stream.indirect.gather @!p1 [hbm4b:s0+s9], $0x80, s23, s9, $0xb8;
	[tilespmem:$0x1E180] =	vst v63  }
0x1d2: {  	_ =	swait.ge @!p5 [sflag:s14], $0x2000  }
0x1d3: {  	[sflag:s14] =	ssyncset.done @!p5 $0x0  }
0x1d4: {  	[sflag:s14] =	ssyncadd.s32 @!p5 $0xFFFFE000  }
0x1d5: {  	[spmem:s4] =	stream.indirect.scatter.add.f32 @!p5 [tilespmem:s18], [sflag:$0x14], $0x80, s12, s15, $0xb8;
	[tilespmem:$0x1E180] =	vst v63  }
0x1d6: {  	s12 =	simm.s32 @!p6 $0x13  }
0x1d7: {  	s23 =	sadd.s32 $0xFFFFFFF6, s8;
	_ =	swait.ge @!p6 [sflag:s12], $0x2000  }
0x1d8: {  	p3 =	sge.u32 s23, s6;
	[sflag:s12] =	ssyncset.done @!p6 $0x0  }
0x1d9: {  	[sflag:s12] =	ssyncadd.s32 @!p6 $0xFFFFE000;
	s12 =	sadd.s32 @!p3 s11, s19  }
0x1da: {  	s23 =	simm.s32 @!p3 $0x280;
	s14 =	simm.s32 @!p3 $0x0;
	s12 =	sadd.s32 @!p3 $0x1700, s12  }
0x1db: {  	[tilespmem:s23], [sflag:$0x6] =	stream.linear.gather @!p3 [hbm4b:s12+s14], $0x40, $0x38;
	[tilespmem:$0x1E180] =	vst v63  }
0x1dc: {  	s12 =	sadd.s32 @!p3 s11, s20  }
0x1dd: {  	s15 =	simm.s32 @!p3 $0x480;
	s12 =	sadd.s32 @!p3 $0x1700, s12  }
0x1de: {  	[tilespmem:s15], [sflag:$0xA] =	stream.linear.gather @!p3 [hbm4b:s12+s14], $0x40, $0x38;
	[tilespmem:$0x1E180] =	vst v63  }
0x1df: {  	s12 =	simm.s32 @!p2 $0x5  }
0x1e0: {  	_ =	swait.ge @!p2 [sflag:s12], $0x40  }
0x1e1: {  	[sflag:s12] =	ssyncset.done @!p2 $0x0  }
0x1e2: {  	[sflag:s12] =	ssyncadd.s32 @!p2 $0xFFFFFFC0;
	s12 =	simm.s32 @!p2 $0x9  }
0x1e3: {  	_ =	swait.ge @!p2 [sflag:s12], $0x40  }
0x1e4: {  	s29 =	simm.s32 @!p2 $0x4580;
	[sflag:s12] =	ssyncset.done @!p2 $0x0  }
0x1e5: {  	s18 =	simm.s32 @!p2 $0x40;
	[sflag:s12] =	ssyncadd.s32 @!p2 $0xFFFFFFC0;
	s12 =	simm.s32 @!p6 $0x10  }
0x1e6: {  	[tilespmem:s29], [sflag:$0xE] =	stream.indirect.gather @!p2 [hbm4b:s0+s18], $0x80, s22, s18, $0xb8;
	[tilespmem:$0x1E180] =	vst v63  }
0x1e7: {  	_ =	swait.ge @!p6 [sflag:s12], $0x2000  }
0x1e8: {  	[sflag:s12] =	ssyncset.done @!p6 $0x0  }
0x1e9: {  	[sflag:s12] =	ssyncadd.s32 @!p6 $0xFFFFE000  }
0x1ea: {  	[spmem:s4] =	stream.indirect.scatter.add.f32 @!p6 [tilespmem:s30], [sflag:$0x15], $0x80, s13, s1, $0xb8;
	[tilespmem:$0x1E180] =	vst v63  }
0x1eb: {  	s14 =	sadd.s32 $0xFFFFFFF7, s8;
	s1 =	simm.s32 @!p0 $0x14  }
0x1ec: {  	p5 =	sge.u32 s14, s6;
	_ =	swait.ge @!p0 [sflag:s1], $0x2000  }
0x1ed: {  	s12 =	sadd.s32 @!p5 s11, s19;
	[sflag:s1] =	ssyncset.done @!p0 $0x0  }
0x1ee: {  	[sflag:s1] =	ssyncadd.s32 @!p0 $0xFFFFE000;
	s1 =	sadd.s32 @!p5 $0x1800, s12;
	s12 =	simm.s32 @!p5 $0x0  }
0x1ef: {  	[tilespmem:s12], [sflag:$0x1] =	stream.linear.gather @!p5 [hbm4b:s1+s12], $0x40, $0x38;
	[tilespmem:$0x1E180] =	vst v63  }
0x1f0: {  	s1 =	sadd.s32 @!p5 s11, s20  }
0x1f1: {  	s22 =	simm.s32 @!p5 $0x500;
	s1 =	sadd.s32 @!p5 $0x1800, s1  }
0x1f2: {  	[tilespmem:s22], [sflag:$0xB] =	stream.linear.gather @!p5 [hbm4b:s1+s12], $0x40, $0x38;
	[tilespmem:$0x1E180] =	vst v63  }
0x1f3: {  	s1 =	simm.s32 @!p3 $0x6  }
0x1f4: {  	_ =	swait.ge @!p3 [sflag:s1], $0x40  }
0x1f5: {  	[sflag:s1] =	ssyncset.done @!p3 $0x0  }
0x1f6: {  	[sflag:s1] =	ssyncadd.s32 @!p3 $0xFFFFFFC0;
	s1 =	simm.s32 @!p3 $0xA  }
0x1f7: {  	_ =	swait.ge @!p3 [sflag:s1], $0x40  }
0x1f8: {  	s30 =	simm.s32 @!p3 $0x6580;
	[sflag:s1] =	ssyncset.done @!p3 $0x0  }
0x1f9: {  	s13 =	simm.s32 @!p0 $0xC;
	[sflag:s1] =	ssyncadd.s32 @!p3 $0xFFFFFFC0;
	s1 =	simm.s32 @!p3 $0x40  }
0x1fa: {  	[tilespmem:s30], [sflag:$0xF] =	stream.indirect.gather @!p3 [hbm4b:s0+s1], $0x80, s15, s1, $0xb8;
	[tilespmem:$0x1E180] =	vst v63  }
0x1fb: {  	_ =	swait.ge @!p0 [sflag:s13], $0x2000  }
0x1fc: {  	[sflag:s13] =	ssyncset.done @!p0 $0x0  }
0x1fd: {  	[sflag:s13] =	ssyncadd.s32 @!p0 $0xFFFFE000  }
0x1fe: {  	[spmem:s4] =	stream.indirect.scatter.add.f32 @!p0 [tilespmem:s10], [sflag:$0x11], $0x80, s2, s7, $0xb8;
	[tilespmem:$0x1E180] =	vst v63  }
0x1ff: {  	s2 =	simm.s32 @!p1 $0x15  }
0x200: {  	s15 =	sadd.s32 $0xFFFFFFF8, s8;
	_ =	swait.ge @!p1 [sflag:s2], $0x2000  }
0x201: {  	p6 =	sge.u32 s15, s6;
	[sflag:s2] =	ssyncset.done @!p1 $0x0  }
0x202: {  	[sflag:s2] =	ssyncadd.s32 @!p1 $0xFFFFE000;
	s2 =	sadd.s32 @!p6 s11, s19  }
0x203: {  	s13 =	simm.s32 @!p6 $0x80;
	s7 =	simm.s32 @!p6 $0x0;
	s2 =	sadd.s32 @!p6 $0x1900, s2  }
0x204: {  	[tilespmem:s13], [sflag:$0x2] =	stream.linear.gather @!p6 [hbm4b:s2+s7], $0x40, $0x38;
	[tilespmem:$0x1E180] =	vst v63  }
0x205: {  	s2 =	sadd.s32 @!p6 s11, s20  }
0x206: {  	s10 =	simm.s32 @!p6 $0x300;
	s2 =	sadd.s32 @!p6 $0x1900, s2  }
0x207: {  	[tilespmem:s10], [sflag:$0x7] =	stream.linear.gather @!p6 [hbm4b:s2+s7], $0x40, $0x38;
	[tilespmem:$0x1E180] =	vst v63  }
0x208: {  	s2 =	simm.s32 @!p5 $0x1  }
0x209: {  	_ =	swait.ge @!p5 [sflag:s2], $0x40  }
0x20a: {  	[sflag:s2] =	ssyncset.done @!p5 $0x0  }
0x20b: {  	[sflag:s2] =	ssyncadd.s32 @!p5 $0xFFFFFFC0;
	s2 =	simm.s32 @!p5 $0xB  }
0x20c: {  	_ =	swait.ge @!p5 [sflag:s2], $0x40  }
0x20d: {  	s14 =	simm.s32 @!p5 $0x40;
	[sflag:s2] =	ssyncset.done @!p5 $0x0  }
0x20e: {  	s7 =	simm.s32 @!p5 $0x8580;
	[sflag:s2] =	ssyncadd.s32 @!p5 $0xFFFFFFC0;
	s2 =	simm.s32 @!p1 $0xD  }
0x20f: {  	[tilespmem:s7], [sflag:$0x10] =	stream.indirect.gather @!p5 [hbm4b:s0+s14], $0x80, s22, s14, $0xb8;
	[tilespmem:$0x1E180] =	vst v63  }
0x210: {  	_ =	swait.ge @!p1 [sflag:s2], $0x2000  }
0x211: {  	[sflag:s2] =	ssyncset.done @!p1 $0x0  }
0x212: {  	[sflag:s2] =	ssyncadd.s32 @!p1 $0xFFFFE000;
	s2 =	simm.s32 @!p2 $0x11  }
0x213: {  	[spmem:s4] =	stream.indirect.scatter.add.f32 @!p1 [tilespmem:s16], [sflag:$0x12], $0x80, s17, s9, $0xb8;
	[tilespmem:$0x1E180] =	vst v63  }
0x214: {  	s17 =	sadd.s32 $0xFFFFFFF9, s8;
	_ =	swait.ge @!p2 [sflag:s2], $0x2000  }
0x215: {  	p0 =	sge.u32 s17, s6;
	[sflag:s2] =	ssyncset.done @!p2 $0x0  }
0x216: {  	[sflag:s2] =	ssyncadd.s32 @!p2 $0xFFFFE000;
	s2 =	sadd.s32 @!p0 s11, s19  }
0x217: {  	s15 =	simm.s32 @!p0 $0x0;
	s9 =	sadd.s32 @!p0 $0x1A00, s2;
	s2 =	simm.s32 @!p0 $0x100  }
0x218: {  	[tilespmem:s2], [sflag:$0x3] =	stream.linear.gather @!p0 [hbm4b:s9+s15], $0x40, $0x38;
	[tilespmem:$0x1E180] =	vst v63  }
0x219: {  	s9 =	sadd.s32 @!p0 s11, s20  }
0x21a: {  	s16 =	simm.s32 @!p0 $0x380;
	s9 =	sadd.s32 @!p0 $0x1A00, s9  }
0x21b: {  	[tilespmem:s16], [sflag:$0x8] =	stream.linear.gather @!p0 [hbm4b:s9+s15], $0x40, $0x38;
	[tilespmem:$0x1E180] =	vst v63  }
0x21c: {  	s9 =	simm.s32 @!p6 $0x2  }
0x21d: {  	_ =	swait.ge @!p6 [sflag:s9], $0x40  }
0x21e: {  	[sflag:s9] =	ssyncset.done @!p6 $0x0  }
0x21f: {  	[sflag:s9] =	ssyncadd.s32 @!p6 $0xFFFFFFC0;
	s9 =	simm.s32 @!p6 $0x7  }
0x220: {  	_ =	swait.ge @!p6 [sflag:s9], $0x40  }
0x221: {  	[sflag:s9] =	ssyncset.done @!p6 $0x0  }
0x222: {  	s15 =	simm.s32 @!p6 $0x40;
	[sflag:s9] =	ssyncadd.s32 @!p6 $0xFFFFFFC0;
	s9 =	simm.s32 @!p6 $0x580  }
0x223: {  	[tilespmem:s9], [sflag:$0xC] =	stream.indirect.gather @!p6 [hbm4b:s0+s15], $0x80, s10, s15, $0xb8;
	[tilespmem:$0x1E180] =	vst v63  }
0x224: {  	s10 =	simm.s32 @!p2 $0xE  }
0x225: {  	_ =	swait.ge @!p2 [sflag:s10], $0x2000  }
0x226: {  	[sflag:s10] =	ssyncset.done @!p2 $0x0  }
0x227: {  	[sflag:s10] =	ssyncadd.s32 @!p2 $0xFFFFE000;
	s10 =	simm.s32 @!p3 $0x12  }
0x228: {  	[spmem:s4] =	stream.indirect.scatter.add.f32 @!p2 [tilespmem:s29], [sflag:$0x13], $0x80, s21, s18, $0xb8;
	[tilespmem:$0x1E180] =	vst v63  }
0x229: {  	s22 =	sadd.s32 $0xFFFFFFFA, s8;
	_ =	swait.ge @!p3 [sflag:s10], $0x2000  }
0x22a: {  	p1 =	sge.u32 s22, s6;
	[sflag:s10] =	ssyncset.done @!p3 $0x0  }
0x22b: {  	[sflag:s10] =	ssyncadd.s32 @!p3 $0xFFFFE000;
	s10 =	sadd.s32 @!p1 s11, s19  }
0x22c: {  	s17 =	simm.s32 @!p1 $0x180;
	s18 =	simm.s32 @!p1 $0x0;
	s10 =	sadd.s32 @!p1 $0x1B00, s10  }
0x22d: {  	[tilespmem:s17], [sflag:$0x4] =	stream.linear.gather @!p1 [hbm4b:s10+s18], $0x40, $0x38;
	[tilespmem:$0x1E180] =	vst v63  }
0x22e: {  	s10 =	sadd.s32 @!p1 s11, s20  }
0x22f: {  	s22 =	simm.s32 @!p1 $0x400;
	s10 =	sadd.s32 @!p1 $0x1B00, s10  }
0x230: {  	[tilespmem:s22], [sflag:$0x9] =	stream.linear.gather @!p1 [hbm4b:s10+s18], $0x40, $0x38;
	[tilespmem:$0x1E180] =	vst v63  }
0x231: {  	s10 =	simm.s32 @!p0 $0x3  }
0x232: {  	_ =	swait.ge @!p0 [sflag:s10], $0x40  }
0x233: {  	[sflag:s10] =	ssyncset.done @!p0 $0x0  }
0x234: {  	[sflag:s10] =	ssyncadd.s32 @!p0 $0xFFFFFFC0;
	s10 =	simm.s32 @!p0 $0x8  }
0x235: {  	_ =	swait.ge @!p0 [sflag:s10], $0x40  }
0x236: {  	[sflag:s10] =	ssyncset.done @!p0 $0x0  }
0x237: {  	s18 =	simm.s32 @!p0 $0x40;
	[sflag:s10] =	ssyncadd.s32 @!p0 $0xFFFFFFC0;
	s10 =	simm.s32 @!p0 $0x2580  }
0x238: {  	[tilespmem:s10], [sflag:$0xD] =	stream.indirect.gather @!p0 [hbm4b:s0+s18], $0x80, s16, s18, $0xb8;
	[tilespmem:$0x1E180] =	vst v63  }
0x239: {  	s16 =	simm.s32 @!p3 $0xF  }
0x23a: {  	_ =	swait.ge @!p3 [sflag:s16], $0x2000  }
0x23b: {  	[sflag:s16] =	ssyncset.done @!p3 $0x0  }
0x23c: {  	[sflag:s16] =	ssyncadd.s32 @!p3 $0xFFFFE000  }
0x23d: {  	[spmem:s4] =	stream.indirect.scatter.add.f32 @!p3 [tilespmem:s30], [sflag:$0x14], $0x80, s23, s1, $0xb8;
	[tilespmem:$0x1E180] =	vst v63  }
0x23e: {  	s1 =	simm.s32 @!p5 $0x13  }
0x23f: {  	s23 =	sadd.s32 $0xFFFFFFFB, s8;
	_ =	swait.ge @!p5 [sflag:s1], $0x2000  }
0x240: {  	p2 =	sge.u32 s23, s6;
	[sflag:s1] =	ssyncset.done @!p5 $0x0  }
0x241: {  	[sflag:s1] =	ssyncadd.s32 @!p5 $0xFFFFE000;
	s1 =	sadd.s32 @!p2 s11, s19  }
0x242: {  	s16 =	simm.s32 @!p2 $0x0;
	s21 =	simm.s32 @!p2 $0x200;
	s1 =	sadd.s32 @!p2 $0x1C00, s1  }
0x243: {  	[tilespmem:s21], [sflag:$0x5] =	stream.linear.gather @!p2 [hbm4b:s1+s16], $0x40, $0x38;
	[tilespmem:$0x1E180] =	vst v63  }
0x244: {  	s1 =	sadd.s32 @!p2 s11, s20  }
0x245: {  	s23 =	simm.s32 @!p2 $0x480;
	s1 =	sadd.s32 @!p2 $0x1C00, s1  }
0x246: {  	[tilespmem:s23], [sflag:$0xA] =	stream.linear.gather @!p2 [hbm4b:s1+s16], $0x40, $0x38;
	[tilespmem:$0x1E180] =	vst v63  }
0x247: {  	s1 =	simm.s32 @!p1 $0x4  }
0x248: {  	_ =	swait.ge @!p1 [sflag:s1], $0x40  }
0x249: {  	[sflag:s1] =	ssyncset.done @!p1 $0x0  }
0x24a: {  	[sflag:s1] =	ssyncadd.s32 @!p1 $0xFFFFFFC0;
	s1 =	simm.s32 @!p1 $0x9  }
0x24b: {  	_ =	swait.ge @!p1 [sflag:s1], $0x40  }
0x24c: {  	[sflag:s1] =	ssyncset.done @!p1 $0x0  }
0x24d: {  	s16 =	simm.s32 @!p1 $0x4580;
	[sflag:s1] =	ssyncadd.s32 @!p1 $0xFFFFFFC0;
	s1 =	simm.s32 @!p1 $0x40  }
0x24e: {  	[tilespmem:s16], [sflag:$0xE] =	stream.indirect.gather @!p1 [hbm4b:s0+s1], $0x80, s22, s1, $0xb8;
	[tilespmem:$0x1E180] =	vst v63  }
0x24f: {  	s22 =	simm.s32 @!p5 $0x10  }
0x250: {  	_ =	swait.ge @!p5 [sflag:s22], $0x2000  }
0x251: {  	[sflag:s22] =	ssyncset.done @!p5 $0x0  }
0x252: {  	[sflag:s22] =	ssyncadd.s32 @!p5 $0xFFFFE000  }
0x253: {  	[spmem:s4] =	stream.indirect.scatter.add.f32 @!p5 [tilespmem:s7], [sflag:$0x15], $0x80, s12, s14, $0xb8;
	[tilespmem:$0x1E180] =	vst v63  }
0x254: {  	s7 =	simm.s32 @!p6 $0x14  }
0x255: {  	s14 =	sadd.s32 $0xFFFFFFFC, s8;
	_ =	swait.ge @!p6 [sflag:s7], $0x2000  }
0x256: {  	p3 =	sge.u32 s14, s6;
	[sflag:s7] =	ssyncset.done @!p6 $0x0  }
0x257: {  	[sflag:s7] =	ssyncadd.s32 @!p6 $0xFFFFE000;
	s7 =	sadd.s32 @!p3 s11, s19  }
0x258: {  	s14 =	simm.s32 @!p3 $0x0;
	s12 =	simm.s32 @!p3 $0x280;
	s7 =	sadd.s32 @!p3 $0x1D00, s7  }
0x259: {  	[tilespmem:s12], [sflag:$0x6] =	stream.linear.gather @!p3 [hbm4b:s7+s14], $0x40, $0x38;
	[tilespmem:$0x1E180] =	vst v63  }
0x25a: {  	s7 =	sadd.s32 @!p3 s11, s20  }
0x25b: {  	s22 =	simm.s32 @!p3 $0x500;
	s7 =	sadd.s32 @!p3 $0x1D00, s7  }
0x25c: {  	[tilespmem:s22], [sflag:$0xB] =	stream.linear.gather @!p3 [hbm4b:s7+s14], $0x40, $0x38;
	[tilespmem:$0x1E180] =	vst v63  }
0x25d: {  	s7 =	simm.s32 @!p2 $0x5  }
0x25e: {  	_ =	swait.ge @!p2 [sflag:s7], $0x40  }
0x25f: {  	[sflag:s7] =	ssyncset.done @!p2 $0x0  }
0x260: {  	[sflag:s7] =	ssyncadd.s32 @!p2 $0xFFFFFFC0;
	s7 =	simm.s32 @!p2 $0xA  }
0x261: {  	_ =	swait.ge @!p2 [sflag:s7], $0x40  }
0x262: {  	[sflag:s7] =	ssyncset.done @!p2 $0x0  }
0x263: {  	s14 =	simm.s32 @!p2 $0x6580;
	[sflag:s7] =	ssyncadd.s32 @!p2 $0xFFFFFFC0;
	s7 =	simm.s32 @!p2 $0x40  }
0x264: {  	[tilespmem:s14], [sflag:$0xF] =	stream.indirect.gather @!p2 [hbm4b:s0+s7], $0x80, s23, s7, $0xb8;
	[tilespmem:$0x1E180] =	vst v63  }
0x265: {  	s23 =	simm.s32 @!p6 $0xC  }
0x266: {  	_ =	swait.ge @!p6 [sflag:s23], $0x2000  }
0x267: {  	[sflag:s23] =	ssyncset.done @!p6 $0x0  }
0x268: {  	[sflag:s23] =	ssyncadd.s32 @!p6 $0xFFFFE000  }
0x269: {  	[spmem:s4] =	stream.indirect.scatter.add.f32 @!p6 [tilespmem:s9], [sflag:$0x11], $0x80, s13, s15, $0xb8;
	[tilespmem:$0x1E180] =	vst v63  }
0x26a: {  	s9 =	simm.s32 @!p0 $0x15;
	s15 =	sadd.s32 $0xFFFFFFFD, s8  }
0x26b: {  	_ =	swait.ge @!p0 [sflag:s9], $0x2000;
	p5 =	sge.u32 s15, s6  }
0x26c: {  	[sflag:s9] =	ssyncset.done @!p0 $0x0;
	s13 =	sadd.s32 @!p5 s11, s19  }
0x26d: {  	[sflag:s9] =	ssyncadd.s32 @!p0 $0xFFFFE000;
	s9 =	sadd.s32 @!p5 $0x1E00, s13;
	s13 =	simm.s32 @!p5 $0x0  }
0x26e: {  	[tilespmem:s13], [sflag:$0x1] =	stream.linear.gather @!p5 [hbm4b:s9+s13], $0x40, $0x38;
	[tilespmem:$0x1E180] =	vst v63  }
0x26f: {  	s9 =	sadd.s32 @!p5 s11, s20  }
0x270: {  	s15 =	simm.s32 @!p5 $0x300;
	s9 =	sadd.s32 @!p5 $0x1E00, s9  }
0x271: {  	[tilespmem:s15], [sflag:$0x7] =	stream.linear.gather @!p5 [hbm4b:s9+s13], $0x40, $0x38;
	[tilespmem:$0x1E180] =	vst v63  }
0x272: {  	s9 =	simm.s32 @!p3 $0x6  }
0x273: {  	_ =	swait.ge @!p3 [sflag:s9], $0x40  }
0x274: {  	[sflag:s9] =	ssyncset.done @!p3 $0x0  }
0x275: {  	[sflag:s9] =	ssyncadd.s32 @!p3 $0xFFFFFFC0;
	s9 =	simm.s32 @!p3 $0xB  }
0x276: {  	_ =	swait.ge @!p3 [sflag:s9], $0x40  }
0x277: {  	[sflag:s9] =	ssyncset.done @!p3 $0x0  }
0x278: {  	s13 =	simm.s32 @!p3 $0x8580;
	[sflag:s9] =	ssyncadd.s32 @!p3 $0xFFFFFFC0;
	s9 =	simm.s32 @!p3 $0x40  }
0x279: {  	[tilespmem:s13], [sflag:$0x10] =	stream.indirect.gather @!p3 [hbm4b:s0+s9], $0x80, s22, s9, $0xb8;
	[tilespmem:$0x1E180] =	vst v63  }
0x27a: {  	s22 =	simm.s32 @!p0 $0xD  }
0x27b: {  	_ =	swait.ge @!p0 [sflag:s22], $0x2000  }
0x27c: {  	[sflag:s22] =	ssyncset.done @!p0 $0x0  }
0x27d: {  	[sflag:s22] =	ssyncadd.s32 @!p0 $0xFFFFE000  }
0x27e: {  	[spmem:s4] =	stream.indirect.scatter.add.f32 @!p0 [tilespmem:s10], [sflag:$0x12], $0x80, s2, s18, $0xb8;
	[tilespmem:$0x1E180] =	vst v63  }
0x27f: {  	s2 =	simm.s32 @!p1 $0x11  }
0x280: {  	s18 =	sadd.s32 $0xFFFFFFFE, s8;
	_ =	swait.ge @!p1 [sflag:s2], $0x2000  }
0x281: {  	p0 =	sge.u32 s18, s6;
	[sflag:s2] =	ssyncset.done @!p1 $0x0  }
0x282: {  	[sflag:s2] =	ssyncadd.s32 @!p1 $0xFFFFE000;
	s2 =	sadd.s32 @!p0 s11, s19  }
0x283: {  	s10 =	simm.s32 @!p0 $0x0;
	s18 =	simm.s32 @!p0 $0x80;
	s2 =	sadd.s32 @!p0 $0x1F00, s2  }
0x284: {  	[tilespmem:s18], [sflag:$0x2] =	stream.linear.gather @!p0 [hbm4b:s2+s10], $0x40, $0x38;
	[tilespmem:$0x1E180] =	vst v63  }
0x285: {  	s2 =	sadd.s32 @!p0 s11, s20  }
0x286: {  	s18 =	simm.s32 @!p0 $0x380;
	s2 =	sadd.s32 @!p0 $0x1F00, s2  }
0x287: {  	[tilespmem:s18], [sflag:$0x8] =	stream.linear.gather @!p0 [hbm4b:s2+s10], $0x40, $0x38;
	[tilespmem:$0x1E180] =	vst v63  }
0x288: {  	s2 =	simm.s32 @!p5 $0x1  }
0x289: {  	_ =	swait.ge @!p5 [sflag:s2], $0x40  }
0x28a: {  	[sflag:s2] =	ssyncset.done @!p5 $0x0  }
0x28b: {  	[sflag:s2] =	ssyncadd.s32 @!p5 $0xFFFFFFC0;
	s2 =	simm.s32 @!p5 $0x7  }
0x28c: {  	_ =	swait.ge @!p5 [sflag:s2], $0x40  }
0x28d: {  	[sflag:s2] =	ssyncset.done @!p5 $0x0  }
0x28e: {  	s10 =	simm.s32 @!p5 $0x580;
	[sflag:s2] =	ssyncadd.s32 @!p5 $0xFFFFFFC0;
	s2 =	simm.s32 @!p5 $0x40  }
0x28f: {  	[tilespmem:s10], [sflag:$0xC] =	stream.indirect.gather @!p5 [hbm4b:s0+s2], $0x80, s15, s2, $0xb8;
	[tilespmem:$0x1E180] =	vst v63  }
0x290: {  	s2 =	simm.s32 @!p1 $0xE  }
0x291: {  	_ =	swait.ge @!p1 [sflag:s2], $0x2000  }
0x292: {  	[sflag:s2] =	ssyncset.done @!p1 $0x0  }
0x293: {  	[sflag:s2] =	ssyncadd.s32 @!p1 $0xFFFFE000  }
0x294: {  	[spmem:s4] =	stream.indirect.scatter.add.f32 @!p1 [tilespmem:s16], [sflag:$0x13], $0x80, s17, s1, $0xb8;
	[tilespmem:$0x1E180] =	vst v63  }
0x295: {  	s1 =	simm.s32 @!p2 $0x12  }
0x296: {  	s10 =	sadd.s32 $0xFFFFFFFF, s8;
	_ =	swait.ge @!p2 [sflag:s1], $0x2000  }
0x297: {  	p1 =	sge.u32 s10, s6;
	[sflag:s1] =	ssyncset.done @!p2 $0x0  }
0x298: {  	[sflag:s1] =	ssyncadd.s32 @!p2 $0xFFFFE000;
	s1 =	sadd.s32 @!p1 s11, s19  }
0x299: {  	s2 =	simm.s32 @!p1 $0x0;
	s10 =	simm.s32 @!p1 $0x100;
	s1 =	sadd.s32 @!p1 $0x2000, s1  }
0x29a: {  	[tilespmem:s10], [sflag:$0x3] =	stream.linear.gather @!p1 [hbm4b:s1+s2], $0x40, $0x38;
	[tilespmem:$0x1E180] =	vst v63  }
0x29b: {  	s1 =	sadd.s32 @!p1 s11, s20  }
0x29c: {  	s10 =	simm.s32 @!p1 $0x400;
	s1 =	sadd.s32 @!p1 $0x2000, s1  }
0x29d: {  	[tilespmem:s10], [sflag:$0x9] =	stream.linear.gather @!p1 [hbm4b:s1+s2], $0x40, $0x38;
	[tilespmem:$0x1E180] =	vst v63  }
0x29e: {  	s1 =	simm.s32 @!p0 $0x2  }
0x29f: {  	_ =	swait.ge @!p0 [sflag:s1], $0x40  }
0x2a0: {  	[sflag:s1] =	ssyncset.done @!p0 $0x0  }
0x2a1: {  	[sflag:s1] =	ssyncadd.s32 @!p0 $0xFFFFFFC0;
	s1 =	simm.s32 @!p0 $0x8  }
0x2a2: {  	_ =	swait.ge @!p0 [sflag:s1], $0x40  }
0x2a3: {  	[sflag:s1] =	ssyncset.done @!p0 $0x0  }
0x2a4: {  	s2 =	simm.s32 @!p0 $0x2580;
	[sflag:s1] =	ssyncadd.s32 @!p0 $0xFFFFFFC0;
	s1 =	simm.s32 @!p0 $0x40  }
0x2a5: {  	[tilespmem:s2], [sflag:$0xD] =	stream.indirect.gather @!p0 [hbm4b:s0+s1], $0x80, s18, s1, $0xb8;
	[tilespmem:$0x1E180] =	vst v63  }
0x2a6: {  	s1 =	simm.s32 @!p2 $0xF  }
0x2a7: {  	_ =	swait.ge @!p2 [sflag:s1], $0x2000  }
0x2a8: {  	[sflag:s1] =	ssyncset.done @!p2 $0x0  }
0x2a9: {  	[sflag:s1] =	ssyncadd.s32 @!p2 $0xFFFFE000;
	s1 =	simm.s32 @!p3 $0x13  }
0x2aa: {  	[spmem:s4] =	stream.indirect.scatter.add.f32 @!p2 [tilespmem:s14], [sflag:$0x14], $0x80, s21, s7, $0xb8;
	[tilespmem:$0x1E180] =	vst v63  }
0x2ab: {  	_ =	swait.ge @!p3 [sflag:s1], $0x2000  }
0x2ac: {  	p0 =	sge.u32 s8, s6;
	[sflag:s1] =	ssyncset.done @!p3 $0x0  }
0x2ad: {  	[sflag:s1] =	ssyncadd.s32 @!p3 $0xFFFFE000;
	s1 =	sadd.s32 @!p0 s11, s19  }
0x2ae: {  	s2 =	simm.s32 @!p0 $0x0;
	s7 =	simm.s32 @!p0 $0x180;
	s1 =	sadd.s32 @!p0 $0x2100, s1  }
0x2af: {  	[tilespmem:s7], [sflag:$0x4] =	stream.linear.gather @!p0 [hbm4b:s1+s2], $0x40, $0x38;
	[tilespmem:$0x1E180] =	vst v63  }
0x2b0: {  	s1 =	sadd.s32 @!p0 s11, s20  }
0x2b1: {  	s7 =	simm.s32 @!p0 $0x480;
	s1 =	sadd.s32 @!p0 $0x2100, s1  }
0x2b2: {  	[tilespmem:s7], [sflag:$0xA] =	stream.linear.gather @!p0 [hbm4b:s1+s2], $0x40, $0x38;
	[tilespmem:$0x1E180] =	vst v63  }
0x2b3: {  	s1 =	simm.s32 @!p1 $0x3  }
0x2b4: {  	s24 =	simm.s32 $0x6580;
	_ =	swait.ge @!p1 [sflag:s1], $0x40  }
0x2b5: {  	s29 =	simm.s32 $0x5;
	s30 =	simm.s32 $0x280;
	[sflag:s1] =	ssyncset.done @!p1 $0x0  }
0x2b6: {  	s23 =	simm.s32 $0x200;
	[sflag:s1] =	ssyncadd.s32 @!p1 $0xFFFFFFC0;
	s1 =	simm.s32 @!p1 $0x9  }
0x2b7: {  	s22 =	simm.s32 $0x580;
	s15 =	simm.s32 $0x2580;
	_ =	swait.ge @!p1 [sflag:s1], $0x40  }
0x2b8: {  	s17 =	simm.s32 $0x500;
	s11 =	sadd.s32 $0x1E00, s11;
	[sflag:s1] =	ssyncset.done @!p1 $0x0  }
0x2b9: {  	s2 =	simm.s32 @!p1 $0x4580;
	[sflag:s1] =	ssyncadd.s32 @!p1 $0xFFFFFFC0;
	s1 =	simm.s32 @!p1 $0x40  }
0x2ba: {  	[tilespmem:s2], [sflag:$0xE] =	stream.indirect.gather @!p1 [hbm4b:s0+s1], $0x80, s10, s1, $0xb8;
	[tilespmem:$0x1E180] =	vst v63  }
0x2bb: {  	s16 =	simm.s32 $0x4580;
	p0 =	sne.s32 s11, $0xB400;
	s1 =	simm.s32 @!p3 $0x10  }
.Ltmp0:
0x2bc: {  	s18 =	simm.s32 $0x4;
	_ =	swait.ge @!p3 [sflag:s1], $0x2000;
	(pc) =	sbr.rel @p0 .LBB2_2-.Ltmp0, $4  }
0x2bd: {  	s8 =	sadd.s32 $0x1E, s8;
	s21 =	simm.s32 $0xA;
	[sflag:s1] =	ssyncset.done @!p3 $0x0  }
0x2be: {  	s14 =	simm.s32 $0x480;
	s10 =	simm.s32 $0x80;
	[sflag:s1] =	ssyncadd.s32 @!p3 $0xFFFFE000  }
0x2bf: {  	[spmem:s4] =	stream.indirect.scatter.add.f32 @!p3 [tilespmem:s13], [sflag:$0x15], $0x80, s12, s9, $0xb8;
	[tilespmem:$0x1E180] =	vst v63  }
0x2c0: {  	s13 =	simm.s32 $0x180;
	s12 =	simm.s32 $0x100;
	s9 =	simm.s32 $0x300  }
0x2c1: {  	s1 =	sld [smem:$0x7FA];
	_ =	sdelay $0x2  }
0x2c2: {  	p0 =	seq.s32 s1, $0x1  }
0x2c3: {  	s1 =	simm.s32 @p0 $0x11  }
0x2c4: {  	_ =	swait.ge @p0 [sflag:s1], $0x2000  }
0x2c5: {  	s28 =	sld [smem:$0x7FB];
	_ =	sdelay $0x1  }
0x2c6: {  	[sflag:s1] =	ssyncset.done @p0 $0x0  }
0x2c7: {  	[sflag:s1] =	ssyncadd.s32 @p0 $0xFFFFE000;
	p0 =	seq.s32 s28, $0x1  }
0x2c8: {  	s1 =	simm.s32 @p0 $0x12  }
0x2c9: {  	_ =	swait.ge @p0 [sflag:s1], $0x2000  }
0x2ca: {  	s2 =	sld [smem:$0x7FC];
	_ =	sdelay $0x1  }
0x2cb: {  	[sflag:s1] =	ssyncset.done @p0 $0x0  }
0x2cc: {  	[sflag:s1] =	ssyncadd.s32 @p0 $0xFFFFE000;
	p0 =	seq.s32 s2, $0x1  }
0x2cd: {  	s1 =	simm.s32 @p0 $0x13  }
0x2ce: {  	_ =	swait.ge @p0 [sflag:s1], $0x2000  }
0x2cf: {  	s7 =	sld [smem:$0x7FD];
	_ =	sdelay $0x1  }
0x2d0: {  	[sflag:s1] =	ssyncset.done @p0 $0x0  }
0x2d1: {  	[sflag:s1] =	ssyncadd.s32 @p0 $0xFFFFE000;
	p0 =	seq.s32 s7, $0x1  }
0x2d2: {  	s1 =	simm.s32 @p0 $0x14  }
0x2d3: {  	_ =	swait.ge @p0 [sflag:s1], $0x2000  }
0x2d4: {  	[sflag:s1] =	ssyncset.done @p0 $0x0  }
0x2d5: {  	[sflag:s1] =	ssyncadd.s32 @p0 $0xFFFFE000;
	s1 =	simm.s32 @p4 $0x15  }
0x2d6: {  	_ =	swait.ge @p4 [sflag:s1], $0x2000  }
0x2d7: {  	[sflag:s1] =	ssyncset.done @p4 $0x0  }
0x2d8: {  	[sflag:s1] =	ssyncadd.s32 @p4 $0xFFFFE000  }
0x2d9: {  	[bflag:$0x0] =	sbarrier.arrive $0xFFFF  }
0x2da: {  	s11 =	rddreg [dreg:$0x10]  }
0x2db: {  	s8 =	rddreg [dreg:$0x11]  }
0x2dc: {  	s2 =	rddreg [dreg:$0x14]  }
0x2dd: {  	[hbm:s8], [sflag:s11] =	dma.local [spmem:s2], $0x2780  }
0x2de: {  	s8 =	simm.s32 $0x16  }
0x2df: {  	_ =	swait.ge [sflag:s8], $0x2780  }
0x2e0: {  	s26 =	rddreg [dreg:$0x13]  }
0x2e1: {  	s28 =	rddreg [dreg:$0x12];
	s2 =	sadd.s32 $0x1, s26  }
0x2e2: {  	p0 =	sne.s32 s2, s28  }
.Ltmp1:
0x2e3: {  	_ = 	snop;
	(pc) =	sbr.rel @p0 .LBB2_1-.Ltmp1, $3  }
0x2e4: {  	_ =	sdelay $0x1  }
0x2e5: {  	[sflag:s8] =	ssyncset.done $0x0  }
0x2e6: {  	[sflag:s8] =	ssyncadd.s32 $0xFFFFD880;
	s26 =	simm.s32 $0x7  }
0x2e7: {  	_ =	sfence.sel $0x180000  }
0x2e8: {  	[bflag:$0x0] =	sbarrier.arrive $0xFFFF  }
0x2e9: {  	_ =	strace $0x90000047  }
0x2ea: {  	s0 =	stileid.u32;
	[bflag:$0x2] =	sbarrier.arrive $0xFFFF  }
0x2eb: {  	p0 =	sne.s32 s0, $0x0;
	s0 =	rddreg [dreg:$0x6]  }
0x2ec: {  	s0 =	sadd.s32 @!p0 $0x100000, s0  }
0x2ed: {  	[sflag:s0] =	ssyncadd.tile.s32 @!p0 $0x1;
	_ =	shalt  }
.Lfunc_end2:
_tile_overlayer_lowered:
.L_overlay_start_2:
0x2ee: {  	(tag) =	ssettag $0x2  }
0x2ef: {  	s0 =	rddreg [dreg:$0x0];
	s2 =	stileid.u32  }
0x2f0: {  	s1 =	rddreg [dreg:$0x1];
	p0 =	sne.s32 s2, $0x0  }
0x2f1: {  	s3 =	rddreg [dreg:$0x2];
	[bflag:$0x3] =	sbarrier.arrive $0xFFFF;
	s2 =	simm.s32 @!p0 $0x1C16  }
0x2f2: {  	[timem:s3], [sflag:s2] =	dma.local @!p0 [hbm:s0], s1  }
0x2f3: {  	s0 =	simm.s32 @!p0 $0x16  }
0x2f4: {  	_ =	swait.ge @!p0 [sflag:s0], s1  }
0x2f5: {  	s1 =	ssub.s32 @!p0 $0x0, s1;
	[sflag:s0] =	ssyncset.done @!p0 $0x0  }
0x2f6: {  	[sflag:s0] =	ssyncadd.s32 @!p0 s1  }
0x2f7: {  	[bflag:$0x3] =	sbarrier.arrive $0xFFFF  }
0x2f8: {  	_ =	shalt  }

</sc_bundles>
